<compile_context>
chip_gen: v7x
topology: tpu7x:2x2x1
jax: 0.10.2.dev20260603
libtpu: 0.0.44.dev20260713+nightly
codegen_flags: <defaults>
</compile_context>

<pallas_src>
import jax
import jax.numpy as jnp
from jax import lax
from jax.experimental import pallas as pl
from jax.experimental.pallas import tpu as pltpu
from jax.experimental.pallas import tpu_sc as plsc

N = 10000
D = 256
H = 128
NP = 10240
RPT = NP // 16
E = 160000
EC = 128
ER = 1280
EP = ER * EC
ERT = ER // 16
RB = 1024
NB = NP // RB
NBUF = 2
ERH = 40

_mesh = plsc.VectorSubcoreMesh(core_axis_name="c", subcore_axis_name="s")


def _deg_body(dst_hbm, cnt_hbm, dst_v, ones_v, zeros_v, acc):
    c = lax.axis_index("c")
    s = lax.axis_index("s")
    for i in range(RPT // 16):
        zeros_v[pl.ds(i * 16, 16)] = jnp.zeros((16,), jnp.float32)
    for i in range(EC // 16):
        ones_v[pl.ds(i * 16, 16)] = jnp.ones((16,), jnp.float32)
    pltpu.sync_copy(zeros_v, acc.at[pl.ds(s * RPT, RPT)])
    pltpu.sync_copy(dst_hbm.at[pl.ds(s * ERT, ERT)], dst_v)
    plsc.subcore_barrier()

    def step(j, carry):
        pltpu.sync_copy(ones_v, acc.at[dst_v.at[j]], add=True)
        return carry

    lax.fori_loop(0, ERT, step, 0)
    plsc.subcore_barrier()

    @pl.when(c == 0)
    def _():
        pltpu.sync_copy(acc.at[pl.ds(s * RPT, RPT)],
                        cnt_hbm.at[pl.ds(s * RPT, RPT)])


def _sc_degree(dst2d):
    return pl.kernel(
        _deg_body,
        out_type=jax.ShapeDtypeStruct((NP,), jnp.float32),
        mesh=_mesh,
        scratch_types=[
            pltpu.VMEM((ERT, EC), jnp.int32),
            pltpu.VMEM((EC,), jnp.float32),
            pltpu.VMEM((RPT,), jnp.float32),
            pltpu.VMEM_SHARED((NP,), jnp.float32),
        ],
    )(dst2d)


def _prop_body(glo, ghi, src_hbm, dst_hbm, ulo, uhi,
               src_v, dst_v, rows0, rows1, acc, sem):
    c = lax.axis_index("c")
    s = lax.axis_index("s")
    rows = (rows0, rows1)

    def run(g_hbm, u_hbm):
        pltpu.sync_copy(g_hbm.at[pl.ds(s * RPT, RPT)],
                        acc.at[pl.ds(s * RPT, RPT)])
        plsc.subcore_barrier()

        for half in range(ERT // ERH):
            base = s * ERT + half * ERH
            pltpu.sync_copy(src_hbm.at[pl.ds(base, ERH)], src_v)
            pltpu.sync_copy(dst_hbm.at[pl.ds(base, ERH)], dst_v)

            def gather(j, b):
                return pltpu.make_async_copy(g_hbm.at[src_v.at[j]],
                                             rows[b], sem.at[b])

            for b in range(NBUF):
                gather(b, b).start()

            def step(g, carry):
                for b in range(NBUF):
                    j = g * NBUF + b
                    gather(j, b).wait()
                    pltpu.sync_copy(rows[b], acc.at[dst_v.at[j]], add=True)

                    @pl.when(j + NBUF < ERH)
                    def _():
                        gather(j + NBUF, b).start()

                return carry

            lax.fori_loop(0, ERH // NBUF, step, 0)
        plsc.subcore_barrier()
        pltpu.sync_copy(acc.at[pl.ds(s * RPT, RPT)],
                        u_hbm.at[pl.ds(s * RPT, RPT)])

    @pl.when(c == 0)
    def _():
        run(glo, ulo)

    @pl.when(c == 1)
    def _():
        run(ghi, uhi)


def _sc_prop(glo, ghi, src2d, dst2d):
    return pl.kernel(
        _prop_body,
        out_type=(jax.ShapeDtypeStruct((NP, H), jnp.float32),
                  jax.ShapeDtypeStruct((NP, H), jnp.float32)),
        mesh=_mesh,
        scratch_types=[
            pltpu.VMEM((ERH, EC), jnp.int32),
            pltpu.VMEM((ERH, EC), jnp.int32),
            pltpu.VMEM((EC, H), jnp.float32),
            pltpu.VMEM((EC, H), jnp.float32),
            pltpu.VMEM_SHARED((NP, H), jnp.float32),
            pltpu.SemaphoreType.DMA((NBUF,)),
        ],
    )(glo, ghi, src2d, dst2d)


def _tc_mm_body(x_ref, w_ref, h_ref):
    h_ref[...] = jnp.dot(x_ref[...], w_ref[...],
                         preferred_element_type=jnp.float32)


def _tc_mm(xp, W0):
    return pl.pallas_call(
        _tc_mm_body,
        grid=(NB,),
        in_specs=[
            pl.BlockSpec((RB, D), lambda i: (i, 0)),
            pl.BlockSpec((D, D), lambda i: (0, 0)),
        ],
        out_specs=pl.BlockSpec((RB, D), lambda i: (i, 0)),
        out_shape=jax.ShapeDtypeStruct((NP, D), jnp.float32),
    )(xp, W0)


def _tc_in_body(h_ref, deg_ref, glo_ref, ghi_ref):
    dis = lax.rsqrt(deg_ref[...] + 1.0)
    g = h_ref[...] * dis
    glo_ref[...] = g[:, :H]
    ghi_ref[...] = g[:, H:]


def _tc_in(h, deg2):
    return pl.pallas_call(
        _tc_in_body,
        grid=(NB,),
        in_specs=[
            pl.BlockSpec((RB, D), lambda i: (i, 0)),
            pl.BlockSpec((RB, 1), lambda i: (i, 0)),
        ],
        out_specs=(pl.BlockSpec((RB, H), lambda i: (i, 0)),
                   pl.BlockSpec((RB, H), lambda i: (i, 0))),
        out_shape=(jax.ShapeDtypeStruct((NP, H), jnp.float32),
                   jax.ShapeDtypeStruct((NP, H), jnp.float32)),
    )(h, deg2)


def _tc_mid_body(ulo_ref, uhi_ref, deg_ref, w_ref, a_ref, glo_ref, ghi_ref):
    dis = lax.rsqrt(deg_ref[...] + 1.0)
    u = jnp.concatenate([ulo_ref[...], uhi_ref[...]], axis=1)
    p = u * dis
    z = jnp.where(p >= 0, p, a_ref[...] * p)
    g = jnp.dot(z, w_ref[...], preferred_element_type=jnp.float32) * dis
    glo_ref[...] = g[:, :H]
    ghi_ref[...] = g[:, H:]


def _tc_mid(ulo, uhi, deg2, W1, a0r):
    return pl.pallas_call(
        _tc_mid_body,
        grid=(NB,),
        in_specs=[
            pl.BlockSpec((RB, H), lambda i: (i, 0)),
            pl.BlockSpec((RB, H), lambda i: (i, 0)),
            pl.BlockSpec((RB, 1), lambda i: (i, 0)),
            pl.BlockSpec((D, D), lambda i: (0, 0)),
            pl.BlockSpec((1, D), lambda i: (0, 0)),
        ],
        out_specs=(pl.BlockSpec((RB, H), lambda i: (i, 0)),
                   pl.BlockSpec((RB, H), lambda i: (i, 0))),
        out_shape=(jax.ShapeDtypeStruct((NP, H), jnp.float32),
                   jax.ShapeDtypeStruct((NP, H), jnp.float32)),
    )(ulo, uhi, deg2, W1, a0r)


def _tc_out_body(ulo_ref, uhi_ref, deg_ref, a_ref, out_ref):
    dis = lax.rsqrt(deg_ref[...] + 1.0)
    u = jnp.concatenate([ulo_ref[...], uhi_ref[...]], axis=1)
    p = u * dis
    out_ref[...] = jnp.where(p >= 0, p, a_ref[...] * p)


def _tc_out(ulo, uhi, deg2, a1r):
    return pl.pallas_call(
        _tc_out_body,
        grid=(NB,),
        in_specs=[
            pl.BlockSpec((RB, H), lambda i: (i, 0)),
            pl.BlockSpec((RB, H), lambda i: (i, 0)),
            pl.BlockSpec((RB, 1), lambda i: (i, 0)),
            pl.BlockSpec((1, D), lambda i: (0, 0)),
        ],
        out_specs=pl.BlockSpec((RB, D), lambda i: (i, 0)),
        out_shape=jax.ShapeDtypeStruct((NP, D), jnp.float32),
    )(ulo, uhi, deg2, a1r)


@jax.jit
def kernel(x, edge_index, W0, a0, W1, a1):
    xp = jnp.pad(x, ((0, NP - N), (0, 0)))
    src = jnp.pad(edge_index[0], (0, EP - E), constant_values=N)
    dst = jnp.pad(edge_index[1], (0, EP - E), constant_values=N)
    src2d = src.reshape(ER, EC)
    dst2d = dst.reshape(ER, EC)

    h0 = _tc_mm(xp, W0)
    cnt = _sc_degree(dst2d)
    deg2 = cnt.reshape(NP, 1)

    glo, ghi = _tc_in(h0, deg2)
    ulo, uhi = _sc_prop(glo, ghi, src2d, dst2d)
    vlo, vhi = _tc_mid(ulo, uhi, deg2, W1, a0.reshape(1, D))
    wlo, whi = _sc_prop(vlo, vhi, src2d, dst2d)
    return _tc_out(wlo, whi, deg2, a1.reshape(1, D))[:N]

# --- scband reference (transcript-rebuilt; emitter-appended) ---
"""Pipeline reference for scband-graph-encoder-10041633538522 (READ-ONLY COPY).

The authoritative reference and input builder live on the scoring server;
editing this copy changes nothing except your own understanding.
"""

import jax, jax.numpy as jnp
import numpy as np

N = 10000
E = 160000
D_IN = 256
HIDDEN = [256, 256]


def setup_inputs(seed: int = 0):
    key = jax.random.key(seed)
    k1, k2, k3, k4 = jax.random.split(key, 4)
    x = jax.random.normal(k1, (N, D_IN), dtype=jnp.float32)
    edge_index = jax.random.randint(k2, (2, E), 0, N, dtype=jnp.int32)
    W0 = jax.random.normal(k3, (D_IN, HIDDEN[0]), dtype=jnp.float32) * 0.05
    a0 = jnp.full((HIDDEN[0],), 0.25, dtype=jnp.float32)
    W1 = jax.random.normal(k4, (HIDDEN[0], HIDDEN[1]), dtype=jnp.float32) * 0.05
    a1 = jnp.full((HIDDEN[1],), 0.25, dtype=jnp.float32)
    return {"x": x, "edge_index": edge_index, "W0": W0, "a0": a0, "W1": W1, "a1": a1}


def gcn_conv(x, edge_index, W):
    # GCNConv (bias=False): x' = D^{-1/2} (A + I) D^{-1/2} X W
    h = x @ W
    n = x.shape[0]
    loop = jnp.arange(n, dtype=edge_index.dtype)
    src = jnp.concatenate([edge_index[0], loop])
    dst = jnp.concatenate([edge_index[1], loop])
    ones = jnp.ones(src.shape[0], dtype=h.dtype)
    deg = jnp.zeros((n,), dtype=h.dtype).at[dst].add(ones)
    deg_inv_sqrt = jnp.where(deg > 0, jax.lax.rsqrt(jnp.maximum(deg, 1e-12)), 0.0)
    norm = deg_inv_sqrt[src] * deg_inv_sqrt[dst]
    msg = h[src] * norm[:, None]
    out = jnp.zeros_like(h).at[dst].add(msg)
    return out


def prelu(x, a):
    return jnp.where(x >= 0, x, a * x)


def reference(x, edge_index, W0, a0, W1, a1):
    z = prelu(gcn_conv(x, edge_index, W0), a0)
    z = prelu(gcn_conv(z, edge_index, W1), a1)
    return z

if __name__ == "__main__":
    import jax
    _d = setup_inputs()
    print(jax.jit(kernel)(*tuple(_d.values())))

</pallas_src>

<mosaic_0001>
#map = affine_map<(d0, d1) -> (0, 0)>
#map1 = affine_map<(d0, d1) -> (0)>
module attributes {stable_mosaic.version = 14 : i64} {
  func.func @_deg_body(%arg0: i32, %arg1: i32, %arg2: memref<1280x128xi32, #tpu.memory_space<hbm>>, %arg3: memref<10240xf32, #tpu.memory_space<hbm>>, %arg4: memref<80x128xi32, #tpu.memory_space<vmem>>, %arg5: memref<128xf32, #tpu.memory_space<vmem>>, %arg6: memref<640xf32, #tpu.memory_space<vmem>>, %arg7: memref<10240xf32, #tpu.memory_space<vmem_shared>>) attributes {dimension_semantics = [#tpu.dimension_semantics<core_parallel>, #tpu.dimension_semantics<subcore_parallel>], iteration_bounds = array<i64: 2, 16>, scalar_prefetch = 0 : i64, scratch_operands = 4 : i64, tpu.core_type = #tpu.core_type<sc_vector_subcore>, window_params = [{transform_indices = #map}, {transform_indices = #map1}]} {
    %broadcast_in_dim3A = arith.constant 0.000000e+00 : f32
    %broadcast_in_dim3A_0 = vector.broadcast %broadcast_in_dim3A : f32 to vector<16xf32>
    %swap3A = arith.constant 0 : index
    %swap3A_1 = tpu.vector_load %arg6[%swap3A] {strides = array<i32>} : memref<640xf32, #tpu.memory_space<vmem>>, vector<16xf32>,
    %swap3A_2 = vector.shape_cast %swap3A_1 : vector<16xf32> to vector<16xf32>
    %swap3A_3 = vector.shape_cast %broadcast_in_dim3A_0 : vector<16xf32> to vector<16xf32>
    tpu.vector_store %arg6[%swap3A], %swap3A_3 {strides = array<i32>} : memref<640xf32, #tpu.memory_space<vmem>>, vector<16xf32>,
    %broadcast_in_dim3A_4 = arith.constant 0.000000e+00 : f32
    %broadcast_in_dim3A_5 = vector.broadcast %broadcast_in_dim3A_4 : f32 to vector<16xf32>
    %swap3A_6 = arith.constant 16 : index
    %swap3A_7 = tpu.vector_load %arg6[%swap3A_6] {strides = array<i32>} : memref<640xf32, #tpu.memory_space<vmem>>, vector<16xf32>,
    %swap3A_8 = vector.shape_cast %swap3A_7 : vector<16xf32> to vector<16xf32>
    %swap3A_9 = vector.shape_cast %broadcast_in_dim3A_5 : vector<16xf32> to vector<16xf32>
    tpu.vector_store %arg6[%swap3A_6], %swap3A_9 {strides = array<i32>} : memref<640xf32, #tpu.memory_space<vmem>>, vector<16xf32>,
    %broadcast_in_dim3A_10 = arith.constant 0.000000e+00 : f32
    %broadcast_in_dim3A_11 = vector.broadcast %broadcast_in_dim3A_10 : f32 to vector<16xf32>
    %swap3A_12 = arith.constant 32 : index
    %swap3A_13 = tpu.vector_load %arg6[%swap3A_12] {strides = array<i32>} : memref<640xf32, #tpu.memory_space<vmem>>, vector<16xf32>,
    %swap3A_14 = vector.shape_cast %swap3A_13 : vector<16xf32> to vector<16xf32>
    %swap3A_15 = vector.shape_cast %broadcast_in_dim3A_11 : vector<16xf32> to vector<16xf32>
    tpu.vector_store %arg6[%swap3A_12], %swap3A_15 {strides = array<i32>} : memref<640xf32, #tpu.memory_space<vmem>>, vector<16xf32>,
    %broadcast_in_dim3A_16 = arith.constant 0.000000e+00 : f32
    %broadcast_in_dim3A_17 = vector.broadcast %broadcast_in_dim3A_16 : f32 to vector<16xf32>
    %swap3A_18 = arith.constant 48 : index
    %swap3A_19 = tpu.vector_load %arg6[%swap3A_18] {strides = array<i32>} : memref<640xf32, #tpu.memory_space<vmem>>, vector<16xf32>,
    %swap3A_20 = vector.shape_cast %swap3A_19 : vector<16xf32> to vector<16xf32>
    %swap3A_21 = vector.shape_cast %broadcast_in_dim3A_17 : vector<16xf32> to vector<16xf32>
    tpu.vector_store %arg6[%swap3A_18], %swap3A_21 {strides = array<i32>} : memref<640xf32, #tpu.memory_space<vmem>>, vector<16xf32>,
    %broadcast_in_dim3A_22 = arith.constant 0.000000e+00 : f32
    %broadcast_in_dim3A_23 = vector.broadcast %broadcast_in_dim3A_22 : f32 to vector<16xf32>
    %swap3A_24 = arith.constant 64 : index
    %swap3A_25 = tpu.vector_load %arg6[%swap3A_24] {strides = array<i32>} : memref<640xf32, #tpu.memory_space<vmem>>, vector<16xf32>,
    %swap3A_26 = vector.shape_cast %swap3A_25 : vector<16xf32> to vector<16xf32>
    %swap3A_27 = vector.shape_cast %broadcast_in_dim3A_23 : vector<16xf32> to vector<16xf32>
    tpu.vector_store %arg6[%swap3A_24], %swap3A_27 {strides = array<i32>} : memref<640xf32, #tpu.memory_space<vmem>>, vector<16xf32>,
    %broadcast_in_dim3A_28 = arith.constant 0.000000e+00 : f32
    %broadcast_in_dim3A_29 = vector.broadcast %broadcast_in_dim3A_28 : f32 to vector<16xf32>
    %swap3A_30 = arith.constant 80 : index
    %swap3A_31 = tpu.vector_load %arg6[%swap3A_30] {strides = array<i32>} : memref<640xf32, #tpu.memory_space<vmem>>, vector<16xf32>,
    %swap3A_32 = vector.shape_cast %swap3A_31 : vector<16xf32> to vector<16xf32>
    %swap3A_33 = vector.shape_cast %broadcast_in_dim3A_29 : vector<16xf32> to vector<16xf32>
    tpu.vector_store %arg6[%swap3A_30], %swap3A_33 {strides = array<i32>} : memref<640xf32, #tpu.memory_space<vmem>>, vector<16xf32>,
    %broadcast_in_dim3A_34 = arith.constant 0.000000e+00 : f32
    %broadcast_in_dim3A_35 = vector.broadcast %broadcast_in_dim3A_34 : f32 to vector<16xf32>
    %swap3A_36 = arith.constant 96 : index
    %swap3A_37 = tpu.vector_load %arg6[%swap3A_36] {strides = array<i32>} : memref<640xf32, #tpu.memory_space<vmem>>, vector<16xf32>,
    %swap3A_38 = vector.shape_cast %swap3A_37 : vector<16xf32> to vector<16xf32>
    %swap3A_39 = vector.shape_cast %broadcast_in_dim3A_35 : vector<16xf32> to vector<16xf32>
    tpu.vector_store %arg6[%swap3A_36], %swap3A_39 {strides = array<i32>} : memref<640xf32, #tpu.memory_space<vmem>>, vector<16xf32>,
    %broadcast_in_dim3A_40 = arith.constant 0.000000e+00 : f32
    %broadcast_in_dim3A_41 = vector.broadcast %broadcast_in_dim3A_40 : f32 to vector<16xf32>
    %swap3A_42 = arith.constant 112 : index
    %swap3A_43 = tpu.vector_load %arg6[%swap3A_42] {strides = array<i32>} : memref<640xf32, #tpu.memory_space<vmem>>, vector<16xf32>,
    %swap3A_44 = vector.shape_cast %swap3A_43 : vector<16xf32> to vector<16xf32>
    %swap3A_45 = vector.shape_cast %broadcast_in_dim3A_41 : vector<16xf32> to vector<16xf32>
    tpu.vector_store %arg6[%swap3A_42], %swap3A_45 {strides = array<i32>} : memref<640xf32, #tpu.memory_space<vmem>>, vector<16xf32>,
    %broadcast_in_dim3A_46 = arith.constant 0.000000e+00 : f32
    %broadcast_in_dim3A_47 = vector.broadcast %broadcast_in_dim3A_46 : f32 to vector<16xf32>
    %swap3A_48 = arith.constant 128 : index
    %swap3A_49 = tpu.vector_load %arg6[%swap3A_48] {strides = array<i32>} : memref<640xf32, #tpu.memory_space<vmem>>, vector<16xf32>,
    %swap3A_50 = vector.shape_cast %swap3A_49 : vector<16xf32> to vector<16xf32>
    %swap3A_51 = vector.shape_cast %broadcast_in_dim3A_47 : vector<16xf32> to vector<16xf32>
    tpu.vector_store %arg6[%swap3A_48], %swap3A_51 {strides = array<i32>} : memref<640xf32, #tpu.memory_space<vmem>>, vector<16xf32>,
    %broadcast_in_dim3A_52 = arith.constant 0.000000e+00 : f32
    %broadcast_in_dim3A_53 = vector.broadcast %broadcast_in_dim3A_52 : f32 to vector<16xf32>
    %swap3A_54 = arith.constant 144 : index
    %swap3A_55 = tpu.vector_load %arg6[%swap3A_54] {strides = array<i32>} : memref<640xf32, #tpu.memory_space<vmem>>, vector<16xf32>,
    %swap3A_56 = vector.shape_cast %swap3A_55 : vector<16xf32> to vector<16xf32>
    %swap3A_57 = vector.shape_cast %broadcast_in_dim3A_53 : vector<16xf32> to vector<16xf32>
    tpu.vector_store %arg6[%swap3A_54], %swap3A_57 {strides = array<i32>} : memref<640xf32, #tpu.memory_space<vmem>>, vector<16xf32>,
    %broadcast_in_dim3A_58 = arith.constant 0.000000e+00 : f32
    %broadcast_in_dim3A_59 = vector.broadcast %broadcast_in_dim3A_58 : f32 to vector<16xf32>
    %swap3A_60 = arith.constant 160 : index
    %swap3A_61 = tpu.vector_load %arg6[%swap3A_60] {strides = array<i32>} : memref<640xf32, #tpu.memory_space<vmem>>, vector<16xf32>,
    %swap3A_62 = vector.shape_cast %swap3A_61 : vector<16xf32> to vector<16xf32>
    %swap3A_63 = vector.shape_cast %broadcast_in_dim3A_59 : vector<16xf32> to vector<16xf32>
    tpu.vector_store %arg6[%swap3A_60], %swap3A_63 {strides = array<i32>} : memref<640xf32, #tpu.memory_space<vmem>>, vector<16xf32>,
    %broadcast_in_dim3A_64 = arith.constant 0.000000e+00 : f32
    %broadcast_in_dim3A_65 = vector.broadcast %broadcast_in_dim3A_64 : f32 to vector<16xf32>
    %swap3A_66 = arith.constant 176 : index
    %swap3A_67 = tpu.vector_load %arg6[%swap3A_66] {strides = array<i32>} : memref<640xf32, #tpu.memory_space<vmem>>, vector<16xf32>,
    %swap3A_68 = vector.shape_cast %swap3A_67 : vector<16xf32> to vector<16xf32>
    %swap3A_69 = vector.shape_cast %broadcast_in_dim3A_65 : vector<16xf32> to vector<16xf32>
    tpu.vector_store %arg6[%swap3A_66], %swap3A_69 {strides = array<i32>} : memref<640xf32, #tpu.memory_space<vmem>>, vector<16xf32>,
    %broadcast_in_dim3A_70 = arith.constant 0.000000e+00 : f32
    %broadcast_in_dim3A_71 = vector.broadcast %broadcast_in_dim3A_70 : f32 to vector<16xf32>
    %swap3A_72 = arith.constant 192 : index
    %swap3A_73 = tpu.vector_load %arg6[%swap3A_72] {strides = array<i32>} : memref<640xf32, #tpu.memory_space<vmem>>, vector<16xf32>,
    %swap3A_74 = vector.shape_cast %swap3A_73 : vector<16xf32> to vector<16xf32>
    %swap3A_75 = vector.shape_cast %broadcast_in_dim3A_71 : vector<16xf32> to vector<16xf32>
    tpu.vector_store %arg6[%swap3A_72], %swap3A_75 {strides = array<i32>} : memref<640xf32, #tpu.memory_space<vmem>>, vector<16xf32>,
    %broadcast_in_dim3A_76 = arith.constant 0.000000e+00 : f32
    %broadcast_in_dim3A_77 = vector.broadcast %broadcast_in_dim3A_76 : f32 to vector<16xf32>
    %swap3A_78 = arith.constant 208 : index
    %swap3A_79 = tpu.vector_load %arg6[%swap3A_78] {strides = array<i32>} : memref<640xf32, #tpu.memory_space<vmem>>, vector<16xf32>,
    %swap3A_80 = vector.shape_cast %swap3A_79 : vector<16xf32> to vector<16xf32>
    %swap3A_81 = vector.shape_cast %broadcast_in_dim3A_77 : vector<16xf32> to vector<16xf32>
    tpu.vector_store %arg6[%swap3A_78], %swap3A_81 {strides = array<i32>} : memref<640xf32, #tpu.memory_space<vmem>>, vector<16xf32>,
    %broadcast_in_dim3A_82 = arith.constant 0.000000e+00 : f32
    %broadcast_in_dim3A_83 = vector.broadcast %broadcast_in_dim3A_82 : f32 to vector<16xf32>
    %swap3A_84 = arith.constant 224 : index
    %swap3A_85 = tpu.vector_load %arg6[%swap3A_84] {strides = array<i32>} : memref<640xf32, #tpu.memory_space<vmem>>, vector<16xf32>,
    %swap3A_86 = vector.shape_cast %swap3A_85 : vector<16xf32> to vector<16xf32>
    %swap3A_87 = vector.shape_cast %broadcast_in_dim3A_83 : vector<16xf32> to vector<16xf32>
    tpu.vector_store %arg6[%swap3A_84], %swap3A_87 {strides = array<i32>} : memref<640xf32, #tpu.memory_space<vmem>>, vector<16xf32>,
    %broadcast_in_dim3A_88 = arith.constant 0.000000e+00 : f32
    %broadcast_in_dim3A_89 = vector.broadcast %broadcast_in_dim3A_88 : f32 to vector<16xf32>
    %swap3A_90 = arith.constant 240 : index
    %swap3A_91 = tpu.vector_load %arg6[%swap3A_90] {strides = array<i32>} : memref<640xf32, #tpu.memory_space<vmem>>, vector<16xf32>,
    %swap3A_92 = vector.shape_cast %swap3A_91 : vector<16xf32> to vector<16xf32>
    %swap3A_93 = vector.shape_cast %broadcast_in_dim3A_89 : vector<16xf32> to vector<16xf32>
    tpu.vector_store %arg6[%swap3A_90], %swap3A_93 {strides = array<i32>} : memref<640xf32, #tpu.memory_space<vmem>>, vector<16xf32>,
    %broadcast_in_dim3A_94 = arith.constant 0.000000e+00 : f32
    %broadcast_in_dim3A_95 = vector.broadcast %broadcast_in_dim3A_94 : f32 to vector<16xf32>
    %swap3A_96 = arith.constant 256 : index
    %swap3A_97 = tpu.vector_load %arg6[%swap3A_96] {strides = array<i32>} : memref<640xf32, #tpu.memory_space<vmem>>, vector<16xf32>,
    %swap3A_98 = vector.shape_cast %swap3A_97 : vector<16xf32> to vector<16xf32>
    %swap3A_99 = vector.shape_cast %broadcast_in_dim3A_95 : vector<16xf32> to vector<16xf32>
    tpu.vector_store %arg6[%swap3A_96], %swap3A_99 {strides = array<i32>} : memref<640xf32, #tpu.memory_space<vmem>>, vector<16xf32>,
    %broadcast_in_dim3A_100 = arith.constant 0.000000e+00 : f32
    %broadcast_in_dim3A_101 = vector.broadcast %broadcast_in_dim3A_100 : f32 to vector<16xf32>
    %swap3A_102 = arith.constant 272 : index
    %swap3A_103 = tpu.vector_load %arg6[%swap3A_102] {strides = array<i32>} : memref<640xf32, #tpu.memory_space<vmem>>, vector<16xf32>,
    %swap3A_104 = vector.shape_cast %swap3A_103 : vector<16xf32> to vector<16xf32>
    %swap3A_105 = vector.shape_cast %broadcast_in_dim3A_101 : vector<16xf32> to vector<16xf32>
    tpu.vector_store %arg6[%swap3A_102], %swap3A_105 {strides = array<i32>} : memref<640xf32, #tpu.memory_space<vmem>>, vector<16xf32>,
    %broadcast_in_dim3A_106 = arith.constant 0.000000e+00 : f32
    %broadcast_in_dim3A_107 = vector.broadcast %broadcast_in_dim3A_106 : f32 to vector<16xf32>
    %swap3A_108 = arith.constant 288 : index
    %swap3A_109 = tpu.vector_load %arg6[%swap3A_108] {strides = array<i32>} : memref<640xf32, #tpu.memory_space<vmem>>, vector<16xf32>,
    %swap3A_110 = vector.shape_cast %swap3A_109 : vector<16xf32> to vector<16xf32>
    %swap3A_111 = vector.shape_cast %broadcast_in_dim3A_107 : vector<16xf32> to vector<16xf32>
    tpu.vector_store %arg6[%swap3A_108], %swap3A_111 {strides = array<i32>} : memref<640xf32, #tpu.memory_space<vmem>>, vector<16xf32>,
    %broadcast_in_dim3A_112 = arith.constant 0.000000e+00 : f32
    %broadcast_in_dim3A_113 = vector.broadcast %broadcast_in_dim3A_112 : f32 to vector<16xf32>
    %swap3A_114 = arith.constant 304 : index
    %swap3A_115 = tpu.vector_load %arg6[%swap3A_114] {strides = array<i32>} : memref<640xf32, #tpu.memory_space<vmem>>, vector<16xf32>,
    %swap3A_116 = vector.shape_cast %swap3A_115 : vector<16xf32> to vector<16xf32>
    %swap3A_117 = vector.shape_cast %broadcast_in_dim3A_113 : vector<16xf32> to vector<16xf32>
    tpu.vector_store %arg6[%swap3A_114], %swap3A_117 {strides = array<i32>} : memref<640xf32, #tpu.memory_space<vmem>>, vector<16xf32>,
    %broadcast_in_dim3A_118 = arith.constant 0.000000e+00 : f32
    %broadcast_in_dim3A_119 = vector.broadcast %broadcast_in_dim3A_118 : f32 to vector<16xf32>
    %swap3A_120 = arith.constant 320 : index
    %swap3A_121 = tpu.vector_load %arg6[%swap3A_120] {strides = array<i32>} : memref<640xf32, #tpu.memory_space<vmem>>, vector<16xf32>,
    %swap3A_122 = vector.shape_cast %swap3A_121 : vector<16xf32> to vector<16xf32>
    %swap3A_123 = vector.shape_cast %broadcast_in_dim3A_119 : vector<16xf32> to vector<16xf32>
    tpu.vector_store %arg6[%swap3A_120], %swap3A_123 {strides = array<i32>} : memref<640xf32, #tpu.memory_space<vmem>>, vector<16xf32>,
    %broadcast_in_dim3A_124 = arith.constant 0.000000e+00 : f32
    %broadcast_in_dim3A_125 = vector.broadcast %broadcast_in_dim3A_124 : f32 to vector<16xf32>
    %swap3A_126 = arith.constant 336 : index
    %swap3A_127 = tpu.vector_load %arg6[%swap3A_126] {strides = array<i32>} : memref<640xf32, #tpu.memory_space<vmem>>, vector<16xf32>,
    %swap3A_128 = vector.shape_cast %swap3A_127 : vector<16xf32> to vector<16xf32>
    %swap3A_129 = vector.shape_cast %broadcast_in_dim3A_125 : vector<16xf32> to vector<16xf32>
    tpu.vector_store %arg6[%swap3A_126], %swap3A_129 {strides = array<i32>} : memref<640xf32, #tpu.memory_space<vmem>>, vector<16xf32>,
    %broadcast_in_dim3A_130 = arith.constant 0.000000e+00 : f32
    %broadcast_in_dim3A_131 = vector.broadcast %broadcast_in_dim3A_130 : f32 to vector<16xf32>
    %swap3A_132 = arith.constant 352 : index
    %swap3A_133 = tpu.vector_load %arg6[%swap3A_132] {strides = array<i32>} : memref<640xf32, #tpu.memory_space<vmem>>, vector<16xf32>,
    %swap3A_134 = vector.shape_cast %swap3A_133 : vector<16xf32> to vector<16xf32>
    %swap3A_135 = vector.shape_cast %broadcast_in_dim3A_131 : vector<16xf32> to vector<16xf32>
    tpu.vector_store %arg6[%swap3A_132], %swap3A_135 {strides = array<i32>} : memref<640xf32, #tpu.memory_space<vmem>>, vector<16xf32>,
    %broadcast_in_dim3A_136 = arith.constant 0.000000e+00 : f32
    %broadcast_in_dim3A_137 = vector.broadcast %broadcast_in_dim3A_136 : f32 to vector<16xf32>
    %swap3A_138 = arith.constant 368 : index
    %swap3A_139 = tpu.vector_load %arg6[%swap3A_138] {strides = array<i32>} : memref<640xf32, #tpu.memory_space<vmem>>, vector<16xf32>,
    %swap3A_140 = vector.shape_cast %swap3A_139 : vector<16xf32> to vector<16xf32>
    %swap3A_141 = vector.shape_cast %broadcast_in_dim3A_137 : vector<16xf32> to vector<16xf32>
    tpu.vector_store %arg6[%swap3A_138], %swap3A_141 {strides = array<i32>} : memref<640xf32, #tpu.memory_space<vmem>>, vector<16xf32>,
    %broadcast_in_dim3A_142 = arith.constant 0.000000e+00 : f32
    %broadcast_in_dim3A_143 = vector.broadcast %broadcast_in_dim3A_142 : f32 to vector<16xf32>
    %swap3A_144 = arith.constant 384 : index
    %swap3A_145 = tpu.vector_load %arg6[%swap3A_144] {strides = array<i32>} : memref<640xf32, #tpu.memory_space<vmem>>, vector<16xf32>,
    %swap3A_146 = vector.shape_cast %swap3A_145 : vector<16xf32> to vector<16xf32>
    %swap3A_147 = vector.shape_cast %broadcast_in_dim3A_143 : vector<16xf32> to vector<16xf32>
    tpu.vector_store %arg6[%swap3A_144], %swap3A_147 {strides = array<i32>} : memref<640xf32, #tpu.memory_space<vmem>>, vector<16xf32>,
    %broadcast_in_dim3A_148 = arith.constant 0.000000e+00 : f32
    %broadcast_in_dim3A_149 = vector.broadcast %broadcast_in_dim3A_148 : f32 to vector<16xf32>
    %swap3A_150 = arith.constant 400 : index
    %swap3A_151 = tpu.vector_load %arg6[%swap3A_150] {strides = array<i32>} : memref<640xf32, #tpu.memory_space<vmem>>, vector<16xf32>,
    %swap3A_152 = vector.shape_cast %swap3A_151 : vector<16xf32> to vector<16xf32>
    %swap3A_153 = vector.shape_cast %broadcast_in_dim3A_149 : vector<16xf32> to vector<16xf32>
    tpu.vector_store %arg6[%swap3A_150], %swap3A_153 {strides = array<i32>} : memref<640xf32, #tpu.memory_space<vmem>>, vector<16xf32>,
    %broadcast_in_dim3A_154 = arith.constant 0.000000e+00 : f32
    %broadcast_in_dim3A_155 = vector.broadcast %broadcast_in_dim3A_154 : f32 to vector<16xf32>
    %swap3A_156 = arith.constant 416 : index
    %swap3A_157 = tpu.vector_load %arg6[%swap3A_156] {strides = array<i32>} : memref<640xf32, #tpu.memory_space<vmem>>, vector<16xf32>,
    %swap3A_158 = vector.shape_cast %swap3A_157 : vector<16xf32> to vector<16xf32>
    %swap3A_159 = vector.shape_cast %broadcast_in_dim3A_155 : vector<16xf32> to vector<16xf32>
    tpu.vector_store %arg6[%swap3A_156], %swap3A_159 {strides = array<i32>} : memref<640xf32, #tpu.memory_space<vmem>>, vector<16xf32>,
    %broadcast_in_dim3A_160 = arith.constant 0.000000e+00 : f32
    %broadcast_in_dim3A_161 = vector.broadcast %broadcast_in_dim3A_160 : f32 to vector<16xf32>
    %swap3A_162 = arith.constant 432 : index
    %swap3A_163 = tpu.vector_load %arg6[%swap3A_162] {strides = array<i32>} : memref<640xf32, #tpu.memory_space<vmem>>, vector<16xf32>,
    %swap3A_164 = vector.shape_cast %swap3A_163 : vector<16xf32> to vector<16xf32>
    %swap3A_165 = vector.shape_cast %broadcast_in_dim3A_161 : vector<16xf32> to vector<16xf32>
    tpu.vector_store %arg6[%swap3A_162], %swap3A_165 {strides = array<i32>} : memref<640xf32, #tpu.memory_space<vmem>>, vector<16xf32>,
    %broadcast_in_dim3A_166 = arith.constant 0.000000e+00 : f32
    %broadcast_in_dim3A_167 = vector.broadcast %broadcast_in_dim3A_166 : f32 to vector<16xf32>
    %swap3A_168 = arith.constant 448 : index
    %swap3A_169 = tpu.vector_load %arg6[%swap3A_168] {strides = array<i32>} : memref<640xf32, #tpu.memory_space<vmem>>, vector<16xf32>,
    %swap3A_170 = vector.shape_cast %swap3A_169 : vector<16xf32> to vector<16xf32>
    %swap3A_171 = vector.shape_cast %broadcast_in_dim3A_167 : vector<16xf32> to vector<16xf32>
    tpu.vector_store %arg6[%swap3A_168], %swap3A_171 {strides = array<i32>} : memref<640xf32, #tpu.memory_space<vmem>>, vector<16xf32>,
    %broadcast_in_dim3A_172 = arith.constant 0.000000e+00 : f32
    %broadcast_in_dim3A_173 = vector.broadcast %broadcast_in_dim3A_172 : f32 to vector<16xf32>
    %swap3A_174 = arith.constant 464 : index
    %swap3A_175 = tpu.vector_load %arg6[%swap3A_174] {strides = array<i32>} : memref<640xf32, #tpu.memory_space<vmem>>, vector<16xf32>,
    %swap3A_176 = vector.shape_cast %swap3A_175 : vector<16xf32> to vector<16xf32>
    %swap3A_177 = vector.shape_cast %broadcast_in_dim3A_173 : vector<16xf32> to vector<16xf32>
    tpu.vector_store %arg6[%swap3A_174], %swap3A_177 {strides = array<i32>} : memref<640xf32, #tpu.memory_space<vmem>>, vector<16xf32>,
    %broadcast_in_dim3A_178 = arith.constant 0.000000e+00 : f32
    %broadcast_in_dim3A_179 = vector.broadcast %broadcast_in_dim3A_178 : f32 to vector<16xf32>
    %swap3A_180 = arith.constant 480 : index
    %swap3A_181 = tpu.vector_load %arg6[%swap3A_180] {strides = array<i32>} : memref<640xf32, #tpu.memory_space<vmem>>, vector<16xf32>,
    %swap3A_182 = vector.shape_cast %swap3A_181 : vector<16xf32> to vector<16xf32>
    %swap3A_183 = vector.shape_cast %broadcast_in_dim3A_179 : vector<16xf32> to vector<16xf32>
    tpu.vector_store %arg6[%swap3A_180], %swap3A_183 {strides = array<i32>} : memref<640xf32, #tpu.memory_space<vmem>>, vector<16xf32>,
    %broadcast_in_dim3A_184 = arith.constant 0.000000e+00 : f32
    %broadcast_in_dim3A_185 = vector.broadcast %broadcast_in_dim3A_184 : f32 to vector<16xf32>
    %swap3A_186 = arith.constant 496 : index
    %swap3A_187 = tpu.vector_load %arg6[%swap3A_186] {strides = array<i32>} : memref<640xf32, #tpu.memory_space<vmem>>, vector<16xf32>,
    %swap3A_188 = vector.shape_cast %swap3A_187 : vector<16xf32> to vector<16xf32>
    %swap3A_189 = vector.shape_cast %broadcast_in_dim3A_185 : vector<16xf32> to vector<16xf32>
    tpu.vector_store %arg6[%swap3A_186], %swap3A_189 {strides = array<i32>} : memref<640xf32, #tpu.memory_space<vmem>>, vector<16xf32>,
    %broadcast_in_dim3A_190 = arith.constant 0.000000e+00 : f32
    %broadcast_in_dim3A_191 = vector.broadcast %broadcast_in_dim3A_190 : f32 to vector<16xf32>
    %swap3A_192 = arith.constant 512 : index
    %swap3A_193 = tpu.vector_load %arg6[%swap3A_192] {strides = array<i32>} : memref<640xf32, #tpu.memory_space<vmem>>, vector<16xf32>,
    %swap3A_194 = vector.shape_cast %swap3A_193 : vector<16xf32> to vector<16xf32>
    %swap3A_195 = vector.shape_cast %broadcast_in_dim3A_191 : vector<16xf32> to vector<16xf32>
    tpu.vector_store %arg6[%swap3A_192], %swap3A_195 {strides = array<i32>} : memref<640xf32, #tpu.memory_space<vmem>>, vector<16xf32>,
    %broadcast_in_dim3A_196 = arith.constant 0.000000e+00 : f32
    %broadcast_in_dim3A_197 = vector.broadcast %broadcast_in_dim3A_196 : f32 to vector<16xf32>
    %swap3A_198 = arith.constant 528 : index
    %swap3A_199 = tpu.vector_load %arg6[%swap3A_198] {strides = array<i32>} : memref<640xf32, #tpu.memory_space<vmem>>, vector<16xf32>,
    %swap3A_200 = vector.shape_cast %swap3A_199 : vector<16xf32> to vector<16xf32>
    %swap3A_201 = vector.shape_cast %broadcast_in_dim3A_197 : vector<16xf32> to vector<16xf32>
    tpu.vector_store %arg6[%swap3A_198], %swap3A_201 {strides = array<i32>} : memref<640xf32, #tpu.memory_space<vmem>>, vector<16xf32>,
    %broadcast_in_dim3A_202 = arith.constant 0.000000e+00 : f32
    %broadcast_in_dim3A_203 = vector.broadcast %broadcast_in_dim3A_202 : f32 to vector<16xf32>
    %swap3A_204 = arith.constant 544 : index
    %swap3A_205 = tpu.vector_load %arg6[%swap3A_204] {strides = array<i32>} : memref<640xf32, #tpu.memory_space<vmem>>, vector<16xf32>,
    %swap3A_206 = vector.shape_cast %swap3A_205 : vector<16xf32> to vector<16xf32>
    %swap3A_207 = vector.shape_cast %broadcast_in_dim3A_203 : vector<16xf32> to vector<16xf32>
    tpu.vector_store %arg6[%swap3A_204], %swap3A_207 {strides = array<i32>} : memref<640xf32, #tpu.memory_space<vmem>>, vector<16xf32>,
    %broadcast_in_dim3A_208 = arith.constant 0.000000e+00 : f32
    %broadcast_in_dim3A_209 = vector.broadcast %broadcast_in_dim3A_208 : f32 to vector<16xf32>
    %swap3A_210 = arith.constant 560 : index
    %swap3A_211 = tpu.vector_load %arg6[%swap3A_210] {strides = array<i32>} : memref<640xf32, #tpu.memory_space<vmem>>, vector<16xf32>,
    %swap3A_212 = vector.shape_cast %swap3A_211 : vector<16xf32> to vector<16xf32>
    %swap3A_213 = vector.shape_cast %broadcast_in_dim3A_209 : vector<16xf32> to vector<16xf32>
    tpu.vector_store %arg6[%swap3A_210], %swap3A_213 {strides = array<i32>} : memref<640xf32, #tpu.memory_space<vmem>>, vector<16xf32>,
    %broadcast_in_dim3A_214 = arith.constant 0.000000e+00 : f32
    %broadcast_in_dim3A_215 = vector.broadcast %broadcast_in_dim3A_214 : f32 to vector<16xf32>
    %swap3A_216 = arith.constant 576 : index
    %swap3A_217 = tpu.vector_load %arg6[%swap3A_216] {strides = array<i32>} : memref<640xf32, #tpu.memory_space<vmem>>, vector<16xf32>,
    %swap3A_218 = vector.shape_cast %swap3A_217 : vector<16xf32> to vector<16xf32>
    %swap3A_219 = vector.shape_cast %broadcast_in_dim3A_215 : vector<16xf32> to vector<16xf32>
    tpu.vector_store %arg6[%swap3A_216], %swap3A_219 {strides = array<i32>} : memref<640xf32, #tpu.memory_space<vmem>>, vector<16xf32>,
    %broadcast_in_dim3A_220 = arith.constant 0.000000e+00 : f32
    %broadcast_in_dim3A_221 = vector.broadcast %broadcast_in_dim3A_220 : f32 to vector<16xf32>
    %swap3A_222 = arith.constant 592 : index
    %swap3A_223 = tpu.vector_load %arg6[%swap3A_222] {strides = array<i32>} : memref<640xf32, #tpu.memory_space<vmem>>, vector<16xf32>,
    %swap3A_224 = vector.shape_cast %swap3A_223 : vector<16xf32> to vector<16xf32>
    %swap3A_225 = vector.shape_cast %broadcast_in_dim3A_221 : vector<16xf32> to vector<16xf32>
    tpu.vector_store %arg6[%swap3A_222], %swap3A_225 {strides = array<i32>} : memref<640xf32, #tpu.memory_space<vmem>>, vector<16xf32>,
    %broadcast_in_dim3A_226 = arith.constant 0.000000e+00 : f32
    %broadcast_in_dim3A_227 = vector.broadcast %broadcast_in_dim3A_226 : f32 to vector<16xf32>
    %swap3A_228 = arith.constant 608 : index
    %swap3A_229 = tpu.vector_load %arg6[%swap3A_228] {strides = array<i32>} : memref<640xf32, #tpu.memory_space<vmem>>, vector<16xf32>,
    %swap3A_230 = vector.shape_cast %swap3A_229 : vector<16xf32> to vector<16xf32>
    %swap3A_231 = vector.shape_cast %broadcast_in_dim3A_227 : vector<16xf32> to vector<16xf32>
    tpu.vector_store %arg6[%swap3A_228], %swap3A_231 {strides = array<i32>} : memref<640xf32, #tpu.memory_space<vmem>>, vector<16xf32>,
    %broadcast_in_dim3A_232 = arith.constant 0.000000e+00 : f32
    %broadcast_in_dim3A_233 = vector.broadcast %broadcast_in_dim3A_232 : f32 to vector<16xf32>
    %swap3A_234 = arith.constant 624 : index
    %swap3A_235 = tpu.vector_load %arg6[%swap3A_234] {strides = array<i32>} : memref<640xf32, #tpu.memory_space<vmem>>, vector<16xf32>,
    %swap3A_236 = vector.shape_cast %swap3A_235 : vector<16xf32> to vector<16xf32>
    %swap3A_237 = vector.shape_cast %broadcast_in_dim3A_233 : vector<16xf32> to vector<16xf32>
    tpu.vector_store %arg6[%swap3A_234], %swap3A_237 {strides = array<i32>} : memref<640xf32, #tpu.memory_space<vmem>>, vector<16xf32>,
    %broadcast_in_dim3A_238 = arith.constant 1.000000e+00 : f32
    %broadcast_in_dim3A_239 = vector.broadcast %broadcast_in_dim3A_238 : f32 to vector<16xf32>
    %swap3A_240 = arith.constant 0 : index
    %swap3A_241 = tpu.vector_load %arg5[%swap3A_240] {strides = array<i32>} : memref<128xf32, #tpu.memory_space<vmem>>, vector<16xf32>,
    %swap3A_242 = vector.shape_cast %swap3A_241 : vector<16xf32> to vector<16xf32>
    %swap3A_243 = vector.shape_cast %broadcast_in_dim3A_239 : vector<16xf32> to vector<16xf32>
    tpu.vector_store %arg5[%swap3A_240], %swap3A_243 {strides = array<i32>} : memref<128xf32, #tpu.memory_space<vmem>>, vector<16xf32>,
    %broadcast_in_dim3A_244 = arith.constant 1.000000e+00 : f32
    %broadcast_in_dim3A_245 = vector.broadcast %broadcast_in_dim3A_244 : f32 to vector<16xf32>
    %swap3A_246 = arith.constant 16 : index
    %swap3A_247 = tpu.vector_load %arg5[%swap3A_246] {strides = array<i32>} : memref<128xf32, #tpu.memory_space<vmem>>, vector<16xf32>,
    %swap3A_248 = vector.shape_cast %swap3A_247 : vector<16xf32> to vector<16xf32>
    %swap3A_249 = vector.shape_cast %broadcast_in_dim3A_245 : vector<16xf32> to vector<16xf32>
    tpu.vector_store %arg5[%swap3A_246], %swap3A_249 {strides = array<i32>} : memref<128xf32, #tpu.memory_space<vmem>>, vector<16xf32>,
    %broadcast_in_dim3A_250 = arith.constant 1.000000e+00 : f32
    %broadcast_in_dim3A_251 = vector.broadcast %broadcast_in_dim3A_250 : f32 to vector<16xf32>
    %swap3A_252 = arith.constant 32 : index
    %swap3A_253 = tpu.vector_load %arg5[%swap3A_252] {strides = array<i32>} : memref<128xf32, #tpu.memory_space<vmem>>, vector<16xf32>,
    %swap3A_254 = vector.shape_cast %swap3A_253 : vector<16xf32> to vector<16xf32>
    %swap3A_255 = vector.shape_cast %broadcast_in_dim3A_251 : vector<16xf32> to vector<16xf32>
    tpu.vector_store %arg5[%swap3A_252], %swap3A_255 {strides = array<i32>} : memref<128xf32, #tpu.memory_space<vmem>>, vector<16xf32>,
    %broadcast_in_dim3A_256 = arith.constant 1.000000e+00 : f32
    %broadcast_in_dim3A_257 = vector.broadcast %broadcast_in_dim3A_256 : f32 to vector<16xf32>
    %swap3A_258 = arith.constant 48 : index
    %swap3A_259 = tpu.vector_load %arg5[%swap3A_258] {strides = array<i32>} : memref<128xf32, #tpu.memory_space<vmem>>, vector<16xf32>,
    %swap3A_260 = vector.shape_cast %swap3A_259 : vector<16xf32> to vector<16xf32>
    %swap3A_261 = vector.shape_cast %broadcast_in_dim3A_257 : vector<16xf32> to vector<16xf32>
    tpu.vector_store %arg5[%swap3A_258], %swap3A_261 {strides = array<i32>} : memref<128xf32, #tpu.memory_space<vmem>>, vector<16xf32>,
    %broadcast_in_dim3A_262 = arith.constant 1.000000e+00 : f32
    %broadcast_in_dim3A_263 = vector.broadcast %broadcast_in_dim3A_262 : f32 to vector<16xf32>
    %swap3A_264 = arith.constant 64 : index
    %swap3A_265 = tpu.vector_load %arg5[%swap3A_264] {strides = array<i32>} : memref<128xf32, #tpu.memory_space<vmem>>, vector<16xf32>,
    %swap3A_266 = vector.shape_cast %swap3A_265 : vector<16xf32> to vector<16xf32>
    %swap3A_267 = vector.shape_cast %broadcast_in_dim3A_263 : vector<16xf32> to vector<16xf32>
    tpu.vector_store %arg5[%swap3A_264], %swap3A_267 {strides = array<i32>} : memref<128xf32, #tpu.memory_space<vmem>>, vector<16xf32>,
    %broadcast_in_dim3A_268 = arith.constant 1.000000e+00 : f32
    %broadcast_in_dim3A_269 = vector.broadcast %broadcast_in_dim3A_268 : f32 to vector<16xf32>
    %swap3A_270 = arith.constant 80 : index
    %swap3A_271 = tpu.vector_load %arg5[%swap3A_270] {strides = array<i32>} : memref<128xf32, #tpu.memory_space<vmem>>, vector<16xf32>,
    %swap3A_272 = vector.shape_cast %swap3A_271 : vector<16xf32> to vector<16xf32>
    %swap3A_273 = vector.shape_cast %broadcast_in_dim3A_269 : vector<16xf32> to vector<16xf32>
    tpu.vector_store %arg5[%swap3A_270], %swap3A_273 {strides = array<i32>} : memref<128xf32, #tpu.memory_space<vmem>>, vector<16xf32>,
    %broadcast_in_dim3A_274 = arith.constant 1.000000e+00 : f32
    %broadcast_in_dim3A_275 = vector.broadcast %broadcast_in_dim3A_274 : f32 to vector<16xf32>
    %swap3A_276 = arith.constant 96 : index
    %swap3A_277 = tpu.vector_load %arg5[%swap3A_276] {strides = array<i32>} : memref<128xf32, #tpu.memory_space<vmem>>, vector<16xf32>,
    %swap3A_278 = vector.shape_cast %swap3A_277 : vector<16xf32> to vector<16xf32>
    %swap3A_279 = vector.shape_cast %broadcast_in_dim3A_275 : vector<16xf32> to vector<16xf32>
    tpu.vector_store %arg5[%swap3A_276], %swap3A_279 {strides = array<i32>} : memref<128xf32, #tpu.memory_space<vmem>>, vector<16xf32>,
    %broadcast_in_dim3A_280 = arith.constant 1.000000e+00 : f32
    %broadcast_in_dim3A_281 = vector.broadcast %broadcast_in_dim3A_280 : f32 to vector<16xf32>
    %swap3A_282 = arith.constant 112 : index
    %swap3A_283 = tpu.vector_load %arg5[%swap3A_282] {strides = array<i32>} : memref<128xf32, #tpu.memory_space<vmem>>, vector<16xf32>,
    %swap3A_284 = vector.shape_cast %swap3A_283 : vector<16xf32> to vector<16xf32>
    %swap3A_285 = vector.shape_cast %broadcast_in_dim3A_281 : vector<16xf32> to vector<16xf32>
    tpu.vector_store %arg5[%swap3A_282], %swap3A_285 {strides = array<i32>} : memref<128xf32, #tpu.memory_space<vmem>>, vector<16xf32>,
    %mul3A = arith.constant 640 : i32
    %mul3A_286 = arith.muli %arg1, %mul3A : i32
    "tpu.region"() ({
      %run_scoped3A = tpu.sem_alloc : memref<!tpu.dma_semaphore, #tpu.memory_space<semaphore_mem>>
      %dma_start3A = tpu.memref_slice %arg7[%mul3A_286] : memref<10240xf32, #tpu.memory_space<vmem_shared>> -> memref<640xf32, #tpu.memory_space<vmem_shared>>
      %dma_start3A_297 = tpu.memref_slice %arg7[%mul3A_286] : memref<10240xf32, #tpu.memory_space<vmem_shared>> -> memref<640xf32, #tpu.memory_space<vmem_shared>>
      tpu.enqueue_dma source(%arg6 : memref<640xf32, #tpu.memory_space<vmem>>) target(%dma_start3A_297 : memref<640xf32, #tpu.memory_space<vmem_shared>>) target_semaphore(%run_scoped3A : memref<!tpu.dma_semaphore, #tpu.memory_space<semaphore_mem>>)
      %dma_wait3A = tpu.memref_slice %arg7[%mul3A_286] : memref<10240xf32, #tpu.memory_space<vmem_shared>> -> memref<640xf32, #tpu.memory_space<vmem_shared>>
      %dma_wait3A_298 = tpu.memref_slice %arg7[%mul3A_286] : memref<10240xf32, #tpu.memory_space<vmem_shared>> -> memref<640xf32, #tpu.memory_space<vmem_shared>>
      tpu.wait_dma2 semaphore(%run_scoped3A : memref<!tpu.dma_semaphore, #tpu.memory_space<semaphore_mem>>) src(%arg6 : memref<640xf32, #tpu.memory_space<vmem>>) dst(%dma_wait3A_298 : memref<640xf32, #tpu.memory_space<vmem_shared>>)
      tpu.yield
    }) : () -> ()
    %mul3A_287 = arith.constant 80 : i32
    %mul3A_288 = arith.muli %arg1, %mul3A_287 : i32
    "tpu.region"() ({
      %run_scoped3A = tpu.sem_alloc : memref<!tpu.dma_semaphore, #tpu.memory_space<semaphore_mem>>
      %dma_start3A = arith.constant 0 : i32
      %dma_start3A_297 = tpu.memref_slice %arg2[%mul3A_288, %dma_start3A] : memref<1280x128xi32, #tpu.memory_space<hbm>> -> memref<80x128xi32, #tpu.memory_space<hbm>>
      %dma_start3A_298 = arith.constant 0 : i32
      %dma_start3A_299 = tpu.memref_slice %arg2[%mul3A_288, %dma_start3A_298] : memref<1280x128xi32, #tpu.memory_space<hbm>> -> memref<80x128xi32, #tpu.memory_space<hbm>>
      tpu.enqueue_dma source(%dma_start3A_299 : memref<80x128xi32, #tpu.memory_space<hbm>>) target(%arg4 : memref<80x128xi32, #tpu.memory_space<vmem>>) target_semaphore(%run_scoped3A : memref<!tpu.dma_semaphore, #tpu.memory_space<semaphore_mem>>)
      %dma_wait3A = arith.constant 0 : i32
      %dma_wait3A_300 = tpu.memref_slice %arg2[%mul3A_288, %dma_wait3A] : memref<1280x128xi32, #tpu.memory_space<hbm>> -> memref<80x128xi32, #tpu.memory_space<hbm>>
      %dma_wait3A_301 = arith.constant 0 : i32
      %dma_wait3A_302 = tpu.memref_slice %arg2[%mul3A_288, %dma_wait3A_301] : memref<1280x128xi32, #tpu.memory_space<hbm>> -> memref<80x128xi32, #tpu.memory_space<hbm>>
      tpu.wait_dma2 semaphore(%run_scoped3A : memref<!tpu.dma_semaphore, #tpu.memory_space<semaphore_mem>>) src(%dma_wait3A_302 : memref<80x128xi32, #tpu.memory_space<hbm>>) dst(%arg4 : memref<80x128xi32, #tpu.memory_space<vmem>>)
      tpu.yield
    }) : () -> ()
    %barrier3A = arith.constant 0 : index
    tpu.barrier barrier_id(%barrier3A)
    %scan3A = arith.constant 0 : i32
    %scan3A_289 = arith.constant 0 : i32
    %scan3A_290 = arith.constant 80 : i32
    %scan3A_291 = arith.addi %scan3A_289, %scan3A_290 : i32
    %scan3A_292 = arith.constant 1 : i32
    scf.for %scan3A_297 = %scan3A_289 to %scan3A_291 step %scan3A_292  : i32 {
      "tpu.region"() ({
        %run_scoped3A = tpu.sem_alloc : memref<!tpu.dma_semaphore, #tpu.memory_space<semaphore_mem>>
        %dma_start3A = arith.constant 0 : i32
        %dma_start3A_298 = tpu.memref_slice %arg4[%scan3A_297, %dma_start3A] : memref<80x128xi32, #tpu.memory_space<vmem>> -> memref<1x128xi32, #tpu.memory_space<vmem>>
        %dma_start3A_299 = tpu.memref_squeeze %dma_start3A_298 : memref<1x128xi32, #tpu.memory_space<vmem>> -> memref<128xi32, #tpu.memory_space<vmem>>
        %dma_start3A_300 = arith.constant 0 : i32
        %dma_start3A_301 = tpu.memref_slice %arg7[%dma_start3A_300] : memref<10240xf32, #tpu.memory_space<vmem_shared>> -> memref<10240xf32, #tpu.memory_space<vmem_shared>>
        tpu.enqueue_indirect_dma source(%arg5 : memref<128xf32, #tpu.memory_space<vmem>>) target(%dma_start3A_301 : memref<10240xf32, #tpu.memory_space<vmem_shared>>) offsets(%dma_start3A_299 : memref<128xi32, #tpu.memory_space<vmem>>) semaphore(%run_scoped3A : memref<!tpu.dma_semaphore, #tpu.memory_space<semaphore_mem>>) {add = true}
        %dma_wait3A = arith.constant 0 : i32
        %dma_wait3A_302 = tpu.memref_slice %arg4[%scan3A_297, %dma_wait3A] : memref<80x128xi32, #tpu.memory_space<vmem>> -> memref<1x128xi32, #tpu.memory_space<vmem>>
        %dma_wait3A_303 = tpu.memref_squeeze %dma_wait3A_302 : memref<1x128xi32, #tpu.memory_space<vmem>> -> memref<128xi32, #tpu.memory_space<vmem>>
        %dma_wait3A_304 = arith.constant 0 : i32
        %dma_wait3A_305 = tpu.memref_slice %arg7[%dma_wait3A_304] : memref<10240xf32, #tpu.memory_space<vmem_shared>> -> memref<10240xf32, #tpu.memory_space<vmem_shared>>
        tpu.wait_indirect_dma semaphore(%run_scoped3A : memref<!tpu.dma_semaphore, #tpu.memory_space<semaphore_mem>>) src(%arg5 : memref<128xf32, #tpu.memory_space<vmem>>) dst(%dma_wait3A_305 : memref<10240xf32, #tpu.memory_space<vmem_shared>>)
        tpu.yield
      }) : () -> ()
    }
    %scan3A_293 = arith.constant 80 : i32
    %barrier3A_294 = arith.constant 0 : index
    tpu.barrier barrier_id(%barrier3A_294)
    %eq3A = arith.constant 0 : i32
    %eq3A_295 = arith.cmpi eq, %arg0, %eq3A : i32
    %convert_element_type3A = arith.extui %eq3A_295 : i1 to i32
    %cond3A = arith.constant 0 : i32
    %cond3A_296 = arith.cmpi ne, %convert_element_type3A, %cond3A : i32
    scf.if %cond3A_296 {
      %mul3A_297 = arith.constant 640 : i32
      %mul3A_298 = arith.muli %arg1, %mul3A_297 : i32
      %mul3A_299 = arith.constant 640 : i32
      %mul3A_300 = arith.muli %arg1, %mul3A_299 : i32
      "tpu.region"() ({
        %run_scoped3A = tpu.sem_alloc : memref<!tpu.dma_semaphore, #tpu.memory_space<semaphore_mem>>
        %dma_start3A = tpu.memref_slice %arg3[%mul3A_300] : memref<10240xf32, #tpu.memory_space<hbm>> -> memref<640xf32, #tpu.memory_space<hbm>>
        %dma_start3A_301 = tpu.memref_slice %arg7[%mul3A_298] : memref<10240xf32, #tpu.memory_space<vmem_shared>> -> memref<640xf32, #tpu.memory_space<vmem_shared>>
        tpu.enqueue_dma source(%dma_start3A_301 : memref<640xf32, #tpu.memory_space<vmem_shared>>) target(%dma_start3A : memref<640xf32, #tpu.memory_space<hbm>>) target_semaphore(%run_scoped3A : memref<!tpu.dma_semaphore, #tpu.memory_space<semaphore_mem>>)
        %dma_wait3A = tpu.memref_slice %arg3[%mul3A_300] : memref<10240xf32, #tpu.memory_space<hbm>> -> memref<640xf32, #tpu.memory_space<hbm>>
        %dma_wait3A_302 = tpu.memref_slice %arg7[%mul3A_298] : memref<10240xf32, #tpu.memory_space<vmem_shared>> -> memref<640xf32, #tpu.memory_space<vmem_shared>>
        tpu.wait_dma2 semaphore(%run_scoped3A : memref<!tpu.dma_semaphore, #tpu.memory_space<semaphore_mem>>) src(%dma_wait3A_302 : memref<640xf32, #tpu.memory_space<vmem_shared>>) dst(%dma_wait3A : memref<640xf32, #tpu.memory_space<hbm>>)
        tpu.yield
      }) : () -> ()
    } else {
    }
    return
  }
}

#map = affine_map<(d0, d1) -> (0, 0)>
module attributes {stable_mosaic.version = 14 : i64} {
  func.func @_prop_body(%arg0: i32, %arg1: i32, %arg2: memref<10240x128xf32, #tpu.memory_space<hbm>>, %arg3: memref<10240x128xf32, #tpu.memory_space<hbm>>, %arg4: memref<1280x128xi32, #tpu.memory_space<hbm>>, %arg5: memref<1280x128xi32, #tpu.memory_space<hbm>>, %arg6: memref<10240x128xf32, #tpu.memory_space<hbm>>, %arg7: memref<10240x128xf32, #tpu.memory_space<hbm>>, %arg8: memref<40x128xi32, #tpu.memory_space<vmem>>, %arg9: memref<40x128xi32, #tpu.memory_space<vmem>>, %arg10: memref<128x128xf32, #tpu.memory_space<vmem>>, %arg11: memref<128x128xf32, #tpu.memory_space<vmem>>, %arg12: memref<10240x128xf32, #tpu.memory_space<vmem_shared>>, %arg13: memref<2x!tpu.dma_semaphore, #tpu.memory_space<semaphore_mem>>) attributes {dimension_semantics = [#tpu.dimension_semantics<core_parallel>, #tpu.dimension_semantics<subcore_parallel>], iteration_bounds = array<i64: 2, 16>, scalar_prefetch = 0 : i64, scratch_operands = 6 : i64, tpu.core_type = #tpu.core_type<sc_vector_subcore>, window_params = [{transform_indices = #map}, {transform_indices = #map}, {transform_indices = #map}, {transform_indices = #map}, {transform_indices = #map}, {transform_indices = #map}]} {
    %eq3A = arith.constant 0 : i32
    %eq3A_0 = arith.cmpi eq, %arg0, %eq3A : i32
    %convert_element_type3A = arith.extui %eq3A_0 : i1 to i32
    %cond3A = arith.constant 0 : i32
    %cond3A_1 = arith.cmpi ne, %convert_element_type3A, %cond3A : i32
    scf.if %cond3A_1 {
      %mul3A = arith.constant 640 : i32
      %mul3A_7 = arith.muli %arg1, %mul3A : i32
      %mul3A_8 = arith.constant 640 : i32
      %mul3A_9 = arith.muli %arg1, %mul3A_8 : i32
      "tpu.region"() ({
        %run_scoped3A = tpu.sem_alloc : memref<!tpu.dma_semaphore, #tpu.memory_space<semaphore_mem>>
        %dma_start3A_72 = arith.constant 0 : i32
        %dma_start3A_73 = tpu.memref_slice %arg12[%mul3A_9, %dma_start3A_72] : memref<10240x128xf32, #tpu.memory_space<vmem_shared>> -> memref<640x128xf32, #tpu.memory_space<vmem_shared>>
        %dma_start3A_74 = arith.constant 0 : i32
        %dma_start3A_75 = tpu.memref_slice %arg2[%mul3A_7, %dma_start3A_74] : memref<10240x128xf32, #tpu.memory_space<hbm>> -> memref<640x128xf32, #tpu.memory_space<hbm>>
        tpu.enqueue_dma source(%dma_start3A_75 : memref<640x128xf32, #tpu.memory_space<hbm>>) target(%dma_start3A_73 : memref<640x128xf32, #tpu.memory_space<vmem_shared>>) target_semaphore(%run_scoped3A : memref<!tpu.dma_semaphore, #tpu.memory_space<semaphore_mem>>)
        %dma_wait3A = arith.constant 0 : i32
        %dma_wait3A_76 = tpu.memref_slice %arg12[%mul3A_9, %dma_wait3A] : memref<10240x128xf32, #tpu.memory_space<vmem_shared>> -> memref<640x128xf32, #tpu.memory_space<vmem_shared>>
        %dma_wait3A_77 = arith.constant 0 : i32
        %dma_wait3A_78 = tpu.memref_slice %arg2[%mul3A_7, %dma_wait3A_77] : memref<10240x128xf32, #tpu.memory_space<hbm>> -> memref<640x128xf32, #tpu.memory_space<hbm>>
        tpu.wait_dma2 semaphore(%run_scoped3A : memref<!tpu.dma_semaphore, #tpu.memory_space<semaphore_mem>>) src(%dma_wait3A_78 : memref<640x128xf32, #tpu.memory_space<hbm>>) dst(%dma_wait3A_76 : memref<640x128xf32, #tpu.memory_space<vmem_shared>>)
        tpu.yield
      }) : () -> ()
      %barrier3A = arith.constant 0 : index
      tpu.barrier barrier_id(%barrier3A)
      %mul3A_10 = arith.constant 80 : i32
      %mul3A_11 = arith.muli %arg1, %mul3A_10 : i32
      %add3A = arith.constant 0 : i32
      %add3A_12 = arith.addi %mul3A_11, %add3A : i32
      "tpu.region"() ({
        %run_scoped3A = tpu.sem_alloc : memref<!tpu.dma_semaphore, #tpu.memory_space<semaphore_mem>>
        %dma_start3A_72 = arith.constant 0 : i32
        %dma_start3A_73 = tpu.memref_slice %arg4[%add3A_12, %dma_start3A_72] : memref<1280x128xi32, #tpu.memory_space<hbm>> -> memref<40x128xi32, #tpu.memory_space<hbm>>
        %dma_start3A_74 = arith.constant 0 : i32
        %dma_start3A_75 = tpu.memref_slice %arg4[%add3A_12, %dma_start3A_74] : memref<1280x128xi32, #tpu.memory_space<hbm>> -> memref<40x128xi32, #tpu.memory_space<hbm>>
        tpu.enqueue_dma source(%dma_start3A_75 : memref<40x128xi32, #tpu.memory_space<hbm>>) target(%arg8 : memref<40x128xi32, #tpu.memory_space<vmem>>) target_semaphore(%run_scoped3A : memref<!tpu.dma_semaphore, #tpu.memory_space<semaphore_mem>>)
        %dma_wait3A = arith.constant 0 : i32
        %dma_wait3A_76 = tpu.memref_slice %arg4[%add3A_12, %dma_wait3A] : memref<1280x128xi32, #tpu.memory_space<hbm>> -> memref<40x128xi32, #tpu.memory_space<hbm>>
        %dma_wait3A_77 = arith.constant 0 : i32
        %dma_wait3A_78 = tpu.memref_slice %arg4[%add3A_12, %dma_wait3A_77] : memref<1280x128xi32, #tpu.memory_space<hbm>> -> memref<40x128xi32, #tpu.memory_space<hbm>>
        tpu.wait_dma2 semaphore(%run_scoped3A : memref<!tpu.dma_semaphore, #tpu.memory_space<semaphore_mem>>) src(%dma_wait3A_78 : memref<40x128xi32, #tpu.memory_space<hbm>>) dst(%arg8 : memref<40x128xi32, #tpu.memory_space<vmem>>)
        tpu.yield
      }) : () -> ()
      "tpu.region"() ({
        %run_scoped3A = tpu.sem_alloc : memref<!tpu.dma_semaphore, #tpu.memory_space<semaphore_mem>>
        %dma_start3A_72 = arith.constant 0 : i32
        %dma_start3A_73 = tpu.memref_slice %arg5[%add3A_12, %dma_start3A_72] : memref<1280x128xi32, #tpu.memory_space<hbm>> -> memref<40x128xi32, #tpu.memory_space<hbm>>
        %dma_start3A_74 = arith.constant 0 : i32
        %dma_start3A_75 = tpu.memref_slice %arg5[%add3A_12, %dma_start3A_74] : memref<1280x128xi32, #tpu.memory_space<hbm>> -> memref<40x128xi32, #tpu.memory_space<hbm>>
        tpu.enqueue_dma source(%dma_start3A_75 : memref<40x128xi32, #tpu.memory_space<hbm>>) target(%arg9 : memref<40x128xi32, #tpu.memory_space<vmem>>) target_semaphore(%run_scoped3A : memref<!tpu.dma_semaphore, #tpu.memory_space<semaphore_mem>>)
        %dma_wait3A = arith.constant 0 : i32
        %dma_wait3A_76 = tpu.memref_slice %arg5[%add3A_12, %dma_wait3A] : memref<1280x128xi32, #tpu.memory_space<hbm>> -> memref<40x128xi32, #tpu.memory_space<hbm>>
        %dma_wait3A_77 = arith.constant 0 : i32
        %dma_wait3A_78 = tpu.memref_slice %arg5[%add3A_12, %dma_wait3A_77] : memref<1280x128xi32, #tpu.memory_space<hbm>> -> memref<40x128xi32, #tpu.memory_space<hbm>>
        tpu.wait_dma2 semaphore(%run_scoped3A : memref<!tpu.dma_semaphore, #tpu.memory_space<semaphore_mem>>) src(%dma_wait3A_78 : memref<40x128xi32, #tpu.memory_space<hbm>>) dst(%arg9 : memref<40x128xi32, #tpu.memory_space<vmem>>)
        tpu.yield
      }) : () -> ()
      %dma_start3A = arith.constant 0 : i32
      %dma_start3A_13 = arith.constant 0 : i32
      %dma_start3A_14 = arith.constant 0 : i32
      %dma_start3A_15 = tpu.memref_slice %arg8[%dma_start3A, %dma_start3A_14] : memref<40x128xi32, #tpu.memory_space<vmem>> -> memref<1x128xi32, #tpu.memory_space<vmem>>
      %dma_start3A_16 = tpu.memref_squeeze %dma_start3A_15 : memref<1x128xi32, #tpu.memory_space<vmem>> -> memref<128xi32, #tpu.memory_space<vmem>>
      %dma_start3A_17 = arith.constant 0 : i32
      %dma_start3A_18 = arith.constant 0 : i32
      %dma_start3A_19 = tpu.memref_slice %arg2[%dma_start3A_17, %dma_start3A_18] : memref<10240x128xf32, #tpu.memory_space<hbm>> -> memref<10240x128xf32, #tpu.memory_space<hbm>>
      %dma_start3A_20 = tpu.memref_slice %arg13[%dma_start3A_13] : memref<2x!tpu.dma_semaphore, #tpu.memory_space<semaphore_mem>> -> memref<1x!tpu.dma_semaphore, #tpu.memory_space<semaphore_mem>>
      %dma_start3A_21 = tpu.memref_squeeze %dma_start3A_20 : memref<1x!tpu.dma_semaphore, #tpu.memory_space<semaphore_mem>> -> memref<!tpu.dma_semaphore, #tpu.memory_space<semaphore_mem>>
      tpu.enqueue_indirect_dma source(%dma_start3A_19 : memref<10240x128xf32, #tpu.memory_space<hbm>>) target(%arg10 : memref<128x128xf32, #tpu.memory_space<vmem>>) offsets(%dma_start3A_16 : memref<128xi32, #tpu.memory_space<vmem>>) semaphore(%dma_start3A_21 : memref<!tpu.dma_semaphore, #tpu.memory_space<semaphore_mem>>)
      %dma_start3A_22 = arith.constant 1 : i32
      %dma_start3A_23 = arith.constant 1 : i32
      %dma_start3A_24 = arith.constant 0 : i32
      %dma_start3A_25 = tpu.memref_slice %arg8[%dma_start3A_22, %dma_start3A_24] : memref<40x128xi32, #tpu.memory_space<vmem>> -> memref<1x128xi32, #tpu.memory_space<vmem>>
      %dma_start3A_26 = tpu.memref_squeeze %dma_start3A_25 : memref<1x128xi32, #tpu.memory_space<vmem>> -> memref<128xi32, #tpu.memory_space<vmem>>
      %dma_start3A_27 = arith.constant 0 : i32
      %dma_start3A_28 = arith.constant 0 : i32
      %dma_start3A_29 = tpu.memref_slice %arg2[%dma_start3A_27, %dma_start3A_28] : memref<10240x128xf32, #tpu.memory_space<hbm>> -> memref<10240x128xf32, #tpu.memory_space<hbm>>
      %dma_start3A_30 = tpu.memref_slice %arg13[%dma_start3A_23] : memref<2x!tpu.dma_semaphore, #tpu.memory_space<semaphore_mem>> -> memref<1x!tpu.dma_semaphore, #tpu.memory_space<semaphore_mem>>
      %dma_start3A_31 = tpu.memref_squeeze %dma_start3A_30 : memref<1x!tpu.dma_semaphore, #tpu.memory_space<semaphore_mem>> -> memref<!tpu.dma_semaphore, #tpu.memory_space<semaphore_mem>>
      tpu.enqueue_indirect_dma source(%dma_start3A_29 : memref<10240x128xf32, #tpu.memory_space<hbm>>) target(%arg11 : memref<128x128xf32, #tpu.memory_space<vmem>>) offsets(%dma_start3A_26 : memref<128xi32, #tpu.memory_space<vmem>>) semaphore(%dma_start3A_31 : memref<!tpu.dma_semaphore, #tpu.memory_space<semaphore_mem>>)
      %scan3A = arith.constant 0 : i32
      %scan3A_32 = arith.constant 0 : i32
      %scan3A_33 = arith.constant 20 : i32
      %scan3A_34 = arith.addi %scan3A_32, %scan3A_33 : i32
      %scan3A_35 = arith.constant 1 : i32
      scf.for %scan3A_72 = %scan3A_32 to %scan3A_34 step %scan3A_35  : i32 {
        %mul3A_73 = arith.constant 2 : i32
        %mul3A_74 = arith.muli %scan3A_72, %mul3A_73 : i32
        %add3A_75 = arith.constant 0 : i32
        %add3A_76 = arith.addi %mul3A_74, %add3A_75 : i32
        %dma_wait3A = arith.constant 0 : i32
        %dma_wait3A_77 = arith.constant 0 : i32
        %dma_wait3A_78 = tpu.memref_slice %arg8[%add3A_76, %dma_wait3A_77] : memref<40x128xi32, #tpu.memory_space<vmem>> -> memref<1x128xi32, #tpu.memory_space<vmem>>
        %dma_wait3A_79 = tpu.memref_squeeze %dma_wait3A_78 : memref<1x128xi32, #tpu.memory_space<vmem>> -> memref<128xi32, #tpu.memory_space<vmem>>
        %dma_wait3A_80 = arith.constant 0 : i32
        %dma_wait3A_81 = arith.constant 0 : i32
        %dma_wait3A_82 = tpu.memref_slice %arg2[%dma_wait3A_80, %dma_wait3A_81] : memref<10240x128xf32, #tpu.memory_space<hbm>> -> memref<10240x128xf32, #tpu.memory_space<hbm>>
        %dma_wait3A_83 = tpu.memref_slice %arg13[%dma_wait3A] : memref<2x!tpu.dma_semaphore, #tpu.memory_space<semaphore_mem>> -> memref<1x!tpu.dma_semaphore, #tpu.memory_space<semaphore_mem>>
        %dma_wait3A_84 = tpu.memref_squeeze %dma_wait3A_83 : memref<1x!tpu.dma_semaphore, #tpu.memory_space<semaphore_mem>> -> memref<!tpu.dma_semaphore, #tpu.memory_space<semaphore_mem>>
        tpu.wait_indirect_dma semaphore(%dma_wait3A_84 : memref<!tpu.dma_semaphore, #tpu.memory_space<semaphore_mem>>) src(%dma_wait3A_82 : memref<10240x128xf32, #tpu.memory_space<hbm>>) dst(%arg10 : memref<128x128xf32, #tpu.memory_space<vmem>>)
        "tpu.region"() ({
          %run_scoped3A = tpu.sem_alloc : memref<!tpu.dma_semaphore, #tpu.memory_space<semaphore_mem>>
          %dma_start3A_111 = arith.constant 0 : i32
          %dma_start3A_112 = tpu.memref_slice %arg9[%add3A_76, %dma_start3A_111] : memref<40x128xi32, #tpu.memory_space<vmem>> -> memref<1x128xi32, #tpu.memory_space<vmem>>
          %dma_start3A_113 = tpu.memref_squeeze %dma_start3A_112 : memref<1x128xi32, #tpu.memory_space<vmem>> -> memref<128xi32, #tpu.memory_space<vmem>>
          %dma_start3A_114 = arith.constant 0 : i32
          %dma_start3A_115 = arith.constant 0 : i32
          %dma_start3A_116 = tpu.memref_slice %arg12[%dma_start3A_114, %dma_start3A_115] : memref<10240x128xf32, #tpu.memory_space<vmem_shared>> -> memref<10240x128xf32, #tpu.memory_space<vmem_shared>>
          tpu.enqueue_indirect_dma source(%arg10 : memref<128x128xf32, #tpu.memory_space<vmem>>) target(%dma_start3A_116 : memref<10240x128xf32, #tpu.memory_space<vmem_shared>>) offsets(%dma_start3A_113 : memref<128xi32, #tpu.memory_space<vmem>>) semaphore(%run_scoped3A : memref<!tpu.dma_semaphore, #tpu.memory_space<semaphore_mem>>) {add = true}
          %dma_wait3A_117 = arith.constant 0 : i32
          %dma_wait3A_118 = tpu.memref_slice %arg9[%add3A_76, %dma_wait3A_117] : memref<40x128xi32, #tpu.memory_space<vmem>> -> memref<1x128xi32, #tpu.memory_space<vmem>>
          %dma_wait3A_119 = tpu.memref_squeeze %dma_wait3A_118 : memref<1x128xi32, #tpu.memory_space<vmem>> -> memref<128xi32, #tpu.memory_space<vmem>>
          %dma_wait3A_120 = arith.constant 0 : i32
          %dma_wait3A_121 = arith.constant 0 : i32
          %dma_wait3A_122 = tpu.memref_slice %arg12[%dma_wait3A_120, %dma_wait3A_121] : memref<10240x128xf32, #tpu.memory_space<vmem_shared>> -> memref<10240x128xf32, #tpu.memory_space<vmem_shared>>
          tpu.wait_indirect_dma semaphore(%run_scoped3A : memref<!tpu.dma_semaphore, #tpu.memory_space<semaphore_mem>>) src(%arg10 : memref<128x128xf32, #tpu.memory_space<vmem>>) dst(%dma_wait3A_122 : memref<10240x128xf32, #tpu.memory_space<vmem_shared>>)
          tpu.yield
        }) : () -> ()
        %add3A_85 = arith.constant 2 : i32
        %add3A_86 = arith.addi %add3A_76, %add3A_85 : i32
        %lt3A = arith.constant 40 : i32
        %lt3A_87 = arith.cmpi slt, %add3A_86, %lt3A : i32
        %convert_element_type3A_88 = arith.extui %lt3A_87 : i1 to i32
        %cond3A_89 = arith.constant 0 : i32
        %cond3A_90 = arith.cmpi ne, %convert_element_type3A_88, %cond3A_89 : i32
        scf.if %cond3A_90 {
          %add3A_111 = arith.constant 2 : i32
          %add3A_112 = arith.addi %add3A_76, %add3A_111 : i32
          %dma_start3A_113 = arith.constant 0 : i32
          %dma_start3A_114 = arith.constant 0 : i32
          %dma_start3A_115 = tpu.memref_slice %arg8[%add3A_112, %dma_start3A_114] : memref<40x128xi32, #tpu.memory_space<vmem>> -> memref<1x128xi32, #tpu.memory_space<vmem>>
          %dma_start3A_116 = tpu.memref_squeeze %dma_start3A_115 : memref<1x128xi32, #tpu.memory_space<vmem>> -> memref<128xi32, #tpu.memory_space<vmem>>
          %dma_start3A_117 = arith.constant 0 : i32
          %dma_start3A_118 = arith.constant 0 : i32
          %dma_start3A_119 = tpu.memref_slice %arg2[%dma_start3A_117, %dma_start3A_118] : memref<10240x128xf32, #tpu.memory_space<hbm>> -> memref<10240x128xf32, #tpu.memory_space<hbm>>
          %dma_start3A_120 = tpu.memref_slice %arg13[%dma_start3A_113] : memref<2x!tpu.dma_semaphore, #tpu.memory_space<semaphore_mem>> -> memref<1x!tpu.dma_semaphore, #tpu.memory_space<semaphore_mem>>
          %dma_start3A_121 = tpu.memref_squeeze %dma_start3A_120 : memref<1x!tpu.dma_semaphore, #tpu.memory_space<semaphore_mem>> -> memref<!tpu.dma_semaphore, #tpu.memory_space<semaphore_mem>>
          tpu.enqueue_indirect_dma source(%dma_start3A_119 : memref<10240x128xf32, #tpu.memory_space<hbm>>) target(%arg10 : memref<128x128xf32, #tpu.memory_space<vmem>>) offsets(%dma_start3A_116 : memref<128xi32, #tpu.memory_space<vmem>>) semaphore(%dma_start3A_121 : memref<!tpu.dma_semaphore, #tpu.memory_space<semaphore_mem>>)
        } else {
        }
        %mul3A_91 = arith.constant 2 : i32
        %mul3A_92 = arith.muli %scan3A_72, %mul3A_91 : i32
        %add3A_93 = arith.constant 1 : i32
        %add3A_94 = arith.addi %mul3A_92, %add3A_93 : i32
        %dma_wait3A_95 = arith.constant 1 : i32
        %dma_wait3A_96 = arith.constant 0 : i32
        %dma_wait3A_97 = tpu.memref_slice %arg8[%add3A_94, %dma_wait3A_96] : memref<40x128xi32, #tpu.memory_space<vmem>> -> memref<1x128xi32, #tpu.memory_space<vmem>>
        %dma_wait3A_98 = tpu.memref_squeeze %dma_wait3A_97 : memref<1x128xi32, #tpu.memory_space<vmem>> -> memref<128xi32, #tpu.memory_space<vmem>>
        %dma_wait3A_99 = arith.constant 0 : i32
        %dma_wait3A_100 = arith.constant 0 : i32
        %dma_wait3A_101 = tpu.memref_slice %arg2[%dma_wait3A_99, %dma_wait3A_100] : memref<10240x128xf32, #tpu.memory_space<hbm>> -> memref<10240x128xf32, #tpu.memory_space<hbm>>
        %dma_wait3A_102 = tpu.memref_slice %arg13[%dma_wait3A_95] : memref<2x!tpu.dma_semaphore, #tpu.memory_space<semaphore_mem>> -> memref<1x!tpu.dma_semaphore, #tpu.memory_space<semaphore_mem>>
        %dma_wait3A_103 = tpu.memref_squeeze %dma_wait3A_102 : memref<1x!tpu.dma_semaphore, #tpu.memory_space<semaphore_mem>> -> memref<!tpu.dma_semaphore, #tpu.memory_space<semaphore_mem>>
        tpu.wait_indirect_dma semaphore(%dma_wait3A_103 : memref<!tpu.dma_semaphore, #tpu.memory_space<semaphore_mem>>) src(%dma_wait3A_101 : memref<10240x128xf32, #tpu.memory_space<hbm>>) dst(%arg11 : memref<128x128xf32, #tpu.memory_space<vmem>>)
        "tpu.region"() ({
          %run_scoped3A = tpu.sem_alloc : memref<!tpu.dma_semaphore, #tpu.memory_space<semaphore_mem>>
          %dma_start3A_111 = arith.constant 0 : i32
          %dma_start3A_112 = tpu.memref_slice %arg9[%add3A_94, %dma_start3A_111] : memref<40x128xi32, #tpu.memory_space<vmem>> -> memref<1x128xi32, #tpu.memory_space<vmem>>
          %dma_start3A_113 = tpu.memref_squeeze %dma_start3A_112 : memref<1x128xi32, #tpu.memory_space<vmem>> -> memref<128xi32, #tpu.memory_space<vmem>>
          %dma_start3A_114 = arith.constant 0 : i32
          %dma_start3A_115 = arith.constant 0 : i32
          %dma_start3A_116 = tpu.memref_slice %arg12[%dma_start3A_114, %dma_start3A_115] : memref<10240x128xf32, #tpu.memory_space<vmem_shared>> -> memref<10240x128xf32, #tpu.memory_space<vmem_shared>>
          tpu.enqueue_indirect_dma source(%arg11 : memref<128x128xf32, #tpu.memory_space<vmem>>) target(%dma_start3A_116 : memref<10240x128xf32, #tpu.memory_space<vmem_shared>>) offsets(%dma_start3A_113 : memref<128xi32, #tpu.memory_space<vmem>>) semaphore(%run_scoped3A : memref<!tpu.dma_semaphore, #tpu.memory_space<semaphore_mem>>) {add = true}
          %dma_wait3A_117 = arith.constant 0 : i32
          %dma_wait3A_118 = tpu.memref_slice %arg9[%add3A_94, %dma_wait3A_117] : memref<40x128xi32, #tpu.memory_space<vmem>> -> memref<1x128xi32, #tpu.memory_space<vmem>>
          %dma_wait3A_119 = tpu.memref_squeeze %dma_wait3A_118 : memref<1x128xi32, #tpu.memory_space<vmem>> -> memref<128xi32, #tpu.memory_space<vmem>>
          %dma_wait3A_120 = arith.constant 0 : i32
          %dma_wait3A_121 = arith.constant 0 : i32
          %dma_wait3A_122 = tpu.memref_slice %arg12[%dma_wait3A_120, %dma_wait3A_121] : memref<10240x128xf32, #tpu.memory_space<vmem_shared>> -> memref<10240x128xf32, #tpu.memory_space<vmem_shared>>
          tpu.wait_indirect_dma semaphore(%run_scoped3A : memref<!tpu.dma_semaphore, #tpu.memory_space<semaphore_mem>>) src(%arg11 : memref<128x128xf32, #tpu.memory_space<vmem>>) dst(%dma_wait3A_122 : memref<10240x128xf32, #tpu.memory_space<vmem_shared>>)
          tpu.yield
        }) : () -> ()
        %add3A_104 = arith.constant 2 : i32
        %add3A_105 = arith.addi %add3A_94, %add3A_104 : i32
        %lt3A_106 = arith.constant 40 : i32
        %lt3A_107 = arith.cmpi slt, %add3A_105, %lt3A_106 : i32
        %convert_element_type3A_108 = arith.extui %lt3A_107 : i1 to i32
        %cond3A_109 = arith.constant 0 : i32
        %cond3A_110 = arith.cmpi ne, %convert_element_type3A_108, %cond3A_109 : i32
        scf.if %cond3A_110 {
          %add3A_111 = arith.constant 2 : i32
          %add3A_112 = arith.addi %add3A_94, %add3A_111 : i32
          %dma_start3A_113 = arith.constant 1 : i32
          %dma_start3A_114 = arith.constant 0 : i32
          %dma_start3A_115 = tpu.memref_slice %arg8[%add3A_112, %dma_start3A_114] : memref<40x128xi32, #tpu.memory_space<vmem>> -> memref<1x128xi32, #tpu.memory_space<vmem>>
          %dma_start3A_116 = tpu.memref_squeeze %dma_start3A_115 : memref<1x128xi32, #tpu.memory_space<vmem>> -> memref<128xi32, #tpu.memory_space<vmem>>
          %dma_start3A_117 = arith.constant 0 : i32
          %dma_start3A_118 = arith.constant 0 : i32
          %dma_start3A_119 = tpu.memref_slice %arg2[%dma_start3A_117, %dma_start3A_118] : memref<10240x128xf32, #tpu.memory_space<hbm>> -> memref<10240x128xf32, #tpu.memory_space<hbm>>
          %dma_start3A_120 = tpu.memref_slice %arg13[%dma_start3A_113] : memref<2x!tpu.dma_semaphore, #tpu.memory_space<semaphore_mem>> -> memref<1x!tpu.dma_semaphore, #tpu.memory_space<semaphore_mem>>
          %dma_start3A_121 = tpu.memref_squeeze %dma_start3A_120 : memref<1x!tpu.dma_semaphore, #tpu.memory_space<semaphore_mem>> -> memref<!tpu.dma_semaphore, #tpu.memory_space<semaphore_mem>>
          tpu.enqueue_indirect_dma source(%dma_start3A_119 : memref<10240x128xf32, #tpu.memory_space<hbm>>) target(%arg11 : memref<128x128xf32, #tpu.memory_space<vmem>>) offsets(%dma_start3A_116 : memref<128xi32, #tpu.memory_space<vmem>>) semaphore(%dma_start3A_121 : memref<!tpu.dma_semaphore, #tpu.memory_space<semaphore_mem>>)
        } else {
        }
      }
      %scan3A_36 = arith.constant 20 : i32
      %mul3A_37 = arith.constant 80 : i32
      %mul3A_38 = arith.muli %arg1, %mul3A_37 : i32
      %add3A_39 = arith.constant 40 : i32
      %add3A_40 = arith.addi %mul3A_38, %add3A_39 : i32
      "tpu.region"() ({
        %run_scoped3A = tpu.sem_alloc : memref<!tpu.dma_semaphore, #tpu.memory_space<semaphore_mem>>
        %dma_start3A_72 = arith.constant 0 : i32
        %dma_start3A_73 = tpu.memref_slice %arg4[%add3A_40, %dma_start3A_72] : memref<1280x128xi32, #tpu.memory_space<hbm>> -> memref<40x128xi32, #tpu.memory_space<hbm>>
        %dma_start3A_74 = arith.constant 0 : i32
        %dma_start3A_75 = tpu.memref_slice %arg4[%add3A_40, %dma_start3A_74] : memref<1280x128xi32, #tpu.memory_space<hbm>> -> memref<40x128xi32, #tpu.memory_space<hbm>>
        tpu.enqueue_dma source(%dma_start3A_75 : memref<40x128xi32, #tpu.memory_space<hbm>>) target(%arg8 : memref<40x128xi32, #tpu.memory_space<vmem>>) target_semaphore(%run_scoped3A : memref<!tpu.dma_semaphore, #tpu.memory_space<semaphore_mem>>)
        %dma_wait3A = arith.constant 0 : i32
        %dma_wait3A_76 = tpu.memref_slice %arg4[%add3A_40, %dma_wait3A] : memref<1280x128xi32, #tpu.memory_space<hbm>> -> memref<40x128xi32, #tpu.memory_space<hbm>>
        %dma_wait3A_77 = arith.constant 0 : i32
        %dma_wait3A_78 = tpu.memref_slice %arg4[%add3A_40, %dma_wait3A_77] : memref<1280x128xi32, #tpu.memory_space<hbm>> -> memref<40x128xi32, #tpu.memory_space<hbm>>
        tpu.wait_dma2 semaphore(%run_scoped3A : memref<!tpu.dma_semaphore, #tpu.memory_space<semaphore_mem>>) src(%dma_wait3A_78 : memref<40x128xi32, #tpu.memory_space<hbm>>) dst(%arg8 : memref<40x128xi32, #tpu.memory_space<vmem>>)
        tpu.yield
      }) : () -> ()
      "tpu.region"() ({
        %run_scoped3A = tpu.sem_alloc : memref<!tpu.dma_semaphore, #tpu.memory_space<semaphore_mem>>
        %dma_start3A_72 = arith.constant 0 : i32
        %dma_start3A_73 = tpu.memref_slice %arg5[%add3A_40, %dma_start3A_72] : memref<1280x128xi32, #tpu.memory_space<hbm>> -> memref<40x128xi32, #tpu.memory_space<hbm>>
        %dma_start3A_74 = arith.constant 0 : i32
        %dma_start3A_75 = tpu.memref_slice %arg5[%add3A_40, %dma_start3A_74] : memref<1280x128xi32, #tpu.memory_space<hbm>> -> memref<40x128xi32, #tpu.memory_space<hbm>>
        tpu.enqueue_dma source(%dma_start3A_75 : memref<40x128xi32, #tpu.memory_space<hbm>>) target(%arg9 : memref<40x128xi32, #tpu.memory_space<vmem>>) target_semaphore(%run_scoped3A : memref<!tpu.dma_semaphore, #tpu.memory_space<semaphore_mem>>)
        %dma_wait3A = arith.constant 0 : i32
        %dma_wait3A_76 = tpu.memref_slice %arg5[%add3A_40, %dma_wait3A] : memref<1280x128xi32, #tpu.memory_space<hbm>> -> memref<40x128xi32, #tpu.memory_space<hbm>>
        %dma_wait3A_77 = arith.constant 0 : i32
        %dma_wait3A_78 = tpu.memref_slice %arg5[%add3A_40, %dma_wait3A_77] : memref<1280x128xi32, #tpu.memory_space<hbm>> -> memref<40x128xi32, #tpu.memory_space<hbm>>
        tpu.wait_dma2 semaphore(%run_scoped3A : memref<!tpu.dma_semaphore, #tpu.memory_space<semaphore_mem>>) src(%dma_wait3A_78 : memref<40x128xi32, #tpu.memory_space<hbm>>) dst(%arg9 : memref<40x128xi32, #tpu.memory_space<vmem>>)
        tpu.yield
      }) : () -> ()
      %dma_start3A_41 = arith.constant 0 : i32
      %dma_start3A_42 = arith.constant 0 : i32
      %dma_start3A_43 = arith.constant 0 : i32
      %dma_start3A_44 = tpu.memref_slice %arg8[%dma_start3A_41, %dma_start3A_43] : memref<40x128xi32, #tpu.memory_space<vmem>> -> memref<1x128xi32, #tpu.memory_space<vmem>>
      %dma_start3A_45 = tpu.memref_squeeze %dma_start3A_44 : memref<1x128xi32, #tpu.memory_space<vmem>> -> memref<128xi32, #tpu.memory_space<vmem>>
      %dma_start3A_46 = arith.constant 0 : i32
      %dma_start3A_47 = arith.constant 0 : i32
      %dma_start3A_48 = tpu.memref_slice %arg2[%dma_start3A_46, %dma_start3A_47] : memref<10240x128xf32, #tpu.memory_space<hbm>> -> memref<10240x128xf32, #tpu.memory_space<hbm>>
      %dma_start3A_49 = tpu.memref_slice %arg13[%dma_start3A_42] : memref<2x!tpu.dma_semaphore, #tpu.memory_space<semaphore_mem>> -> memref<1x!tpu.dma_semaphore, #tpu.memory_space<semaphore_mem>>
      %dma_start3A_50 = tpu.memref_squeeze %dma_start3A_49 : memref<1x!tpu.dma_semaphore, #tpu.memory_space<semaphore_mem>> -> memref<!tpu.dma_semaphore, #tpu.memory_space<semaphore_mem>>
      tpu.enqueue_indirect_dma source(%dma_start3A_48 : memref<10240x128xf32, #tpu.memory_space<hbm>>) target(%arg10 : memref<128x128xf32, #tpu.memory_space<vmem>>) offsets(%dma_start3A_45 : memref<128xi32, #tpu.memory_space<vmem>>) semaphore(%dma_start3A_50 : memref<!tpu.dma_semaphore, #tpu.memory_space<semaphore_mem>>)
      %dma_start3A_51 = arith.constant 1 : i32
      %dma_start3A_52 = arith.constant 1 : i32
      %dma_start3A_53 = arith.constant 0 : i32
      %dma_start3A_54 = tpu.memref_slice %arg8[%dma_start3A_51, %dma_start3A_53] : memref<40x128xi32, #tpu.memory_space<vmem>> -> memref<1x128xi32, #tpu.memory_space<vmem>>
      %dma_start3A_55 = tpu.memref_squeeze %dma_start3A_54 : memref<1x128xi32, #tpu.memory_space<vmem>> -> memref<128xi32, #tpu.memory_space<vmem>>
      %dma_start3A_56 = arith.constant 0 : i32
      %dma_start3A_57 = arith.constant 0 : i32
      %dma_start3A_58 = tpu.memref_slice %arg2[%dma_start3A_56, %dma_start3A_57] : memref<10240x128xf32, #tpu.memory_space<hbm>> -> memref<10240x128xf32, #tpu.memory_space<hbm>>
      %dma_start3A_59 = tpu.memref_slice %arg13[%dma_start3A_52] : memref<2x!tpu.dma_semaphore, #tpu.memory_space<semaphore_mem>> -> memref<1x!tpu.dma_semaphore, #tpu.memory_space<semaphore_mem>>
      %dma_start3A_60 = tpu.memref_squeeze %dma_start3A_59 : memref<1x!tpu.dma_semaphore, #tpu.memory_space<semaphore_mem>> -> memref<!tpu.dma_semaphore, #tpu.memory_space<semaphore_mem>>
      tpu.enqueue_indirect_dma source(%dma_start3A_58 : memref<10240x128xf32, #tpu.memory_space<hbm>>) target(%arg11 : memref<128x128xf32, #tpu.memory_space<vmem>>) offsets(%dma_start3A_55 : memref<128xi32, #tpu.memory_space<vmem>>) semaphore(%dma_start3A_60 : memref<!tpu.dma_semaphore, #tpu.memory_space<semaphore_mem>>)
      %scan3A_61 = arith.constant 0 : i32
      %scan3A_62 = arith.constant 0 : i32
      %scan3A_63 = arith.constant 20 : i32
      %scan3A_64 = arith.addi %scan3A_62, %scan3A_63 : i32
      %scan3A_65 = arith.constant 1 : i32
      scf.for %scan3A_72 = %scan3A_62 to %scan3A_64 step %scan3A_65  : i32 {
        %mul3A_73 = arith.constant 2 : i32
        %mul3A_74 = arith.muli %scan3A_72, %mul3A_73 : i32
        %add3A_75 = arith.constant 0 : i32
        %add3A_76 = arith.addi %mul3A_74, %add3A_75 : i32
        %dma_wait3A = arith.constant 0 : i32
        %dma_wait3A_77 = arith.constant 0 : i32
        %dma_wait3A_78 = tpu.memref_slice %arg8[%add3A_76, %dma_wait3A_77] : memref<40x128xi32, #tpu.memory_space<vmem>> -> memref<1x128xi32, #tpu.memory_space<vmem>>
        %dma_wait3A_79 = tpu.memref_squeeze %dma_wait3A_78 : memref<1x128xi32, #tpu.memory_space<vmem>> -> memref<128xi32, #tpu.memory_space<vmem>>
        %dma_wait3A_80 = arith.constant 0 : i32
        %dma_wait3A_81 = arith.constant 0 : i32
        %dma_wait3A_82 = tpu.memref_slice %arg2[%dma_wait3A_80, %dma_wait3A_81] : memref<10240x128xf32, #tpu.memory_space<hbm>> -> memref<10240x128xf32, #tpu.memory_space<hbm>>
        %dma_wait3A_83 = tpu.memref_slice %arg13[%dma_wait3A] : memref<2x!tpu.dma_semaphore, #tpu.memory_space<semaphore_mem>> -> memref<1x!tpu.dma_semaphore, #tpu.memory_space<semaphore_mem>>
        %dma_wait3A_84 = tpu.memref_squeeze %dma_wait3A_83 : memref<1x!tpu.dma_semaphore, #tpu.memory_space<semaphore_mem>> -> memref<!tpu.dma_semaphore, #tpu.memory_space<semaphore_mem>>
        tpu.wait_indirect_dma semaphore(%dma_wait3A_84 : memref<!tpu.dma_semaphore, #tpu.memory_space<semaphore_mem>>) src(%dma_wait3A_82 : memref<10240x128xf32, #tpu.memory_space<hbm>>) dst(%arg10 : memref<128x128xf32, #tpu.memory_space<vmem>>)
        "tpu.region"() ({
          %run_scoped3A = tpu.sem_alloc : memref<!tpu.dma_semaphore, #tpu.memory_space<semaphore_mem>>
          %dma_start3A_111 = arith.constant 0 : i32
          %dma_start3A_112 = tpu.memref_slice %arg9[%add3A_76, %dma_start3A_111] : memref<40x128xi32, #tpu.memory_space<vmem>> -> memref<1x128xi32, #tpu.memory_space<vmem>>
          %dma_start3A_113 = tpu.memref_squeeze %dma_start3A_112 : memref<1x128xi32, #tpu.memory_space<vmem>> -> memref<128xi32, #tpu.memory_space<vmem>>
          %dma_start3A_114 = arith.constant 0 : i32
          %dma_start3A_115 = arith.constant 0 : i32
          %dma_start3A_116 = tpu.memref_slice %arg12[%dma_start3A_114, %dma_start3A_115] : memref<10240x128xf32, #tpu.memory_space<vmem_shared>> -> memref<10240x128xf32, #tpu.memory_space<vmem_shared>>
          tpu.enqueue_indirect_dma source(%arg10 : memref<128x128xf32, #tpu.memory_space<vmem>>) target(%dma_start3A_116 : memref<10240x128xf32, #tpu.memory_space<vmem_shared>>) offsets(%dma_start3A_113 : memref<128xi32, #tpu.memory_space<vmem>>) semaphore(%run_scoped3A : memref<!tpu.dma_semaphore, #tpu.memory_space<semaphore_mem>>) {add = true}
          %dma_wait3A_117 = arith.constant 0 : i32
          %dma_wait3A_118 = tpu.memref_slice %arg9[%add3A_76, %dma_wait3A_117] : memref<40x128xi32, #tpu.memory_space<vmem>> -> memref<1x128xi32, #tpu.memory_space<vmem>>
          %dma_wait3A_119 = tpu.memref_squeeze %dma_wait3A_118 : memref<1x128xi32, #tpu.memory_space<vmem>> -> memref<128xi32, #tpu.memory_space<vmem>>
          %dma_wait3A_120 = arith.constant 0 : i32
          %dma_wait3A_121 = arith.constant 0 : i32
          %dma_wait3A_122 = tpu.memref_slice %arg12[%dma_wait3A_120, %dma_wait3A_121] : memref<10240x128xf32, #tpu.memory_space<vmem_shared>> -> memref<10240x128xf32, #tpu.memory_space<vmem_shared>>
          tpu.wait_indirect_dma semaphore(%run_scoped3A : memref<!tpu.dma_semaphore, #tpu.memory_space<semaphore_mem>>) src(%arg10 : memref<128x128xf32, #tpu.memory_space<vmem>>) dst(%dma_wait3A_122 : memref<10240x128xf32, #tpu.memory_space<vmem_shared>>)
          tpu.yield
        }) : () -> ()
        %add3A_85 = arith.constant 2 : i32
        %add3A_86 = arith.addi %add3A_76, %add3A_85 : i32
        %lt3A = arith.constant 40 : i32
        %lt3A_87 = arith.cmpi slt, %add3A_86, %lt3A : i32
        %convert_element_type3A_88 = arith.extui %lt3A_87 : i1 to i32
        %cond3A_89 = arith.constant 0 : i32
        %cond3A_90 = arith.cmpi ne, %convert_element_type3A_88, %cond3A_89 : i32
        scf.if %cond3A_90 {
          %add3A_111 = arith.constant 2 : i32
          %add3A_112 = arith.addi %add3A_76, %add3A_111 : i32
          %dma_start3A_113 = arith.constant 0 : i32
          %dma_start3A_114 = arith.constant 0 : i32
          %dma_start3A_115 = tpu.memref_slice %arg8[%add3A_112, %dma_start3A_114] : memref<40x128xi32, #tpu.memory_space<vmem>> -> memref<1x128xi32, #tpu.memory_space<vmem>>
          %dma_start3A_116 = tpu.memref_squeeze %dma_start3A_115 : memref<1x128xi32, #tpu.memory_space<vmem>> -> memref<128xi32, #tpu.memory_space<vmem>>
          %dma_start3A_117 = arith.constant 0 : i32
          %dma_start3A_118 = arith.constant 0 : i32
          %dma_start3A_119 = tpu.memref_slice %arg2[%dma_start3A_117, %dma_start3A_118] : memref<10240x128xf32, #tpu.memory_space<hbm>> -> memref<10240x128xf32, #tpu.memory_space<hbm>>
          %dma_start3A_120 = tpu.memref_slice %arg13[%dma_start3A_113] : memref<2x!tpu.dma_semaphore, #tpu.memory_space<semaphore_mem>> -> memref<1x!tpu.dma_semaphore, #tpu.memory_space<semaphore_mem>>
          %dma_start3A_121 = tpu.memref_squeeze %dma_start3A_120 : memref<1x!tpu.dma_semaphore, #tpu.memory_space<semaphore_mem>> -> memref<!tpu.dma_semaphore, #tpu.memory_space<semaphore_mem>>
          tpu.enqueue_indirect_dma source(%dma_start3A_119 : memref<10240x128xf32, #tpu.memory_space<hbm>>) target(%arg10 : memref<128x128xf32, #tpu.memory_space<vmem>>) offsets(%dma_start3A_116 : memref<128xi32, #tpu.memory_space<vmem>>) semaphore(%dma_start3A_121 : memref<!tpu.dma_semaphore, #tpu.memory_space<semaphore_mem>>)
        } else {
        }
        %mul3A_91 = arith.constant 2 : i32
        %mul3A_92 = arith.muli %scan3A_72, %mul3A_91 : i32
        %add3A_93 = arith.constant 1 : i32
        %add3A_94 = arith.addi %mul3A_92, %add3A_93 : i32
        %dma_wait3A_95 = arith.constant 1 : i32
        %dma_wait3A_96 = arith.constant 0 : i32
        %dma_wait3A_97 = tpu.memref_slice %arg8[%add3A_94, %dma_wait3A_96] : memref<40x128xi32, #tpu.memory_space<vmem>> -> memref<1x128xi32, #tpu.memory_space<vmem>>
        %dma_wait3A_98 = tpu.memref_squeeze %dma_wait3A_97 : memref<1x128xi32, #tpu.memory_space<vmem>> -> memref<128xi32, #tpu.memory_space<vmem>>
        %dma_wait3A_99 = arith.constant 0 : i32
        %dma_wait3A_100 = arith.constant 0 : i32
        %dma_wait3A_101 = tpu.memref_slice %arg2[%dma_wait3A_99, %dma_wait3A_100] : memref<10240x128xf32, #tpu.memory_space<hbm>> -> memref<10240x128xf32, #tpu.memory_space<hbm>>
        %dma_wait3A_102 = tpu.memref_slice %arg13[%dma_wait3A_95] : memref<2x!tpu.dma_semaphore, #tpu.memory_space<semaphore_mem>> -> memref<1x!tpu.dma_semaphore, #tpu.memory_space<semaphore_mem>>
        %dma_wait3A_103 = tpu.memref_squeeze %dma_wait3A_102 : memref<1x!tpu.dma_semaphore, #tpu.memory_space<semaphore_mem>> -> memref<!tpu.dma_semaphore, #tpu.memory_space<semaphore_mem>>
        tpu.wait_indirect_dma semaphore(%dma_wait3A_103 : memref<!tpu.dma_semaphore, #tpu.memory_space<semaphore_mem>>) src(%dma_wait3A_101 : memref<10240x128xf32, #tpu.memory_space<hbm>>) dst(%arg11 : memref<128x128xf32, #tpu.memory_space<vmem>>)
        "tpu.region"() ({
          %run_scoped3A = tpu.sem_alloc : memref<!tpu.dma_semaphore, #tpu.memory_space<semaphore_mem>>
          %dma_start3A_111 = arith.constant 0 : i32
          %dma_start3A_112 = tpu.memref_slice %arg9[%add3A_94, %dma_start3A_111] : memref<40x128xi32, #tpu.memory_space<vmem>> -> memref<1x128xi32, #tpu.memory_space<vmem>>
          %dma_start3A_113 = tpu.memref_squeeze %dma_start3A_112 : memref<1x128xi32, #tpu.memory_space<vmem>> -> memref<128xi32, #tpu.memory_space<vmem>>
          %dma_start3A_114 = arith.constant 0 : i32
          %dma_start3A_115 = arith.constant 0 : i32
          %dma_start3A_116 = tpu.memref_slice %arg12[%dma_start3A_114, %dma_start3A_115] : memref<10240x128xf32, #tpu.memory_space<vmem_shared>> -> memref<10240x128xf32, #tpu.memory_space<vmem_shared>>
          tpu.enqueue_indirect_dma source(%arg11 : memref<128x128xf32, #tpu.memory_space<vmem>>) target(%dma_start3A_116 : memref<10240x128xf32, #tpu.memory_space<vmem_shared>>) offsets(%dma_start3A_113 : memref<128xi32, #tpu.memory_space<vmem>>) semaphore(%run_scoped3A : memref<!tpu.dma_semaphore, #tpu.memory_space<semaphore_mem>>) {add = true}
          %dma_wait3A_117 = arith.constant 0 : i32
          %dma_wait3A_118 = tpu.memref_slice %arg9[%add3A_94, %dma_wait3A_117] : memref<40x128xi32, #tpu.memory_space<vmem>> -> memref<1x128xi32, #tpu.memory_space<vmem>>
          %dma_wait3A_119 = tpu.memref_squeeze %dma_wait3A_118 : memref<1x128xi32, #tpu.memory_space<vmem>> -> memref<128xi32, #tpu.memory_space<vmem>>
          %dma_wait3A_120 = arith.constant 0 : i32
          %dma_wait3A_121 = arith.constant 0 : i32
          %dma_wait3A_122 = tpu.memref_slice %arg12[%dma_wait3A_120, %dma_wait3A_121] : memref<10240x128xf32, #tpu.memory_space<vmem_shared>> -> memref<10240x128xf32, #tpu.memory_space<vmem_shared>>
          tpu.wait_indirect_dma semaphore(%run_scoped3A : memref<!tpu.dma_semaphore, #tpu.memory_space<semaphore_mem>>) src(%arg11 : memref<128x128xf32, #tpu.memory_space<vmem>>) dst(%dma_wait3A_122 : memref<10240x128xf32, #tpu.memory_space<vmem_shared>>)
          tpu.yield
        }) : () -> ()
        %add3A_104 = arith.constant 2 : i32
        %add3A_105 = arith.addi %add3A_94, %add3A_104 : i32
        %lt3A_106 = arith.constant 40 : i32
        %lt3A_107 = arith.cmpi slt, %add3A_105, %lt3A_106 : i32
        %convert_element_type3A_108 = arith.extui %lt3A_107 : i1 to i32
        %cond3A_109 = arith.constant 0 : i32
        %cond3A_110 = arith.cmpi ne, %convert_element_type3A_108, %cond3A_109 : i32
        scf.if %cond3A_110 {
          %add3A_111 = arith.constant 2 : i32
          %add3A_112 = arith.addi %add3A_94, %add3A_111 : i32
          %dma_start3A_113 = arith.constant 1 : i32
          %dma_start3A_114 = arith.constant 0 : i32
          %dma_start3A_115 = tpu.memref_slice %arg8[%add3A_112, %dma_start3A_114] : memref<40x128xi32, #tpu.memory_space<vmem>> -> memref<1x128xi32, #tpu.memory_space<vmem>>
          %dma_start3A_116 = tpu.memref_squeeze %dma_start3A_115 : memref<1x128xi32, #tpu.memory_space<vmem>> -> memref<128xi32, #tpu.memory_space<vmem>>
          %dma_start3A_117 = arith.constant 0 : i32
          %dma_start3A_118 = arith.constant 0 : i32
          %dma_start3A_119 = tpu.memref_slice %arg2[%dma_start3A_117, %dma_start3A_118] : memref<10240x128xf32, #tpu.memory_space<hbm>> -> memref<10240x128xf32, #tpu.memory_space<hbm>>
          %dma_start3A_120 = tpu.memref_slice %arg13[%dma_start3A_113] : memref<2x!tpu.dma_semaphore, #tpu.memory_space<semaphore_mem>> -> memref<1x!tpu.dma_semaphore, #tpu.memory_space<semaphore_mem>>
          %dma_start3A_121 = tpu.memref_squeeze %dma_start3A_120 : memref<1x!tpu.dma_semaphore, #tpu.memory_space<semaphore_mem>> -> memref<!tpu.dma_semaphore, #tpu.memory_space<semaphore_mem>>
          tpu.enqueue_indirect_dma source(%dma_start3A_119 : memref<10240x128xf32, #tpu.memory_space<hbm>>) target(%arg11 : memref<128x128xf32, #tpu.memory_space<vmem>>) offsets(%dma_start3A_116 : memref<128xi32, #tpu.memory_space<vmem>>) semaphore(%dma_start3A_121 : memref<!tpu.dma_semaphore, #tpu.memory_space<semaphore_mem>>)
        } else {
        }
      }
      %scan3A_66 = arith.constant 20 : i32
      %barrier3A_67 = arith.constant 0 : index
      tpu.barrier barrier_id(%barrier3A_67)
      %mul3A_68 = arith.constant 640 : i32
      %mul3A_69 = arith.muli %arg1, %mul3A_68 : i32
      %mul3A_70 = arith.constant 640 : i32
      %mul3A_71 = arith.muli %arg1, %mul3A_70 : i32
      "tpu.region"() ({
        %run_scoped3A = tpu.sem_alloc : memref<!tpu.dma_semaphore, #tpu.memory_space<semaphore_mem>>
        %dma_start3A_72 = arith.constant 0 : i32
        %dma_start3A_73 = tpu.memref_slice %arg6[%mul3A_71, %dma_start3A_72] : memref<10240x128xf32, #tpu.memory_space<hbm>> -> memref<640x128xf32, #tpu.memory_space<hbm>>
        %dma_start3A_74 = arith.constant 0 : i32
        %dma_start3A_75 = tpu.memref_slice %arg12[%mul3A_69, %dma_start3A_74] : memref<10240x128xf32, #tpu.memory_space<vmem_shared>> -> memref<640x128xf32, #tpu.memory_space<vmem_shared>>
        tpu.enqueue_dma source(%dma_start3A_75 : memref<640x128xf32, #tpu.memory_space<vmem_shared>>) target(%dma_start3A_73 : memref<640x128xf32, #tpu.memory_space<hbm>>) target_semaphore(%run_scoped3A : memref<!tpu.dma_semaphore, #tpu.memory_space<semaphore_mem>>)
        %dma_wait3A = arith.constant 0 : i32
        %dma_wait3A_76 = tpu.memref_slice %arg6[%mul3A_71, %dma_wait3A] : memref<10240x128xf32, #tpu.memory_space<hbm>> -> memref<640x128xf32, #tpu.memory_space<hbm>>
        %dma_wait3A_77 = arith.constant 0 : i32
        %dma_wait3A_78 = tpu.memref_slice %arg12[%mul3A_69, %dma_wait3A_77] : memref<10240x128xf32, #tpu.memory_space<vmem_shared>> -> memref<640x128xf32, #tpu.memory_space<vmem_shared>>
        tpu.wait_dma2 semaphore(%run_scoped3A : memref<!tpu.dma_semaphore, #tpu.memory_space<semaphore_mem>>) src(%dma_wait3A_78 : memref<640x128xf32, #tpu.memory_space<vmem_shared>>) dst(%dma_wait3A_76 : memref<640x128xf32, #tpu.memory_space<hbm>>)
        tpu.yield
      }) : () -> ()
    } else {
    }
    %eq3A_2 = arith.constant 1 : i32
    %eq3A_3 = arith.cmpi eq, %arg0, %eq3A_2 : i32
    %convert_element_type3A_4 = arith.extui %eq3A_3 : i1 to i32
    %cond3A_5 = arith.constant 0 : i32
    %cond3A_6 = arith.cmpi ne, %convert_element_type3A_4, %cond3A_5 : i32
    scf.if %cond3A_6 {
      %mul3A = arith.constant 640 : i32
      %mul3A_7 = arith.muli %arg1, %mul3A : i32
      %mul3A_8 = arith.constant 640 : i32
      %mul3A_9 = arith.muli %arg1, %mul3A_8 : i32
      "tpu.region"() ({
        %run_scoped3A = tpu.sem_alloc : memref<!tpu.dma_semaphore, #tpu.memory_space<semaphore_mem>>
        %dma_start3A_72 = arith.constant 0 : i32
        %dma_start3A_73 = tpu.memref_slice %arg12[%mul3A_9, %dma_start3A_72] : memref<10240x128xf32, #tpu.memory_space<vmem_shared>> -> memref<640x128xf32, #tpu.memory_space<vmem_shared>>
        %dma_start3A_74 = arith.constant 0 : i32
        %dma_start3A_75 = tpu.memref_slice %arg3[%mul3A_7, %dma_start3A_74] : memref<10240x128xf32, #tpu.memory_space<hbm>> -> memref<640x128xf32, #tpu.memory_space<hbm>>
        tpu.enqueue_dma source(%dma_start3A_75 : memref<640x128xf32, #tpu.memory_space<hbm>>) target(%dma_start3A_73 : memref<640x128xf32, #tpu.memory_space<vmem_shared>>) target_semaphore(%run_scoped3A : memref<!tpu.dma_semaphore, #tpu.memory_space<semaphore_mem>>)
        %dma_wait3A = arith.constant 0 : i32
        %dma_wait3A_76 = tpu.memref_slice %arg12[%mul3A_9, %dma_wait3A] : memref<10240x128xf32, #tpu.memory_space<vmem_shared>> -> memref<640x128xf32, #tpu.memory_space<vmem_shared>>
        %dma_wait3A_77 = arith.constant 0 : i32
        %dma_wait3A_78 = tpu.memref_slice %arg3[%mul3A_7, %dma_wait3A_77] : memref<10240x128xf32, #tpu.memory_space<hbm>> -> memref<640x128xf32, #tpu.memory_space<hbm>>
        tpu.wait_dma2 semaphore(%run_scoped3A : memref<!tpu.dma_semaphore, #tpu.memory_space<semaphore_mem>>) src(%dma_wait3A_78 : memref<640x128xf32, #tpu.memory_space<hbm>>) dst(%dma_wait3A_76 : memref<640x128xf32, #tpu.memory_space<vmem_shared>>)
        tpu.yield
      }) : () -> ()
      %barrier3A = arith.constant 0 : index
      tpu.barrier barrier_id(%barrier3A)
      %mul3A_10 = arith.constant 80 : i32
      %mul3A_11 = arith.muli %arg1, %mul3A_10 : i32
      %add3A = arith.constant 0 : i32
      %add3A_12 = arith.addi %mul3A_11, %add3A : i32
      "tpu.region"() ({
        %run_scoped3A = tpu.sem_alloc : memref<!tpu.dma_semaphore, #tpu.memory_space<semaphore_mem>>
        %dma_start3A_72 = arith.constant 0 : i32
        %dma_start3A_73 = tpu.memref_slice %arg4[%add3A_12, %dma_start3A_72] : memref<1280x128xi32, #tpu.memory_space<hbm>> -> memref<40x128xi32, #tpu.memory_space<hbm>>
        %dma_start3A_74 = arith.constant 0 : i32
        %dma_start3A_75 = tpu.memref_slice %arg4[%add3A_12, %dma_start3A_74] : memref<1280x128xi32, #tpu.memory_space<hbm>> -> memref<40x128xi32, #tpu.memory_space<hbm>>
        tpu.enqueue_dma source(%dma_start3A_75 : memref<40x128xi32, #tpu.memory_space<hbm>>) target(%arg8 : memref<40x128xi32, #tpu.memory_space<vmem>>) target_semaphore(%run_scoped3A : memref<!tpu.dma_semaphore, #tpu.memory_space<semaphore_mem>>)
        %dma_wait3A = arith.constant 0 : i32
        %dma_wait3A_76 = tpu.memref_slice %arg4[%add3A_12, %dma_wait3A] : memref<1280x128xi32, #tpu.memory_space<hbm>> -> memref<40x128xi32, #tpu.memory_space<hbm>>
        %dma_wait3A_77 = arith.constant 0 : i32
        %dma_wait3A_78 = tpu.memref_slice %arg4[%add3A_12, %dma_wait3A_77] : memref<1280x128xi32, #tpu.memory_space<hbm>> -> memref<40x128xi32, #tpu.memory_space<hbm>>
        tpu.wait_dma2 semaphore(%run_scoped3A : memref<!tpu.dma_semaphore, #tpu.memory_space<semaphore_mem>>) src(%dma_wait3A_78 : memref<40x128xi32, #tpu.memory_space<hbm>>) dst(%arg8 : memref<40x128xi32, #tpu.memory_space<vmem>>)
        tpu.yield
      }) : () -> ()
      "tpu.region"() ({
        %run_scoped3A = tpu.sem_alloc : memref<!tpu.dma_semaphore, #tpu.memory_space<semaphore_mem>>
        %dma_start3A_72 = arith.constant 0 : i32
        %dma_start3A_73 = tpu.memref_slice %arg5[%add3A_12, %dma_start3A_72] : memref<1280x128xi32, #tpu.memory_space<hbm>> -> memref<40x128xi32, #tpu.memory_space<hbm>>
        %dma_start3A_74 = arith.constant 0 : i32
        %dma_start3A_75 = tpu.memref_slice %arg5[%add3A_12, %dma_start3A_74] : memref<1280x128xi32, #tpu.memory_space<hbm>> -> memref<40x128xi32, #tpu.memory_space<hbm>>
        tpu.enqueue_dma source(%dma_start3A_75 : memref<40x128xi32, #tpu.memory_space<hbm>>) target(%arg9 : memref<40x128xi32, #tpu.memory_space<vmem>>) target_semaphore(%run_scoped3A : memref<!tpu.dma_semaphore, #tpu.memory_space<semaphore_mem>>)
        %dma_wait3A = arith.constant 0 : i32
        %dma_wait3A_76 = tpu.memref_slice %arg5[%add3A_12, %dma_wait3A] : memref<1280x128xi32, #tpu.memory_space<hbm>> -> memref<40x128xi32, #tpu.memory_space<hbm>>
        %dma_wait3A_77 = arith.constant 0 : i32
        %dma_wait3A_78 = tpu.memref_slice %arg5[%add3A_12, %dma_wait3A_77] : memref<1280x128xi32, #tpu.memory_space<hbm>> -> memref<40x128xi32, #tpu.memory_space<hbm>>
        tpu.wait_dma2 semaphore(%run_scoped3A : memref<!tpu.dma_semaphore, #tpu.memory_space<semaphore_mem>>) src(%dma_wait3A_78 : memref<40x128xi32, #tpu.memory_space<hbm>>) dst(%arg9 : memref<40x128xi32, #tpu.memory_space<vmem>>)
        tpu.yield
      }) : () -> ()
      %dma_start3A = arith.constant 0 : i32
      %dma_start3A_13 = arith.constant 0 : i32
      %dma_start3A_14 = arith.constant 0 : i32
      %dma_start3A_15 = tpu.memref_slice %arg8[%dma_start3A, %dma_start3A_14] : memref<40x128xi32, #tpu.memory_space<vmem>> -> memref<1x128xi32, #tpu.memory_space<vmem>>
      %dma_start3A_16 = tpu.memref_squeeze %dma_start3A_15 : memref<1x128xi32, #tpu.memory_space<vmem>> -> memref<128xi32, #tpu.memory_space<vmem>>
      %dma_start3A_17 = arith.constant 0 : i32
      %dma_start3A_18 = arith.constant 0 : i32
      %dma_start3A_19 = tpu.memref_slice %arg3[%dma_start3A_17, %dma_start3A_18] : memref<10240x128xf32, #tpu.memory_space<hbm>> -> memref<10240x128xf32, #tpu.memory_space<hbm>>
      %dma_start3A_20 = tpu.memref_slice %arg13[%dma_start3A_13] : memref<2x!tpu.dma_semaphore, #tpu.memory_space<semaphore_mem>> -> memref<1x!tpu.dma_semaphore, #tpu.memory_space<semaphore_mem>>
      %dma_start3A_21 = tpu.memref_squeeze %dma_start3A_20 : memref<1x!tpu.dma_semaphore, #tpu.memory_space<semaphore_mem>> -> memref<!tpu.dma_semaphore, #tpu.memory_space<semaphore_mem>>
      tpu.enqueue_indirect_dma source(%dma_start3A_19 : memref<10240x128xf32, #tpu.memory_space<hbm>>) target(%arg10 : memref<128x128xf32, #tpu.memory_space<vmem>>) offsets(%dma_start3A_16 : memref<128xi32, #tpu.memory_space<vmem>>) semaphore(%dma_start3A_21 : memref<!tpu.dma_semaphore, #tpu.memory_space<semaphore_mem>>)
      %dma_start3A_22 = arith.constant 1 : i32
      %dma_start3A_23 = arith.constant 1 : i32
      %dma_start3A_24 = arith.constant 0 : i32
      %dma_start3A_25 = tpu.memref_slice %arg8[%dma_start3A_22, %dma_start3A_24] : memref<40x128xi32, #tpu.memory_space<vmem>> -> memref<1x128xi32, #tpu.memory_space<vmem>>
      %dma_start3A_26 = tpu.memref_squeeze %dma_start3A_25 : memref<1x128xi32, #tpu.memory_space<vmem>> -> memref<128xi32, #tpu.memory_space<vmem>>
      %dma_start3A_27 = arith.constant 0 : i32
      %dma_start3A_28 = arith.constant 0 : i32
      %dma_start3A_29 = tpu.memref_slice %arg3[%dma_start3A_27, %dma_start3A_28] : memref<10240x128xf32, #tpu.memory_space<hbm>> -> memref<10240x128xf32, #tpu.memory_space<hbm>>
      %dma_start3A_30 = tpu.memref_slice %arg13[%dma_start3A_23] : memref<2x!tpu.dma_semaphore, #tpu.memory_space<semaphore_mem>> -> memref<1x!tpu.dma_semaphore, #tpu.memory_space<semaphore_mem>>
      %dma_start3A_31 = tpu.memref_squeeze %dma_start3A_30 : memref<1x!tpu.dma_semaphore, #tpu.memory_space<semaphore_mem>> -> memref<!tpu.dma_semaphore, #tpu.memory_space<semaphore_mem>>
      tpu.enqueue_indirect_dma source(%dma_start3A_29 : memref<10240x128xf32, #tpu.memory_space<hbm>>) target(%arg11 : memref<128x128xf32, #tpu.memory_space<vmem>>) offsets(%dma_start3A_26 : memref<128xi32, #tpu.memory_space<vmem>>) semaphore(%dma_start3A_31 : memref<!tpu.dma_semaphore, #tpu.memory_space<semaphore_mem>>)
      %scan3A = arith.constant 0 : i32
      %scan3A_32 = arith.constant 0 : i32
      %scan3A_33 = arith.constant 20 : i32
      %scan3A_34 = arith.addi %scan3A_32, %scan3A_33 : i32
      %scan3A_35 = arith.constant 1 : i32
      scf.for %scan3A_72 = %scan3A_32 to %scan3A_34 step %scan3A_35  : i32 {
        %mul3A_73 = arith.constant 2 : i32
        %mul3A_74 = arith.muli %scan3A_72, %mul3A_73 : i32
        %add3A_75 = arith.constant 0 : i32
        %add3A_76 = arith.addi %mul3A_74, %add3A_75 : i32
        %dma_wait3A = arith.constant 0 : i32
        %dma_wait3A_77 = arith.constant 0 : i32
        %dma_wait3A_78 = tpu.memref_slice %arg8[%add3A_76, %dma_wait3A_77] : memref<40x128xi32, #tpu.memory_space<vmem>> -> memref<1x128xi32, #tpu.memory_space<vmem>>
        %dma_wait3A_79 = tpu.memref_squeeze %dma_wait3A_78 : memref<1x128xi32, #tpu.memory_space<vmem>> -> memref<128xi32, #tpu.memory_space<vmem>>
        %dma_wait3A_80 = arith.constant 0 : i32
        %dma_wait3A_81 = arith.constant 0 : i32
        %dma_wait3A_82 = tpu.memref_slice %arg3[%dma_wait3A_80, %dma_wait3A_81] : memref<10240x128xf32, #tpu.memory_space<hbm>> -> memref<10240x128xf32, #tpu.memory_space<hbm>>
        %dma_wait3A_83 = tpu.memref_slice %arg13[%dma_wait3A] : memref<2x!tpu.dma_semaphore, #tpu.memory_space<semaphore_mem>> -> memref<1x!tpu.dma_semaphore, #tpu.memory_space<semaphore_mem>>
        %dma_wait3A_84 = tpu.memref_squeeze %dma_wait3A_83 : memref<1x!tpu.dma_semaphore, #tpu.memory_space<semaphore_mem>> -> memref<!tpu.dma_semaphore, #tpu.memory_space<semaphore_mem>>
        tpu.wait_indirect_dma semaphore(%dma_wait3A_84 : memref<!tpu.dma_semaphore, #tpu.memory_space<semaphore_mem>>) src(%dma_wait3A_82 : memref<10240x128xf32, #tpu.memory_space<hbm>>) dst(%arg10 : memref<128x128xf32, #tpu.memory_space<vmem>>)
        "tpu.region"() ({
          %run_scoped3A = tpu.sem_alloc : memref<!tpu.dma_semaphore, #tpu.memory_space<semaphore_mem>>
          %dma_start3A_111 = arith.constant 0 : i32
          %dma_start3A_112 = tpu.memref_slice %arg9[%add3A_76, %dma_start3A_111] : memref<40x128xi32, #tpu.memory_space<vmem>> -> memref<1x128xi32, #tpu.memory_space<vmem>>
          %dma_start3A_113 = tpu.memref_squeeze %dma_start3A_112 : memref<1x128xi32, #tpu.memory_space<vmem>> -> memref<128xi32, #tpu.memory_space<vmem>>
          %dma_start3A_114 = arith.constant 0 : i32
          %dma_start3A_115 = arith.constant 0 : i32
          %dma_start3A_116 = tpu.memref_slice %arg12[%dma_start3A_114, %dma_start3A_115] : memref<10240x128xf32, #tpu.memory_space<vmem_shared>> -> memref<10240x128xf32, #tpu.memory_space<vmem_shared>>
          tpu.enqueue_indirect_dma source(%arg10 : memref<128x128xf32, #tpu.memory_space<vmem>>) target(%dma_start3A_116 : memref<10240x128xf32, #tpu.memory_space<vmem_shared>>) offsets(%dma_start3A_113 : memref<128xi32, #tpu.memory_space<vmem>>) semaphore(%run_scoped3A : memref<!tpu.dma_semaphore, #tpu.memory_space<semaphore_mem>>) {add = true}
          %dma_wait3A_117 = arith.constant 0 : i32
          %dma_wait3A_118 = tpu.memref_slice %arg9[%add3A_76, %dma_wait3A_117] : memref<40x128xi32, #tpu.memory_space<vmem>> -> memref<1x128xi32, #tpu.memory_space<vmem>>
          %dma_wait3A_119 = tpu.memref_squeeze %dma_wait3A_118 : memref<1x128xi32, #tpu.memory_space<vmem>> -> memref<128xi32, #tpu.memory_space<vmem>>
          %dma_wait3A_120 = arith.constant 0 : i32
          %dma_wait3A_121 = arith.constant 0 : i32
          %dma_wait3A_122 = tpu.memref_slice %arg12[%dma_wait3A_120, %dma_wait3A_121] : memref<10240x128xf32, #tpu.memory_space<vmem_shared>> -> memref<10240x128xf32, #tpu.memory_space<vmem_shared>>
          tpu.wait_indirect_dma semaphore(%run_scoped3A : memref<!tpu.dma_semaphore, #tpu.memory_space<semaphore_mem>>) src(%arg10 : memref<128x128xf32, #tpu.memory_space<vmem>>) dst(%dma_wait3A_122 : memref<10240x128xf32, #tpu.memory_space<vmem_shared>>)
          tpu.yield
        }) : () -> ()
        %add3A_85 = arith.constant 2 : i32
        %add3A_86 = arith.addi %add3A_76, %add3A_85 : i32
        %lt3A = arith.constant 40 : i32
        %lt3A_87 = arith.cmpi slt, %add3A_86, %lt3A : i32
        %convert_element_type3A_88 = arith.extui %lt3A_87 : i1 to i32
        %cond3A_89 = arith.constant 0 : i32
        %cond3A_90 = arith.cmpi ne, %convert_element_type3A_88, %cond3A_89 : i32
        scf.if %cond3A_90 {
          %add3A_111 = arith.constant 2 : i32
          %add3A_112 = arith.addi %add3A_76, %add3A_111 : i32
          %dma_start3A_113 = arith.constant 0 : i32
          %dma_start3A_114 = arith.constant 0 : i32
          %dma_start3A_115 = tpu.memref_slice %arg8[%add3A_112, %dma_start3A_114] : memref<40x128xi32, #tpu.memory_space<vmem>> -> memref<1x128xi32, #tpu.memory_space<vmem>>
          %dma_start3A_116 = tpu.memref_squeeze %dma_start3A_115 : memref<1x128xi32, #tpu.memory_space<vmem>> -> memref<128xi32, #tpu.memory_space<vmem>>
          %dma_start3A_117 = arith.constant 0 : i32
          %dma_start3A_118 = arith.constant 0 : i32
          %dma_start3A_119 = tpu.memref_slice %arg3[%dma_start3A_117, %dma_start3A_118] : memref<10240x128xf32, #tpu.memory_space<hbm>> -> memref<10240x128xf32, #tpu.memory_space<hbm>>
          %dma_start3A_120 = tpu.memref_slice %arg13[%dma_start3A_113] : memref<2x!tpu.dma_semaphore, #tpu.memory_space<semaphore_mem>> -> memref<1x!tpu.dma_semaphore, #tpu.memory_space<semaphore_mem>>
          %dma_start3A_121 = tpu.memref_squeeze %dma_start3A_120 : memref<1x!tpu.dma_semaphore, #tpu.memory_space<semaphore_mem>> -> memref<!tpu.dma_semaphore, #tpu.memory_space<semaphore_mem>>
          tpu.enqueue_indirect_dma source(%dma_start3A_119 : memref<10240x128xf32, #tpu.memory_space<hbm>>) target(%arg10 : memref<128x128xf32, #tpu.memory_space<vmem>>) offsets(%dma_start3A_116 : memref<128xi32, #tpu.memory_space<vmem>>) semaphore(%dma_start3A_121 : memref<!tpu.dma_semaphore, #tpu.memory_space<semaphore_mem>>)
        } else {
        }
        %mul3A_91 = arith.constant 2 : i32
        %mul3A_92 = arith.muli %scan3A_72, %mul3A_91 : i32
        %add3A_93 = arith.constant 1 : i32
        %add3A_94 = arith.addi %mul3A_92, %add3A_93 : i32
        %dma_wait3A_95 = arith.constant 1 : i32
        %dma_wait3A_96 = arith.constant 0 : i32
        %dma_wait3A_97 = tpu.memref_slice %arg8[%add3A_94, %dma_wait3A_96] : memref<40x128xi32, #tpu.memory_space<vmem>> -> memref<1x128xi32, #tpu.memory_space<vmem>>
        %dma_wait3A_98 = tpu.memref_squeeze %dma_wait3A_97 : memref<1x128xi32, #tpu.memory_space<vmem>> -> memref<128xi32, #tpu.memory_space<vmem>>
        %dma_wait3A_99 = arith.constant 0 : i32
        %dma_wait3A_100 = arith.constant 0 : i32
        %dma_wait3A_101 = tpu.memref_slice %arg3[%dma_wait3A_99, %dma_wait3A_100] : memref<10240x128xf32, #tpu.memory_space<hbm>> -> memref<10240x128xf32, #tpu.memory_space<hbm>>
        %dma_wait3A_102 = tpu.memref_slice %arg13[%dma_wait3A_95] : memref<2x!tpu.dma_semaphore, #tpu.memory_space<semaphore_mem>> -> memref<1x!tpu.dma_semaphore, #tpu.memory_space<semaphore_mem>>
        %dma_wait3A_103 = tpu.memref_squeeze %dma_wait3A_102 : memref<1x!tpu.dma_semaphore, #tpu.memory_space<semaphore_mem>> -> memref<!tpu.dma_semaphore, #tpu.memory_space<semaphore_mem>>
        tpu.wait_indirect_dma semaphore(%dma_wait3A_103 : memref<!tpu.dma_semaphore, #tpu.memory_space<semaphore_mem>>) src(%dma_wait3A_101 : memref<10240x128xf32, #tpu.memory_space<hbm>>) dst(%arg11 : memref<128x128xf32, #tpu.memory_space<vmem>>)
        "tpu.region"() ({
          %run_scoped3A = tpu.sem_alloc : memref<!tpu.dma_semaphore, #tpu.memory_space<semaphore_mem>>
          %dma_start3A_111 = arith.constant 0 : i32
          %dma_start3A_112 = tpu.memref_slice %arg9[%add3A_94, %dma_start3A_111] : memref<40x128xi32, #tpu.memory_space<vmem>> -> memref<1x128xi32, #tpu.memory_space<vmem>>
          %dma_start3A_113 = tpu.memref_squeeze %dma_start3A_112 : memref<1x128xi32, #tpu.memory_space<vmem>> -> memref<128xi32, #tpu.memory_space<vmem>>
          %dma_start3A_114 = arith.constant 0 : i32
          %dma_start3A_115 = arith.constant 0 : i32
          %dma_start3A_116 = tpu.memref_slice %arg12[%dma_start3A_114, %dma_start3A_115] : memref<10240x128xf32, #tpu.memory_space<vmem_shared>> -> memref<10240x128xf32, #tpu.memory_space<vmem_shared>>
          tpu.enqueue_indirect_dma source(%arg11 : memref<128x128xf32, #tpu.memory_space<vmem>>) target(%dma_start3A_116 : memref<10240x128xf32, #tpu.memory_space<vmem_shared>>) offsets(%dma_start3A_113 : memref<128xi32, #tpu.memory_space<vmem>>) semaphore(%run_scoped3A : memref<!tpu.dma_semaphore, #tpu.memory_space<semaphore_mem>>) {add = true}
          %dma_wait3A_117 = arith.constant 0 : i32
          %dma_wait3A_118 = tpu.memref_slice %arg9[%add3A_94, %dma_wait3A_117] : memref<40x128xi32, #tpu.memory_space<vmem>> -> memref<1x128xi32, #tpu.memory_space<vmem>>
          %dma_wait3A_119 = tpu.memref_squeeze %dma_wait3A_118 : memref<1x128xi32, #tpu.memory_space<vmem>> -> memref<128xi32, #tpu.memory_space<vmem>>
          %dma_wait3A_120 = arith.constant 0 : i32
          %dma_wait3A_121 = arith.constant 0 : i32
          %dma_wait3A_122 = tpu.memref_slice %arg12[%dma_wait3A_120, %dma_wait3A_121] : memref<10240x128xf32, #tpu.memory_space<vmem_shared>> -> memref<10240x128xf32, #tpu.memory_space<vmem_shared>>
          tpu.wait_indirect_dma semaphore(%run_scoped3A : memref<!tpu.dma_semaphore, #tpu.memory_space<semaphore_mem>>) src(%arg11 : memref<128x128xf32, #tpu.memory_space<vmem>>) dst(%dma_wait3A_122 : memref<10240x128xf32, #tpu.memory_space<vmem_shared>>)
          tpu.yield
        }) : () -> ()
        %add3A_104 = arith.constant 2 : i32
        %add3A_105 = arith.addi %add3A_94, %add3A_104 : i32
        %lt3A_106 = arith.constant 40 : i32
        %lt3A_107 = arith.cmpi slt, %add3A_105, %lt3A_106 : i32
        %convert_element_type3A_108 = arith.extui %lt3A_107 : i1 to i32
        %cond3A_109 = arith.constant 0 : i32
        %cond3A_110 = arith.cmpi ne, %convert_element_type3A_108, %cond3A_109 : i32
        scf.if %cond3A_110 {
          %add3A_111 = arith.constant 2 : i32
          %add3A_112 = arith.addi %add3A_94, %add3A_111 : i32
          %dma_start3A_113 = arith.constant 1 : i32
          %dma_start3A_114 = arith.constant 0 : i32
          %dma_start3A_115 = tpu.memref_slice %arg8[%add3A_112, %dma_start3A_114] : memref<40x128xi32, #tpu.memory_space<vmem>> -> memref<1x128xi32, #tpu.memory_space<vmem>>
          %dma_start3A_116 = tpu.memref_squeeze %dma_start3A_115 : memref<1x128xi32, #tpu.memory_space<vmem>> -> memref<128xi32, #tpu.memory_space<vmem>>
          %dma_start3A_117 = arith.constant 0 : i32
          %dma_start3A_118 = arith.constant 0 : i32
          %dma_start3A_119 = tpu.memref_slice %arg3[%dma_start3A_117, %dma_start3A_118] : memref<10240x128xf32, #tpu.memory_space<hbm>> -> memref<10240x128xf32, #tpu.memory_space<hbm>>
          %dma_start3A_120 = tpu.memref_slice %arg13[%dma_start3A_113] : memref<2x!tpu.dma_semaphore, #tpu.memory_space<semaphore_mem>> -> memref<1x!tpu.dma_semaphore, #tpu.memory_space<semaphore_mem>>
          %dma_start3A_121 = tpu.memref_squeeze %dma_start3A_120 : memref<1x!tpu.dma_semaphore, #tpu.memory_space<semaphore_mem>> -> memref<!tpu.dma_semaphore, #tpu.memory_space<semaphore_mem>>
          tpu.enqueue_indirect_dma source(%dma_start3A_119 : memref<10240x128xf32, #tpu.memory_space<hbm>>) target(%arg11 : memref<128x128xf32, #tpu.memory_space<vmem>>) offsets(%dma_start3A_116 : memref<128xi32, #tpu.memory_space<vmem>>) semaphore(%dma_start3A_121 : memref<!tpu.dma_semaphore, #tpu.memory_space<semaphore_mem>>)
        } else {
        }
      }
      %scan3A_36 = arith.constant 20 : i32
      %mul3A_37 = arith.constant 80 : i32
      %mul3A_38 = arith.muli %arg1, %mul3A_37 : i32
      %add3A_39 = arith.constant 40 : i32
      %add3A_40 = arith.addi %mul3A_38, %add3A_39 : i32
      "tpu.region"() ({
        %run_scoped3A = tpu.sem_alloc : memref<!tpu.dma_semaphore, #tpu.memory_space<semaphore_mem>>
        %dma_start3A_72 = arith.constant 0 : i32
        %dma_start3A_73 = tpu.memref_slice %arg4[%add3A_40, %dma_start3A_72] : memref<1280x128xi32, #tpu.memory_space<hbm>> -> memref<40x128xi32, #tpu.memory_space<hbm>>
        %dma_start3A_74 = arith.constant 0 : i32
        %dma_start3A_75 = tpu.memref_slice %arg4[%add3A_40, %dma_start3A_74] : memref<1280x128xi32, #tpu.memory_space<hbm>> -> memref<40x128xi32, #tpu.memory_space<hbm>>
        tpu.enqueue_dma source(%dma_start3A_75 : memref<40x128xi32, #tpu.memory_space<hbm>>) target(%arg8 : memref<40x128xi32, #tpu.memory_space<vmem>>) target_semaphore(%run_scoped3A : memref<!tpu.dma_semaphore, #tpu.memory_space<semaphore_mem>>)
        %dma_wait3A = arith.constant 0 : i32
        %dma_wait3A_76 = tpu.memref_slice %arg4[%add3A_40, %dma_wait3A] : memref<1280x128xi32, #tpu.memory_space<hbm>> -> memref<40x128xi32, #tpu.memory_space<hbm>>
        %dma_wait3A_77 = arith.constant 0 : i32
        %dma_wait3A_78 = tpu.memref_slice %arg4[%add3A_40, %dma_wait3A_77] : memref<1280x128xi32, #tpu.memory_space<hbm>> -> memref<40x128xi32, #tpu.memory_space<hbm>>
        tpu.wait_dma2 semaphore(%run_scoped3A : memref<!tpu.dma_semaphore, #tpu.memory_space<semaphore_mem>>) src(%dma_wait3A_78 : memref<40x128xi32, #tpu.memory_space<hbm>>) dst(%arg8 : memref<40x128xi32, #tpu.memory_space<vmem>>)
        tpu.yield
      }) : () -> ()
      "tpu.region"() ({
        %run_scoped3A = tpu.sem_alloc : memref<!tpu.dma_semaphore, #tpu.memory_space<semaphore_mem>>
        %dma_start3A_72 = arith.constant 0 : i32
        %dma_start3A_73 = tpu.memref_slice %arg5[%add3A_40, %dma_start3A_72] : memref<1280x128xi32, #tpu.memory_space<hbm>> -> memref<40x128xi32, #tpu.memory_space<hbm>>
        %dma_start3A_74 = arith.constant 0 : i32
        %dma_start3A_75 = tpu.memref_slice %arg5[%add3A_40, %dma_start3A_74] : memref<1280x128xi32, #tpu.memory_space<hbm>> -> memref<40x128xi32, #tpu.memory_space<hbm>>
        tpu.enqueue_dma source(%dma_start3A_75 : memref<40x128xi32, #tpu.memory_space<hbm>>) target(%arg9 : memref<40x128xi32, #tpu.memory_space<vmem>>) target_semaphore(%run_scoped3A : memref<!tpu.dma_semaphore, #tpu.memory_space<semaphore_mem>>)
        %dma_wait3A = arith.constant 0 : i32
        %dma_wait3A_76 = tpu.memref_slice %arg5[%add3A_40, %dma_wait3A] : memref<1280x128xi32, #tpu.memory_space<hbm>> -> memref<40x128xi32, #tpu.memory_space<hbm>>
        %dma_wait3A_77 = arith.constant 0 : i32
        %dma_wait3A_78 = tpu.memref_slice %arg5[%add3A_40, %dma_wait3A_77] : memref<1280x128xi32, #tpu.memory_space<hbm>> -> memref<40x128xi32, #tpu.memory_space<hbm>>
        tpu.wait_dma2 semaphore(%run_scoped3A : memref<!tpu.dma_semaphore, #tpu.memory_space<semaphore_mem>>) src(%dma_wait3A_78 : memref<40x128xi32, #tpu.memory_space<hbm>>) dst(%arg9 : memref<40x128xi32, #tpu.memory_space<vmem>>)
        tpu.yield
      }) : () -> ()
      %dma_start3A_41 = arith.constant 0 : i32
      %dma_start3A_42 = arith.constant 0 : i32
      %dma_start3A_43 = arith.constant 0 : i32
      %dma_start3A_44 = tpu.memref_slice %arg8[%dma_start3A_41, %dma_start3A_43] : memref<40x128xi32, #tpu.memory_space<vmem>> -> memref<1x128xi32, #tpu.memory_space<vmem>>
      %dma_start3A_45 = tpu.memref_squeeze %dma_start3A_44 : memref<1x128xi32, #tpu.memory_space<vmem>> -> memref<128xi32, #tpu.memory_space<vmem>>
      %dma_start3A_46 = arith.constant 0 : i32
      %dma_start3A_47 = arith.constant 0 : i32
      %dma_start3A_48 = tpu.memref_slice %arg3[%dma_start3A_46, %dma_start3A_47] : memref<10240x128xf32, #tpu.memory_space<hbm>> -> memref<10240x128xf32, #tpu.memory_space<hbm>>
      %dma_start3A_49 = tpu.memref_slice %arg13[%dma_start3A_42] : memref<2x!tpu.dma_semaphore, #tpu.memory_space<semaphore_mem>> -> memref<1x!tpu.dma_semaphore, #tpu.memory_space<semaphore_mem>>
      %dma_start3A_50 = tpu.memref_squeeze %dma_start3A_49 : memref<1x!tpu.dma_semaphore, #tpu.memory_space<semaphore_mem>> -> memref<!tpu.dma_semaphore, #tpu.memory_space<semaphore_mem>>
      tpu.enqueue_indirect_dma source(%dma_start3A_48 : memref<10240x128xf32, #tpu.memory_space<hbm>>) target(%arg10 : memref<128x128xf32, #tpu.memory_space<vmem>>) offsets(%dma_start3A_45 : memref<128xi32, #tpu.memory_space<vmem>>) semaphore(%dma_start3A_50 : memref<!tpu.dma_semaphore, #tpu.memory_space<semaphore_mem>>)
      %dma_start3A_51 = arith.constant 1 : i32
      %dma_start3A_52 = arith.constant 1 : i32
      %dma_start3A_53 = arith.constant 0 : i32
      %dma_start3A_54 = tpu.memref_slice %arg8[%dma_start3A_51, %dma_start3A_53] : memref<40x128xi32, #tpu.memory_space<vmem>> -> memref<1x128xi32, #tpu.memory_space<vmem>>
      %dma_start3A_55 = tpu.memref_squeeze %dma_start3A_54 : memref<1x128xi32, #tpu.memory_space<vmem>> -> memref<128xi32, #tpu.memory_space<vmem>>
      %dma_start3A_56 = arith.constant 0 : i32
      %dma_start3A_57 = arith.constant 0 : i32
      %dma_start3A_58 = tpu.memref_slice %arg3[%dma_start3A_56, %dma_start3A_57] : memref<10240x128xf32, #tpu.memory_space<hbm>> -> memref<10240x128xf32, #tpu.memory_space<hbm>>
      %dma_start3A_59 = tpu.memref_slice %arg13[%dma_start3A_52] : memref<2x!tpu.dma_semaphore, #tpu.memory_space<semaphore_mem>> -> memref<1x!tpu.dma_semaphore, #tpu.memory_space<semaphore_mem>>
      %dma_start3A_60 = tpu.memref_squeeze %dma_start3A_59 : memref<1x!tpu.dma_semaphore, #tpu.memory_space<semaphore_mem>> -> memref<!tpu.dma_semaphore, #tpu.memory_space<semaphore_mem>>
      tpu.enqueue_indirect_dma source(%dma_start3A_58 : memref<10240x128xf32, #tpu.memory_space<hbm>>) target(%arg11 : memref<128x128xf32, #tpu.memory_space<vmem>>) offsets(%dma_start3A_55 : memref<128xi32, #tpu.memory_space<vmem>>) semaphore(%dma_start3A_60 : memref<!tpu.dma_semaphore, #tpu.memory_space<semaphore_mem>>)
      %scan3A_61 = arith.constant 0 : i32
      %scan3A_62 = arith.constant 0 : i32
      %scan3A_63 = arith.constant 20 : i32
      %scan3A_64 = arith.addi %scan3A_62, %scan3A_63 : i32
      %scan3A_65 = arith.constant 1 : i32
      scf.for %scan3A_72 = %scan3A_62 to %scan3A_64 step %scan3A_65  : i32 {
        %mul3A_73 = arith.constant 2 : i32
        %mul3A_74 = arith.muli %scan3A_72, %mul3A_73 : i32
        %add3A_75 = arith.constant 0 : i32
        %add3A_76 = arith.addi %mul3A_74, %add3A_75 : i32
        %dma_wait3A = arith.constant 0 : i32
        %dma_wait3A_77 = arith.constant 0 : i32
        %dma_wait3A_78 = tpu.memref_slice %arg8[%add3A_76, %dma_wait3A_77] : memref<40x128xi32, #tpu.memory_space<vmem>> -> memref<1x128xi32, #tpu.memory_space<vmem>>
        %dma_wait3A_79 = tpu.memref_squeeze %dma_wait3A_78 : memref<1x128xi32, #tpu.memory_space<vmem>> -> memref<128xi32, #tpu.memory_space<vmem>>
        %dma_wait3A_80 = arith.constant 0 : i32
        %dma_wait3A_81 = arith.constant 0 : i32
        %dma_wait3A_82 = tpu.memref_slice %arg3[%dma_wait3A_80, %dma_wait3A_81] : memref<10240x128xf32, #tpu.memory_space<hbm>> -> memref<10240x128xf32, #tpu.memory_space<hbm>>
        %dma_wait3A_83 = tpu.memref_slice %arg13[%dma_wait3A] : memref<2x!tpu.dma_semaphore, #tpu.memory_space<semaphore_mem>> -> memref<1x!tpu.dma_semaphore, #tpu.memory_space<semaphore_mem>>
        %dma_wait3A_84 = tpu.memref_squeeze %dma_wait3A_83 : memref<1x!tpu.dma_semaphore, #tpu.memory_space<semaphore_mem>> -> memref<!tpu.dma_semaphore, #tpu.memory_space<semaphore_mem>>
        tpu.wait_indirect_dma semaphore(%dma_wait3A_84 : memref<!tpu.dma_semaphore, #tpu.memory_space<semaphore_mem>>) src(%dma_wait3A_82 : memref<10240x128xf32, #tpu.memory_space<hbm>>) dst(%arg10 : memref<128x128xf32, #tpu.memory_space<vmem>>)
        "tpu.region"() ({
          %run_scoped3A = tpu.sem_alloc : memref<!tpu.dma_semaphore, #tpu.memory_space<semaphore_mem>>
          %dma_start3A_111 = arith.constant 0 : i32
          %dma_start3A_112 = tpu.memref_slice %arg9[%add3A_76, %dma_start3A_111] : memref<40x128xi32, #tpu.memory_space<vmem>> -> memref<1x128xi32, #tpu.memory_space<vmem>>
          %dma_start3A_113 = tpu.memref_squeeze %dma_start3A_112 : memref<1x128xi32, #tpu.memory_space<vmem>> -> memref<128xi32, #tpu.memory_space<vmem>>
          %dma_start3A_114 = arith.constant 0 : i32
          %dma_start3A_115 = arith.constant 0 : i32
          %dma_start3A_116 = tpu.memref_slice %arg12[%dma_start3A_114, %dma_start3A_115] : memref<10240x128xf32, #tpu.memory_space<vmem_shared>> -> memref<10240x128xf32, #tpu.memory_space<vmem_shared>>
          tpu.enqueue_indirect_dma source(%arg10 : memref<128x128xf32, #tpu.memory_space<vmem>>) target(%dma_start3A_116 : memref<10240x128xf32, #tpu.memory_space<vmem_shared>>) offsets(%dma_start3A_113 : memref<128xi32, #tpu.memory_space<vmem>>) semaphore(%run_scoped3A : memref<!tpu.dma_semaphore, #tpu.memory_space<semaphore_mem>>) {add = true}
          %dma_wait3A_117 = arith.constant 0 : i32
          %dma_wait3A_118 = tpu.memref_slice %arg9[%add3A_76, %dma_wait3A_117] : memref<40x128xi32, #tpu.memory_space<vmem>> -> memref<1x128xi32, #tpu.memory_space<vmem>>
          %dma_wait3A_119 = tpu.memref_squeeze %dma_wait3A_118 : memref<1x128xi32, #tpu.memory_space<vmem>> -> memref<128xi32, #tpu.memory_space<vmem>>
          %dma_wait3A_120 = arith.constant 0 : i32
          %dma_wait3A_121 = arith.constant 0 : i32
          %dma_wait3A_122 = tpu.memref_slice %arg12[%dma_wait3A_120, %dma_wait3A_121] : memref<10240x128xf32, #tpu.memory_space<vmem_shared>> -> memref<10240x128xf32, #tpu.memory_space<vmem_shared>>
          tpu.wait_indirect_dma semaphore(%run_scoped3A : memref<!tpu.dma_semaphore, #tpu.memory_space<semaphore_mem>>) src(%arg10 : memref<128x128xf32, #tpu.memory_space<vmem>>) dst(%dma_wait3A_122 : memref<10240x128xf32, #tpu.memory_space<vmem_shared>>)
          tpu.yield
        }) : () -> ()
        %add3A_85 = arith.constant 2 : i32
        %add3A_86 = arith.addi %add3A_76, %add3A_85 : i32
        %lt3A = arith.constant 40 : i32
        %lt3A_87 = arith.cmpi slt, %add3A_86, %lt3A : i32
        %convert_element_type3A_88 = arith.extui %lt3A_87 : i1 to i32
        %cond3A_89 = arith.constant 0 : i32
        %cond3A_90 = arith.cmpi ne, %convert_element_type3A_88, %cond3A_89 : i32
        scf.if %cond3A_90 {
          %add3A_111 = arith.constant 2 : i32
          %add3A_112 = arith.addi %add3A_76, %add3A_111 : i32
          %dma_start3A_113 = arith.constant 0 : i32
          %dma_start3A_114 = arith.constant 0 : i32
          %dma_start3A_115 = tpu.memref_slice %arg8[%add3A_112, %dma_start3A_114] : memref<40x128xi32, #tpu.memory_space<vmem>> -> memref<1x128xi32, #tpu.memory_space<vmem>>
          %dma_start3A_116 = tpu.memref_squeeze %dma_start3A_115 : memref<1x128xi32, #tpu.memory_space<vmem>> -> memref<128xi32, #tpu.memory_space<vmem>>
          %dma_start3A_117 = arith.constant 0 : i32
          %dma_start3A_118 = arith.constant 0 : i32
          %dma_start3A_119 = tpu.memref_slice %arg3[%dma_start3A_117, %dma_start3A_118] : memref<10240x128xf32, #tpu.memory_space<hbm>> -> memref<10240x128xf32, #tpu.memory_space<hbm>>
          %dma_start3A_120 = tpu.memref_slice %arg13[%dma_start3A_113] : memref<2x!tpu.dma_semaphore, #tpu.memory_space<semaphore_mem>> -> memref<1x!tpu.dma_semaphore, #tpu.memory_space<semaphore_mem>>
          %dma_start3A_121 = tpu.memref_squeeze %dma_start3A_120 : memref<1x!tpu.dma_semaphore, #tpu.memory_space<semaphore_mem>> -> memref<!tpu.dma_semaphore, #tpu.memory_space<semaphore_mem>>
          tpu.enqueue_indirect_dma source(%dma_start3A_119 : memref<10240x128xf32, #tpu.memory_space<hbm>>) target(%arg10 : memref<128x128xf32, #tpu.memory_space<vmem>>) offsets(%dma_start3A_116 : memref<128xi32, #tpu.memory_space<vmem>>) semaphore(%dma_start3A_121 : memref<!tpu.dma_semaphore, #tpu.memory_space<semaphore_mem>>)
        } else {
        }
        %mul3A_91 = arith.constant 2 : i32
        %mul3A_92 = arith.muli %scan3A_72, %mul3A_91 : i32
        %add3A_93 = arith.constant 1 : i32
        %add3A_94 = arith.addi %mul3A_92, %add3A_93 : i32
        %dma_wait3A_95 = arith.constant 1 : i32
        %dma_wait3A_96 = arith.constant 0 : i32
        %dma_wait3A_97 = tpu.memref_slice %arg8[%add3A_94, %dma_wait3A_96] : memref<40x128xi32, #tpu.memory_space<vmem>> -> memref<1x128xi32, #tpu.memory_space<vmem>>
        %dma_wait3A_98 = tpu.memref_squeeze %dma_wait3A_97 : memref<1x128xi32, #tpu.memory_space<vmem>> -> memref<128xi32, #tpu.memory_space<vmem>>
        %dma_wait3A_99 = arith.constant 0 : i32
        %dma_wait3A_100 = arith.constant 0 : i32
        %dma_wait3A_101 = tpu.memref_slice %arg3[%dma_wait3A_99, %dma_wait3A_100] : memref<10240x128xf32, #tpu.memory_space<hbm>> -> memref<10240x128xf32, #tpu.memory_space<hbm>>
        %dma_wait3A_102 = tpu.memref_slice %arg13[%dma_wait3A_95] : memref<2x!tpu.dma_semaphore, #tpu.memory_space<semaphore_mem>> -> memref<1x!tpu.dma_semaphore, #tpu.memory_space<semaphore_mem>>
        %dma_wait3A_103 = tpu.memref_squeeze %dma_wait3A_102 : memref<1x!tpu.dma_semaphore, #tpu.memory_space<semaphore_mem>> -> memref<!tpu.dma_semaphore, #tpu.memory_space<semaphore_mem>>
        tpu.wait_indirect_dma semaphore(%dma_wait3A_103 : memref<!tpu.dma_semaphore, #tpu.memory_space<semaphore_mem>>) src(%dma_wait3A_101 : memref<10240x128xf32, #tpu.memory_space<hbm>>) dst(%arg11 : memref<128x128xf32, #tpu.memory_space<vmem>>)
        "tpu.region"() ({
          %run_scoped3A = tpu.sem_alloc : memref<!tpu.dma_semaphore, #tpu.memory_space<semaphore_mem>>
          %dma_start3A_111 = arith.constant 0 : i32
          %dma_start3A_112 = tpu.memref_slice %arg9[%add3A_94, %dma_start3A_111] : memref<40x128xi32, #tpu.memory_space<vmem>> -> memref<1x128xi32, #tpu.memory_space<vmem>>
          %dma_start3A_113 = tpu.memref_squeeze %dma_start3A_112 : memref<1x128xi32, #tpu.memory_space<vmem>> -> memref<128xi32, #tpu.memory_space<vmem>>
          %dma_start3A_114 = arith.constant 0 : i32
          %dma_start3A_115 = arith.constant 0 : i32
          %dma_start3A_116 = tpu.memref_slice %arg12[%dma_start3A_114, %dma_start3A_115] : memref<10240x128xf32, #tpu.memory_space<vmem_shared>> -> memref<10240x128xf32, #tpu.memory_space<vmem_shared>>
          tpu.enqueue_indirect_dma source(%arg11 : memref<128x128xf32, #tpu.memory_space<vmem>>) target(%dma_start3A_116 : memref<10240x128xf32, #tpu.memory_space<vmem_shared>>) offsets(%dma_start3A_113 : memref<128xi32, #tpu.memory_space<vmem>>) semaphore(%run_scoped3A : memref<!tpu.dma_semaphore, #tpu.memory_space<semaphore_mem>>) {add = true}
          %dma_wait3A_117 = arith.constant 0 : i32
          %dma_wait3A_118 = tpu.memref_slice %arg9[%add3A_94, %dma_wait3A_117] : memref<40x128xi32, #tpu.memory_space<vmem>> -> memref<1x128xi32, #tpu.memory_space<vmem>>
          %dma_wait3A_119 = tpu.memref_squeeze %dma_wait3A_118 : memref<1x128xi32, #tpu.memory_space<vmem>> -> memref<128xi32, #tpu.memory_space<vmem>>
          %dma_wait3A_120 = arith.constant 0 : i32
          %dma_wait3A_121 = arith.constant 0 : i32
          %dma_wait3A_122 = tpu.memref_slice %arg12[%dma_wait3A_120, %dma_wait3A_121] : memref<10240x128xf32, #tpu.memory_space<vmem_shared>> -> memref<10240x128xf32, #tpu.memory_space<vmem_shared>>
          tpu.wait_indirect_dma semaphore(%run_scoped3A : memref<!tpu.dma_semaphore, #tpu.memory_space<semaphore_mem>>) src(%arg11 : memref<128x128xf32, #tpu.memory_space<vmem>>) dst(%dma_wait3A_122 : memref<10240x128xf32, #tpu.memory_space<vmem_shared>>)
          tpu.yield
        }) : () -> ()
        %add3A_104 = arith.constant 2 : i32
        %add3A_105 = arith.addi %add3A_94, %add3A_104 : i32
        %lt3A_106 = arith.constant 40 : i32
        %lt3A_107 = arith.cmpi slt, %add3A_105, %lt3A_106 : i32
        %convert_element_type3A_108 = arith.extui %lt3A_107 : i1 to i32
        %cond3A_109 = arith.constant 0 : i32
        %cond3A_110 = arith.cmpi ne, %convert_element_type3A_108, %cond3A_109 : i32
        scf.if %cond3A_110 {
          %add3A_111 = arith.constant 2 : i32
          %add3A_112 = arith.addi %add3A_94, %add3A_111 : i32
          %dma_start3A_113 = arith.constant 1 : i32
          %dma_start3A_114 = arith.constant 0 : i32
          %dma_start3A_115 = tpu.memref_slice %arg8[%add3A_112, %dma_start3A_114] : memref<40x128xi32, #tpu.memory_space<vmem>> -> memref<1x128xi32, #tpu.memory_space<vmem>>
          %dma_start3A_116 = tpu.memref_squeeze %dma_start3A_115 : memref<1x128xi32, #tpu.memory_space<vmem>> -> memref<128xi32, #tpu.memory_space<vmem>>
          %dma_start3A_117 = arith.constant 0 : i32
          %dma_start3A_118 = arith.constant 0 : i32
          %dma_start3A_119 = tpu.memref_slice %arg3[%dma_start3A_117, %dma_start3A_118] : memref<10240x128xf32, #tpu.memory_space<hbm>> -> memref<10240x128xf32, #tpu.memory_space<hbm>>
          %dma_start3A_120 = tpu.memref_slice %arg13[%dma_start3A_113] : memref<2x!tpu.dma_semaphore, #tpu.memory_space<semaphore_mem>> -> memref<1x!tpu.dma_semaphore, #tpu.memory_space<semaphore_mem>>
          %dma_start3A_121 = tpu.memref_squeeze %dma_start3A_120 : memref<1x!tpu.dma_semaphore, #tpu.memory_space<semaphore_mem>> -> memref<!tpu.dma_semaphore, #tpu.memory_space<semaphore_mem>>
          tpu.enqueue_indirect_dma source(%dma_start3A_119 : memref<10240x128xf32, #tpu.memory_space<hbm>>) target(%arg11 : memref<128x128xf32, #tpu.memory_space<vmem>>) offsets(%dma_start3A_116 : memref<128xi32, #tpu.memory_space<vmem>>) semaphore(%dma_start3A_121 : memref<!tpu.dma_semaphore, #tpu.memory_space<semaphore_mem>>)
        } else {
        }
      }
      %scan3A_66 = arith.constant 20 : i32
      %barrier3A_67 = arith.constant 0 : index
      tpu.barrier barrier_id(%barrier3A_67)
      %mul3A_68 = arith.constant 640 : i32
      %mul3A_69 = arith.muli %arg1, %mul3A_68 : i32
      %mul3A_70 = arith.constant 640 : i32
      %mul3A_71 = arith.muli %arg1, %mul3A_70 : i32
      "tpu.region"() ({
        %run_scoped3A = tpu.sem_alloc : memref<!tpu.dma_semaphore, #tpu.memory_space<semaphore_mem>>
        %dma_start3A_72 = arith.constant 0 : i32
        %dma_start3A_73 = tpu.memref_slice %arg7[%mul3A_71, %dma_start3A_72] : memref<10240x128xf32, #tpu.memory_space<hbm>> -> memref<640x128xf32, #tpu.memory_space<hbm>>
        %dma_start3A_74 = arith.constant 0 : i32
        %dma_start3A_75 = tpu.memref_slice %arg12[%mul3A_69, %dma_start3A_74] : memref<10240x128xf32, #tpu.memory_space<vmem_shared>> -> memref<640x128xf32, #tpu.memory_space<vmem_shared>>
        tpu.enqueue_dma source(%dma_start3A_75 : memref<640x128xf32, #tpu.memory_space<vmem_shared>>) target(%dma_start3A_73 : memref<640x128xf32, #tpu.memory_space<hbm>>) target_semaphore(%run_scoped3A : memref<!tpu.dma_semaphore, #tpu.memory_space<semaphore_mem>>)
        %dma_wait3A = arith.constant 0 : i32
        %dma_wait3A_76 = tpu.memref_slice %arg7[%mul3A_71, %dma_wait3A] : memref<10240x128xf32, #tpu.memory_space<hbm>> -> memref<640x128xf32, #tpu.memory_space<hbm>>
        %dma_wait3A_77 = arith.constant 0 : i32
        %dma_wait3A_78 = tpu.memref_slice %arg12[%mul3A_69, %dma_wait3A_77] : memref<10240x128xf32, #tpu.memory_space<vmem_shared>> -> memref<640x128xf32, #tpu.memory_space<vmem_shared>>
        tpu.wait_dma2 semaphore(%run_scoped3A : memref<!tpu.dma_semaphore, #tpu.memory_space<semaphore_mem>>) src(%dma_wait3A_78 : memref<640x128xf32, #tpu.memory_space<vmem_shared>>) dst(%dma_wait3A_76 : memref<640x128xf32, #tpu.memory_space<hbm>>)
        tpu.yield
      }) : () -> ()
    } else {
    }
    return
  }
}

#map = affine_map<(d0, d1) -> (0, 0)>
module attributes {stable_mosaic.version = 14 : i64} {
  func.func @_prop_body(%arg0: i32, %arg1: i32, %arg2: memref<10240x128xf32, #tpu.memory_space<hbm>>, %arg3: memref<10240x128xf32, #tpu.memory_space<hbm>>, %arg4: memref<1280x128xi32, #tpu.memory_space<hbm>>, %arg5: memref<1280x128xi32, #tpu.memory_space<hbm>>, %arg6: memref<10240x128xf32, #tpu.memory_space<hbm>>, %arg7: memref<10240x128xf32, #tpu.memory_space<hbm>>, %arg8: memref<40x128xi32, #tpu.memory_space<vmem>>, %arg9: memref<40x128xi32, #tpu.memory_space<vmem>>, %arg10: memref<128x128xf32, #tpu.memory_space<vmem>>, %arg11: memref<128x128xf32, #tpu.memory_space<vmem>>, %arg12: memref<10240x128xf32, #tpu.memory_space<vmem_shared>>, %arg13: memref<2x!tpu.dma_semaphore, #tpu.memory_space<semaphore_mem>>) attributes {dimension_semantics = [#tpu.dimension_semantics<core_parallel>, #tpu.dimension_semantics<subcore_parallel>], iteration_bounds = array<i64: 2, 16>, scalar_prefetch = 0 : i64, scratch_operands = 6 : i64, tpu.core_type = #tpu.core_type<sc_vector_subcore>, window_params = [{transform_indices = #map}, {transform_indices = #map}, {transform_indices = #map}, {transform_indices = #map}, {transform_indices = #map}, {transform_indices = #map}]} {
    %eq3A = arith.constant 0 : i32
    %eq3A_0 = arith.cmpi eq, %arg0, %eq3A : i32
    %convert_element_type3A = arith.extui %eq3A_0 : i1 to i32
    %cond3A = arith.constant 0 : i32
    %cond3A_1 = arith.cmpi ne, %convert_element_type3A, %cond3A : i32
    scf.if %cond3A_1 {
      %mul3A = arith.constant 640 : i32
      %mul3A_7 = arith.muli %arg1, %mul3A : i32
      %mul3A_8 = arith.constant 640 : i32
      %mul3A_9 = arith.muli %arg1, %mul3A_8 : i32
      "tpu.region"() ({
        %run_scoped3A = tpu.sem_alloc : memref<!tpu.dma_semaphore, #tpu.memory_space<semaphore_mem>>
        %dma_start3A_72 = arith.constant 0 : i32
        %dma_start3A_73 = tpu.memref_slice %arg12[%mul3A_9, %dma_start3A_72] : memref<10240x128xf32, #tpu.memory_space<vmem_shared>> -> memref<640x128xf32, #tpu.memory_space<vmem_shared>>
        %dma_start3A_74 = arith.constant 0 : i32
        %dma_start3A_75 = tpu.memref_slice %arg2[%mul3A_7, %dma_start3A_74] : memref<10240x128xf32, #tpu.memory_space<hbm>> -> memref<640x128xf32, #tpu.memory_space<hbm>>
        tpu.enqueue_dma source(%dma_start3A_75 : memref<640x128xf32, #tpu.memory_space<hbm>>) target(%dma_start3A_73 : memref<640x128xf32, #tpu.memory_space<vmem_shared>>) target_semaphore(%run_scoped3A : memref<!tpu.dma_semaphore, #tpu.memory_space<semaphore_mem>>)
        %dma_wait3A = arith.constant 0 : i32
        %dma_wait3A_76 = tpu.memref_slice %arg12[%mul3A_9, %dma_wait3A] : memref<10240x128xf32, #tpu.memory_space<vmem_shared>> -> memref<640x128xf32, #tpu.memory_space<vmem_shared>>
        %dma_wait3A_77 = arith.constant 0 : i32
        %dma_wait3A_78 = tpu.memref_slice %arg2[%mul3A_7, %dma_wait3A_77] : memref<10240x128xf32, #tpu.memory_space<hbm>> -> memref<640x128xf32, #tpu.memory_space<hbm>>
        tpu.wait_dma2 semaphore(%run_scoped3A : memref<!tpu.dma_semaphore, #tpu.memory_space<semaphore_mem>>) src(%dma_wait3A_78 : memref<640x128xf32, #tpu.memory_space<hbm>>) dst(%dma_wait3A_76 : memref<640x128xf32, #tpu.memory_space<vmem_shared>>)
        tpu.yield
      }) : () -> ()
      %barrier3A = arith.constant 0 : index
      tpu.barrier barrier_id(%barrier3A)
      %mul3A_10 = arith.constant 80 : i32
      %mul3A_11 = arith.muli %arg1, %mul3A_10 : i32
      %add3A = arith.constant 0 : i32
      %add3A_12 = arith.addi %mul3A_11, %add3A : i32
      "tpu.region"() ({
        %run_scoped3A = tpu.sem_alloc : memref<!tpu.dma_semaphore, #tpu.memory_space<semaphore_mem>>
        %dma_start3A_72 = arith.constant 0 : i32
        %dma_start3A_73 = tpu.memref_slice %arg4[%add3A_12, %dma_start3A_72] : memref<1280x128xi32, #tpu.memory_space<hbm>> -> memref<40x128xi32, #tpu.memory_space<hbm>>
        %dma_start3A_74 = arith.constant 0 : i32
        %dma_start3A_75 = tpu.memref_slice %arg4[%add3A_12, %dma_start3A_74] : memref<1280x128xi32, #tpu.memory_space<hbm>> -> memref<40x128xi32, #tpu.memory_space<hbm>>
        tpu.enqueue_dma source(%dma_start3A_75 : memref<40x128xi32, #tpu.memory_space<hbm>>) target(%arg8 : memref<40x128xi32, #tpu.memory_space<vmem>>) target_semaphore(%run_scoped3A : memref<!tpu.dma_semaphore, #tpu.memory_space<semaphore_mem>>)
        %dma_wait3A = arith.constant 0 : i32
        %dma_wait3A_76 = tpu.memref_slice %arg4[%add3A_12, %dma_wait3A] : memref<1280x128xi32, #tpu.memory_space<hbm>> -> memref<40x128xi32, #tpu.memory_space<hbm>>
        %dma_wait3A_77 = arith.constant 0 : i32
        %dma_wait3A_78 = tpu.memref_slice %arg4[%add3A_12, %dma_wait3A_77] : memref<1280x128xi32, #tpu.memory_space<hbm>> -> memref<40x128xi32, #tpu.memory_space<hbm>>
        tpu.wait_dma2 semaphore(%run_scoped3A : memref<!tpu.dma_semaphore, #tpu.memory_space<semaphore_mem>>) src(%dma_wait3A_78 : memref<40x128xi32, #tpu.memory_space<hbm>>) dst(%arg8 : memref<40x128xi32, #tpu.memory_space<vmem>>)
        tpu.yield
      }) : () -> ()
      "tpu.region"() ({
        %run_scoped3A = tpu.sem_alloc : memref<!tpu.dma_semaphore, #tpu.memory_space<semaphore_mem>>
        %dma_start3A_72 = arith.constant 0 : i32
        %dma_start3A_73 = tpu.memref_slice %arg5[%add3A_12, %dma_start3A_72] : memref<1280x128xi32, #tpu.memory_space<hbm>> -> memref<40x128xi32, #tpu.memory_space<hbm>>
        %dma_start3A_74 = arith.constant 0 : i32
        %dma_start3A_75 = tpu.memref_slice %arg5[%add3A_12, %dma_start3A_74] : memref<1280x128xi32, #tpu.memory_space<hbm>> -> memref<40x128xi32, #tpu.memory_space<hbm>>
        tpu.enqueue_dma source(%dma_start3A_75 : memref<40x128xi32, #tpu.memory_space<hbm>>) target(%arg9 : memref<40x128xi32, #tpu.memory_space<vmem>>) target_semaphore(%run_scoped3A : memref<!tpu.dma_semaphore, #tpu.memory_space<semaphore_mem>>)
        %dma_wait3A = arith.constant 0 : i32
        %dma_wait3A_76 = tpu.memref_slice %arg5[%add3A_12, %dma_wait3A] : memref<1280x128xi32, #tpu.memory_space<hbm>> -> memref<40x128xi32, #tpu.memory_space<hbm>>
        %dma_wait3A_77 = arith.constant 0 : i32
        %dma_wait3A_78 = tpu.memref_slice %arg5[%add3A_12, %dma_wait3A_77] : memref<1280x128xi32, #tpu.memory_space<hbm>> -> memref<40x128xi32, #tpu.memory_space<hbm>>
        tpu.wait_dma2 semaphore(%run_scoped3A : memref<!tpu.dma_semaphore, #tpu.memory_space<semaphore_mem>>) src(%dma_wait3A_78 : memref<40x128xi32, #tpu.memory_space<hbm>>) dst(%arg9 : memref<40x128xi32, #tpu.memory_space<vmem>>)
        tpu.yield
      }) : () -> ()
      %dma_start3A = arith.constant 0 : i32
      %dma_start3A_13 = arith.constant 0 : i32
      %dma_start3A_14 = arith.constant 0 : i32
      %dma_start3A_15 = tpu.memref_slice %arg8[%dma_start3A, %dma_start3A_14] : memref<40x128xi32, #tpu.memory_space<vmem>> -> memref<1x128xi32, #tpu.memory_space<vmem>>
      %dma_start3A_16 = tpu.memref_squeeze %dma_start3A_15 : memref<1x128xi32, #tpu.memory_space<vmem>> -> memref<128xi32, #tpu.memory_space<vmem>>
      %dma_start3A_17 = arith.constant 0 : i32
      %dma_start3A_18 = arith.constant 0 : i32
      %dma_start3A_19 = tpu.memref_slice %arg2[%dma_start3A_17, %dma_start3A_18] : memref<10240x128xf32, #tpu.memory_space<hbm>> -> memref<10240x128xf32, #tpu.memory_space<hbm>>
      %dma_start3A_20 = tpu.memref_slice %arg13[%dma_start3A_13] : memref<2x!tpu.dma_semaphore, #tpu.memory_space<semaphore_mem>> -> memref<1x!tpu.dma_semaphore, #tpu.memory_space<semaphore_mem>>
      %dma_start3A_21 = tpu.memref_squeeze %dma_start3A_20 : memref<1x!tpu.dma_semaphore, #tpu.memory_space<semaphore_mem>> -> memref<!tpu.dma_semaphore, #tpu.memory_space<semaphore_mem>>
      tpu.enqueue_indirect_dma source(%dma_start3A_19 : memref<10240x128xf32, #tpu.memory_space<hbm>>) target(%arg10 : memref<128x128xf32, #tpu.memory_space<vmem>>) offsets(%dma_start3A_16 : memref<128xi32, #tpu.memory_space<vmem>>) semaphore(%dma_start3A_21 : memref<!tpu.dma_semaphore, #tpu.memory_space<semaphore_mem>>)
      %dma_start3A_22 = arith.constant 1 : i32
      %dma_start3A_23 = arith.constant 1 : i32
      %dma_start3A_24 = arith.constant 0 : i32
      %dma_start3A_25 = tpu.memref_slice %arg8[%dma_start3A_22, %dma_start3A_24] : memref<40x128xi32, #tpu.memory_space<vmem>> -> memref<1x128xi32, #tpu.memory_space<vmem>>
      %dma_start3A_26 = tpu.memref_squeeze %dma_start3A_25 : memref<1x128xi32, #tpu.memory_space<vmem>> -> memref<128xi32, #tpu.memory_space<vmem>>
      %dma_start3A_27 = arith.constant 0 : i32
      %dma_start3A_28 = arith.constant 0 : i32
      %dma_start3A_29 = tpu.memref_slice %arg2[%dma_start3A_27, %dma_start3A_28] : memref<10240x128xf32, #tpu.memory_space<hbm>> -> memref<10240x128xf32, #tpu.memory_space<hbm>>
      %dma_start3A_30 = tpu.memref_slice %arg13[%dma_start3A_23] : memref<2x!tpu.dma_semaphore, #tpu.memory_space<semaphore_mem>> -> memref<1x!tpu.dma_semaphore, #tpu.memory_space<semaphore_mem>>
      %dma_start3A_31 = tpu.memref_squeeze %dma_start3A_30 : memref<1x!tpu.dma_semaphore, #tpu.memory_space<semaphore_mem>> -> memref<!tpu.dma_semaphore, #tpu.memory_space<semaphore_mem>>
      tpu.enqueue_indirect_dma source(%dma_start3A_29 : memref<10240x128xf32, #tpu.memory_space<hbm>>) target(%arg11 : memref<128x128xf32, #tpu.memory_space<vmem>>) offsets(%dma_start3A_26 : memref<128xi32, #tpu.memory_space<vmem>>) semaphore(%dma_start3A_31 : memref<!tpu.dma_semaphore, #tpu.memory_space<semaphore_mem>>)
      %scan3A = arith.constant 0 : i32
      %scan3A_32 = arith.constant 0 : i32
      %scan3A_33 = arith.constant 20 : i32
      %scan3A_34 = arith.addi %scan3A_32, %scan3A_33 : i32
      %scan3A_35 = arith.constant 1 : i32
      scf.for %scan3A_72 = %scan3A_32 to %scan3A_34 step %scan3A_35  : i32 {
        %mul3A_73 = arith.constant 2 : i32
        %mul3A_74 = arith.muli %scan3A_72, %mul3A_73 : i32
        %add3A_75 = arith.constant 0 : i32
        %add3A_76 = arith.addi %mul3A_74, %add3A_75 : i32
        %dma_wait3A = arith.constant 0 : i32
        %dma_wait3A_77 = arith.constant 0 : i32
        %dma_wait3A_78 = tpu.memref_slice %arg8[%add3A_76, %dma_wait3A_77] : memref<40x128xi32, #tpu.memory_space<vmem>> -> memref<1x128xi32, #tpu.memory_space<vmem>>
        %dma_wait3A_79 = tpu.memref_squeeze %dma_wait3A_78 : memref<1x128xi32, #tpu.memory_space<vmem>> -> memref<128xi32, #tpu.memory_space<vmem>>
        %dma_wait3A_80 = arith.constant 0 : i32
        %dma_wait3A_81 = arith.constant 0 : i32
        %dma_wait3A_82 = tpu.memref_slice %arg2[%dma_wait3A_80, %dma_wait3A_81] : memref<10240x128xf32, #tpu.memory_space<hbm>> -> memref<10240x128xf32, #tpu.memory_space<hbm>>
        %dma_wait3A_83 = tpu.memref_slice %arg13[%dma_wait3A] : memref<2x!tpu.dma_semaphore, #tpu.memory_space<semaphore_mem>> -> memref<1x!tpu.dma_semaphore, #tpu.memory_space<semaphore_mem>>
        %dma_wait3A_84 = tpu.memref_squeeze %dma_wait3A_83 : memref<1x!tpu.dma_semaphore, #tpu.memory_space<semaphore_mem>> -> memref<!tpu.dma_semaphore, #tpu.memory_space<semaphore_mem>>
        tpu.wait_indirect_dma semaphore(%dma_wait3A_84 : memref<!tpu.dma_semaphore, #tpu.memory_space<semaphore_mem>>) src(%dma_wait3A_82 : memref<10240x128xf32, #tpu.memory_space<hbm>>) dst(%arg10 : memref<128x128xf32, #tpu.memory_space<vmem>>)
        "tpu.region"() ({
          %run_scoped3A = tpu.sem_alloc : memref<!tpu.dma_semaphore, #tpu.memory_space<semaphore_mem>>
          %dma_start3A_111 = arith.constant 0 : i32
          %dma_start3A_112 = tpu.memref_slice %arg9[%add3A_76, %dma_start3A_111] : memref<40x128xi32, #tpu.memory_space<vmem>> -> memref<1x128xi32, #tpu.memory_space<vmem>>
          %dma_start3A_113 = tpu.memref_squeeze %dma_start3A_112 : memref<1x128xi32, #tpu.memory_space<vmem>> -> memref<128xi32, #tpu.memory_space<vmem>>
          %dma_start3A_114 = arith.constant 0 : i32
          %dma_start3A_115 = arith.constant 0 : i32
          %dma_start3A_116 = tpu.memref_slice %arg12[%dma_start3A_114, %dma_start3A_115] : memref<10240x128xf32, #tpu.memory_space<vmem_shared>> -> memref<10240x128xf32, #tpu.memory_space<vmem_shared>>
          tpu.enqueue_indirect_dma source(%arg10 : memref<128x128xf32, #tpu.memory_space<vmem>>) target(%dma_start3A_116 : memref<10240x128xf32, #tpu.memory_space<vmem_shared>>) offsets(%dma_start3A_113 : memref<128xi32, #tpu.memory_space<vmem>>) semaphore(%run_scoped3A : memref<!tpu.dma_semaphore, #tpu.memory_space<semaphore_mem>>) {add = true}
          %dma_wait3A_117 = arith.constant 0 : i32
          %dma_wait3A_118 = tpu.memref_slice %arg9[%add3A_76, %dma_wait3A_117] : memref<40x128xi32, #tpu.memory_space<vmem>> -> memref<1x128xi32, #tpu.memory_space<vmem>>
          %dma_wait3A_119 = tpu.memref_squeeze %dma_wait3A_118 : memref<1x128xi32, #tpu.memory_space<vmem>> -> memref<128xi32, #tpu.memory_space<vmem>>
          %dma_wait3A_120 = arith.constant 0 : i32
          %dma_wait3A_121 = arith.constant 0 : i32
          %dma_wait3A_122 = tpu.memref_slice %arg12[%dma_wait3A_120, %dma_wait3A_121] : memref<10240x128xf32, #tpu.memory_space<vmem_shared>> -> memref<10240x128xf32, #tpu.memory_space<vmem_shared>>
          tpu.wait_indirect_dma semaphore(%run_scoped3A : memref<!tpu.dma_semaphore, #tpu.memory_space<semaphore_mem>>) src(%arg10 : memref<128x128xf32, #tpu.memory_space<vmem>>) dst(%dma_wait3A_122 : memref<10240x128xf32, #tpu.memory_space<vmem_shared>>)
          tpu.yield
        }) : () -> ()
        %add3A_85 = arith.constant 2 : i32
        %add3A_86 = arith.addi %add3A_76, %add3A_85 : i32
        %lt3A = arith.constant 40 : i32
        %lt3A_87 = arith.cmpi slt, %add3A_86, %lt3A : i32
        %convert_element_type3A_88 = arith.extui %lt3A_87 : i1 to i32
        %cond3A_89 = arith.constant 0 : i32
        %cond3A_90 = arith.cmpi ne, %convert_element_type3A_88, %cond3A_89 : i32
        scf.if %cond3A_90 {
          %add3A_111 = arith.constant 2 : i32
          %add3A_112 = arith.addi %add3A_76, %add3A_111 : i32
          %dma_start3A_113 = arith.constant 0 : i32
          %dma_start3A_114 = arith.constant 0 : i32
          %dma_start3A_115 = tpu.memref_slice %arg8[%add3A_112, %dma_start3A_114] : memref<40x128xi32, #tpu.memory_space<vmem>> -> memref<1x128xi32, #tpu.memory_space<vmem>>
          %dma_start3A_116 = tpu.memref_squeeze %dma_start3A_115 : memref<1x128xi32, #tpu.memory_space<vmem>> -> memref<128xi32, #tpu.memory_space<vmem>>
          %dma_start3A_117 = arith.constant 0 : i32
          %dma_start3A_118 = arith.constant 0 : i32
          %dma_start3A_119 = tpu.memref_slice %arg2[%dma_start3A_117, %dma_start3A_118] : memref<10240x128xf32, #tpu.memory_space<hbm>> -> memref<10240x128xf32, #tpu.memory_space<hbm>>
          %dma_start3A_120 = tpu.memref_slice %arg13[%dma_start3A_113] : memref<2x!tpu.dma_semaphore, #tpu.memory_space<semaphore_mem>> -> memref<1x!tpu.dma_semaphore, #tpu.memory_space<semaphore_mem>>
          %dma_start3A_121 = tpu.memref_squeeze %dma_start3A_120 : memref<1x!tpu.dma_semaphore, #tpu.memory_space<semaphore_mem>> -> memref<!tpu.dma_semaphore, #tpu.memory_space<semaphore_mem>>
          tpu.enqueue_indirect_dma source(%dma_start3A_119 : memref<10240x128xf32, #tpu.memory_space<hbm>>) target(%arg10 : memref<128x128xf32, #tpu.memory_space<vmem>>) offsets(%dma_start3A_116 : memref<128xi32, #tpu.memory_space<vmem>>) semaphore(%dma_start3A_121 : memref<!tpu.dma_semaphore, #tpu.memory_space<semaphore_mem>>)
        } else {
        }
        %mul3A_91 = arith.constant 2 : i32
        %mul3A_92 = arith.muli %scan3A_72, %mul3A_91 : i32
        %add3A_93 = arith.constant 1 : i32
        %add3A_94 = arith.addi %mul3A_92, %add3A_93 : i32
        %dma_wait3A_95 = arith.constant 1 : i32
        %dma_wait3A_96 = arith.constant 0 : i32
        %dma_wait3A_97 = tpu.memref_slice %arg8[%add3A_94, %dma_wait3A_96] : memref<40x128xi32, #tpu.memory_space<vmem>> -> memref<1x128xi32, #tpu.memory_space<vmem>>
        %dma_wait3A_98 = tpu.memref_squeeze %dma_wait3A_97 : memref<1x128xi32, #tpu.memory_space<vmem>> -> memref<128xi32, #tpu.memory_space<vmem>>
        %dma_wait3A_99 = arith.constant 0 : i32
        %dma_wait3A_100 = arith.constant 0 : i32
        %dma_wait3A_101 = tpu.memref_slice %arg2[%dma_wait3A_99, %dma_wait3A_100] : memref<10240x128xf32, #tpu.memory_space<hbm>> -> memref<10240x128xf32, #tpu.memory_space<hbm>>
        %dma_wait3A_102 = tpu.memref_slice %arg13[%dma_wait3A_95] : memref<2x!tpu.dma_semaphore, #tpu.memory_space<semaphore_mem>> -> memref<1x!tpu.dma_semaphore, #tpu.memory_space<semaphore_mem>>
        %dma_wait3A_103 = tpu.memref_squeeze %dma_wait3A_102 : memref<1x!tpu.dma_semaphore, #tpu.memory_space<semaphore_mem>> -> memref<!tpu.dma_semaphore, #tpu.memory_space<semaphore_mem>>
        tpu.wait_indirect_dma semaphore(%dma_wait3A_103 : memref<!tpu.dma_semaphore, #tpu.memory_space<semaphore_mem>>) src(%dma_wait3A_101 : memref<10240x128xf32, #tpu.memory_space<hbm>>) dst(%arg11 : memref<128x128xf32, #tpu.memory_space<vmem>>)
        "tpu.region"() ({
          %run_scoped3A = tpu.sem_alloc : memref<!tpu.dma_semaphore, #tpu.memory_space<semaphore_mem>>
          %dma_start3A_111 = arith.constant 0 : i32
          %dma_start3A_112 = tpu.memref_slice %arg9[%add3A_94, %dma_start3A_111] : memref<40x128xi32, #tpu.memory_space<vmem>> -> memref<1x128xi32, #tpu.memory_space<vmem>>
          %dma_start3A_113 = tpu.memref_squeeze %dma_start3A_112 : memref<1x128xi32, #tpu.memory_space<vmem>> -> memref<128xi32, #tpu.memory_space<vmem>>
          %dma_start3A_114 = arith.constant 0 : i32
          %dma_start3A_115 = arith.constant 0 : i32
          %dma_start3A_116 = tpu.memref_slice %arg12[%dma_start3A_114, %dma_start3A_115] : memref<10240x128xf32, #tpu.memory_space<vmem_shared>> -> memref<10240x128xf32, #tpu.memory_space<vmem_shared>>
          tpu.enqueue_indirect_dma source(%arg11 : memref<128x128xf32, #tpu.memory_space<vmem>>) target(%dma_start3A_116 : memref<10240x128xf32, #tpu.memory_space<vmem_shared>>) offsets(%dma_start3A_113 : memref<128xi32, #tpu.memory_space<vmem>>) semaphore(%run_scoped3A : memref<!tpu.dma_semaphore, #tpu.memory_space<semaphore_mem>>) {add = true}
          %dma_wait3A_117 = arith.constant 0 : i32
          %dma_wait3A_118 = tpu.memref_slice %arg9[%add3A_94, %dma_wait3A_117] : memref<40x128xi32, #tpu.memory_space<vmem>> -> memref<1x128xi32, #tpu.memory_space<vmem>>
          %dma_wait3A_119 = tpu.memref_squeeze %dma_wait3A_118 : memref<1x128xi32, #tpu.memory_space<vmem>> -> memref<128xi32, #tpu.memory_space<vmem>>
          %dma_wait3A_120 = arith.constant 0 : i32
          %dma_wait3A_121 = arith.constant 0 : i32
          %dma_wait3A_122 = tpu.memref_slice %arg12[%dma_wait3A_120, %dma_wait3A_121] : memref<10240x128xf32, #tpu.memory_space<vmem_shared>> -> memref<10240x128xf32, #tpu.memory_space<vmem_shared>>
          tpu.wait_indirect_dma semaphore(%run_scoped3A : memref<!tpu.dma_semaphore, #tpu.memory_space<semaphore_mem>>) src(%arg11 : memref<128x128xf32, #tpu.memory_space<vmem>>) dst(%dma_wait3A_122 : memref<10240x128xf32, #tpu.memory_space<vmem_shared>>)
          tpu.yield
        }) : () -> ()
        %add3A_104 = arith.constant 2 : i32
        %add3A_105 = arith.addi %add3A_94, %add3A_104 : i32
        %lt3A_106 = arith.constant 40 : i32
        %lt3A_107 = arith.cmpi slt, %add3A_105, %lt3A_106 : i32
        %convert_element_type3A_108 = arith.extui %lt3A_107 : i1 to i32
        %cond3A_109 = arith.constant 0 : i32
        %cond3A_110 = arith.cmpi ne, %convert_element_type3A_108, %cond3A_109 : i32
        scf.if %cond3A_110 {
          %add3A_111 = arith.constant 2 : i32
          %add3A_112 = arith.addi %add3A_94, %add3A_111 : i32
          %dma_start3A_113 = arith.constant 1 : i32
          %dma_start3A_114 = arith.constant 0 : i32
          %dma_start3A_115 = tpu.memref_slice %arg8[%add3A_112, %dma_start3A_114] : memref<40x128xi32, #tpu.memory_space<vmem>> -> memref<1x128xi32, #tpu.memory_space<vmem>>
          %dma_start3A_116 = tpu.memref_squeeze %dma_start3A_115 : memref<1x128xi32, #tpu.memory_space<vmem>> -> memref<128xi32, #tpu.memory_space<vmem>>
          %dma_start3A_117 = arith.constant 0 : i32
          %dma_start3A_118 = arith.constant 0 : i32
          %dma_start3A_119 = tpu.memref_slice %arg2[%dma_start3A_117, %dma_start3A_118] : memref<10240x128xf32, #tpu.memory_space<hbm>> -> memref<10240x128xf32, #tpu.memory_space<hbm>>
          %dma_start3A_120 = tpu.memref_slice %arg13[%dma_start3A_113] : memref<2x!tpu.dma_semaphore, #tpu.memory_space<semaphore_mem>> -> memref<1x!tpu.dma_semaphore, #tpu.memory_space<semaphore_mem>>
          %dma_start3A_121 = tpu.memref_squeeze %dma_start3A_120 : memref<1x!tpu.dma_semaphore, #tpu.memory_space<semaphore_mem>> -> memref<!tpu.dma_semaphore, #tpu.memory_space<semaphore_mem>>
          tpu.enqueue_indirect_dma source(%dma_start3A_119 : memref<10240x128xf32, #tpu.memory_space<hbm>>) target(%arg11 : memref<128x128xf32, #tpu.memory_space<vmem>>) offsets(%dma_start3A_116 : memref<128xi32, #tpu.memory_space<vmem>>) semaphore(%dma_start3A_121 : memref<!tpu.dma_semaphore, #tpu.memory_space<semaphore_mem>>)
        } else {
        }
      }
      %scan3A_36 = arith.constant 20 : i32
      %mul3A_37 = arith.constant 80 : i32
      %mul3A_38 = arith.muli %arg1, %mul3A_37 : i32
      %add3A_39 = arith.constant 40 : i32
      %add3A_40 = arith.addi %mul3A_38, %add3A_39 : i32
      "tpu.region"() ({
        %run_scoped3A = tpu.sem_alloc : memref<!tpu.dma_semaphore, #tpu.memory_space<semaphore_mem>>
        %dma_start3A_72 = arith.constant 0 : i32
        %dma_start3A_73 = tpu.memref_slice %arg4[%add3A_40, %dma_start3A_72] : memref<1280x128xi32, #tpu.memory_space<hbm>> -> memref<40x128xi32, #tpu.memory_space<hbm>>
        %dma_start3A_74 = arith.constant 0 : i32
        %dma_start3A_75 = tpu.memref_slice %arg4[%add3A_40, %dma_start3A_74] : memref<1280x128xi32, #tpu.memory_space<hbm>> -> memref<40x128xi32, #tpu.memory_space<hbm>>
        tpu.enqueue_dma source(%dma_start3A_75 : memref<40x128xi32, #tpu.memory_space<hbm>>) target(%arg8 : memref<40x128xi32, #tpu.memory_space<vmem>>) target_semaphore(%run_scoped3A : memref<!tpu.dma_semaphore, #tpu.memory_space<semaphore_mem>>)
        %dma_wait3A = arith.constant 0 : i32
        %dma_wait3A_76 = tpu.memref_slice %arg4[%add3A_40, %dma_wait3A] : memref<1280x128xi32, #tpu.memory_space<hbm>> -> memref<40x128xi32, #tpu.memory_space<hbm>>
        %dma_wait3A_77 = arith.constant 0 : i32
        %dma_wait3A_78 = tpu.memref_slice %arg4[%add3A_40, %dma_wait3A_77] : memref<1280x128xi32, #tpu.memory_space<hbm>> -> memref<40x128xi32, #tpu.memory_space<hbm>>
        tpu.wait_dma2 semaphore(%run_scoped3A : memref<!tpu.dma_semaphore, #tpu.memory_space<semaphore_mem>>) src(%dma_wait3A_78 : memref<40x128xi32, #tpu.memory_space<hbm>>) dst(%arg8 : memref<40x128xi32, #tpu.memory_space<vmem>>)
        tpu.yield
      }) : () -> ()
      "tpu.region"() ({
        %run_scoped3A = tpu.sem_alloc : memref<!tpu.dma_semaphore, #tpu.memory_space<semaphore_mem>>
        %dma_start3A_72 = arith.constant 0 : i32
        %dma_start3A_73 = tpu.memref_slice %arg5[%add3A_40, %dma_start3A_72] : memref<1280x128xi32, #tpu.memory_space<hbm>> -> memref<40x128xi32, #tpu.memory_space<hbm>>
        %dma_start3A_74 = arith.constant 0 : i32
        %dma_start3A_75 = tpu.memref_slice %arg5[%add3A_40, %dma_start3A_74] : memref<1280x128xi32, #tpu.memory_space<hbm>> -> memref<40x128xi32, #tpu.memory_space<hbm>>
        tpu.enqueue_dma source(%dma_start3A_75 : memref<40x128xi32, #tpu.memory_space<hbm>>) target(%arg9 : memref<40x128xi32, #tpu.memory_space<vmem>>) target_semaphore(%run_scoped3A : memref<!tpu.dma_semaphore, #tpu.memory_space<semaphore_mem>>)
        %dma_wait3A = arith.constant 0 : i32
        %dma_wait3A_76 = tpu.memref_slice %arg5[%add3A_40, %dma_wait3A] : memref<1280x128xi32, #tpu.memory_space<hbm>> -> memref<40x128xi32, #tpu.memory_space<hbm>>
        %dma_wait3A_77 = arith.constant 0 : i32
        %dma_wait3A_78 = tpu.memref_slice %arg5[%add3A_40, %dma_wait3A_77] : memref<1280x128xi32, #tpu.memory_space<hbm>> -> memref<40x128xi32, #tpu.memory_space<hbm>>
        tpu.wait_dma2 semaphore(%run_scoped3A : memref<!tpu.dma_semaphore, #tpu.memory_space<semaphore_mem>>) src(%dma_wait3A_78 : memref<40x128xi32, #tpu.memory_space<hbm>>) dst(%arg9 : memref<40x128xi32, #tpu.memory_space<vmem>>)
        tpu.yield
      }) : () -> ()
      %dma_start3A_41 = arith.constant 0 : i32
      %dma_start3A_42 = arith.constant 0 : i32
      %dma_start3A_43 = arith.constant 0 : i32
      %dma_start3A_44 = tpu.memref_slice %arg8[%dma_start3A_41, %dma_start3A_43] : memref<40x128xi32, #tpu.memory_space<vmem>> -> memref<1x128xi32, #tpu.memory_space<vmem>>
      %dma_start3A_45 = tpu.memref_squeeze %dma_start3A_44 : memref<1x128xi32, #tpu.memory_space<vmem>> -> memref<128xi32, #tpu.memory_space<vmem>>
      %dma_start3A_46 = arith.constant 0 : i32
      %dma_start3A_47 = arith.constant 0 : i32
      %dma_start3A_48 = tpu.memref_slice %arg2[%dma_start3A_46, %dma_start3A_47] : memref<10240x128xf32, #tpu.memory_space<hbm>> -> memref<10240x128xf32, #tpu.memory_space<hbm>>
      %dma_start3A_49 = tpu.memref_slice %arg13[%dma_start3A_42] : memref<2x!tpu.dma_semaphore, #tpu.memory_space<semaphore_mem>> -> memref<1x!tpu.dma_semaphore, #tpu.memory_space<semaphore_mem>>
      %dma_start3A_50 = tpu.memref_squeeze %dma_start3A_49 : memref<1x!tpu.dma_semaphore, #tpu.memory_space<semaphore_mem>> -> memref<!tpu.dma_semaphore, #tpu.memory_space<semaphore_mem>>
      tpu.enqueue_indirect_dma source(%dma_start3A_48 : memref<10240x128xf32, #tpu.memory_space<hbm>>) target(%arg10 : memref<128x128xf32, #tpu.memory_space<vmem>>) offsets(%dma_start3A_45 : memref<128xi32, #tpu.memory_space<vmem>>) semaphore(%dma_start3A_50 : memref<!tpu.dma_semaphore, #tpu.memory_space<semaphore_mem>>)
      %dma_start3A_51 = arith.constant 1 : i32
      %dma_start3A_52 = arith.constant 1 : i32
      %dma_start3A_53 = arith.constant 0 : i32
      %dma_start3A_54 = tpu.memref_slice %arg8[%dma_start3A_51, %dma_start3A_53] : memref<40x128xi32, #tpu.memory_space<vmem>> -> memref<1x128xi32, #tpu.memory_space<vmem>>
      %dma_start3A_55 = tpu.memref_squeeze %dma_start3A_54 : memref<1x128xi32, #tpu.memory_space<vmem>> -> memref<128xi32, #tpu.memory_space<vmem>>
      %dma_start3A_56 = arith.constant 0 : i32
      %dma_start3A_57 = arith.constant 0 : i32
      %dma_start3A_58 = tpu.memref_slice %arg2[%dma_start3A_56, %dma_start3A_57] : memref<10240x128xf32, #tpu.memory_space<hbm>> -> memref<10240x128xf32, #tpu.memory_space<hbm>>
      %dma_start3A_59 = tpu.memref_slice %arg13[%dma_start3A_52] : memref<2x!tpu.dma_semaphore, #tpu.memory_space<semaphore_mem>> -> memref<1x!tpu.dma_semaphore, #tpu.memory_space<semaphore_mem>>
      %dma_start3A_60 = tpu.memref_squeeze %dma_start3A_59 : memref<1x!tpu.dma_semaphore, #tpu.memory_space<semaphore_mem>> -> memref<!tpu.dma_semaphore, #tpu.memory_space<semaphore_mem>>
      tpu.enqueue_indirect_dma source(%dma_start3A_58 : memref<10240x128xf32, #tpu.memory_space<hbm>>) target(%arg11 : memref<128x128xf32, #tpu.memory_space<vmem>>) offsets(%dma_start3A_55 : memref<128xi32, #tpu.memory_space<vmem>>) semaphore(%dma_start3A_60 : memref<!tpu.dma_semaphore, #tpu.memory_space<semaphore_mem>>)
      %scan3A_61 = arith.constant 0 : i32
      %scan3A_62 = arith.constant 0 : i32
      %scan3A_63 = arith.constant 20 : i32
      %scan3A_64 = arith.addi %scan3A_62, %scan3A_63 : i32
      %scan3A_65 = arith.constant 1 : i32
      scf.for %scan3A_72 = %scan3A_62 to %scan3A_64 step %scan3A_65  : i32 {
        %mul3A_73 = arith.constant 2 : i32
        %mul3A_74 = arith.muli %scan3A_72, %mul3A_73 : i32
        %add3A_75 = arith.constant 0 : i32
        %add3A_76 = arith.addi %mul3A_74, %add3A_75 : i32
        %dma_wait3A = arith.constant 0 : i32
        %dma_wait3A_77 = arith.constant 0 : i32
        %dma_wait3A_78 = tpu.memref_slice %arg8[%add3A_76, %dma_wait3A_77] : memref<40x128xi32, #tpu.memory_space<vmem>> -> memref<1x128xi32, #tpu.memory_space<vmem>>
        %dma_wait3A_79 = tpu.memref_squeeze %dma_wait3A_78 : memref<1x128xi32, #tpu.memory_space<vmem>> -> memref<128xi32, #tpu.memory_space<vmem>>
        %dma_wait3A_80 = arith.constant 0 : i32
        %dma_wait3A_81 = arith.constant 0 : i32
        %dma_wait3A_82 = tpu.memref_slice %arg2[%dma_wait3A_80, %dma_wait3A_81] : memref<10240x128xf32, #tpu.memory_space<hbm>> -> memref<10240x128xf32, #tpu.memory_space<hbm>>
        %dma_wait3A_83 = tpu.memref_slice %arg13[%dma_wait3A] : memref<2x!tpu.dma_semaphore, #tpu.memory_space<semaphore_mem>> -> memref<1x!tpu.dma_semaphore, #tpu.memory_space<semaphore_mem>>
        %dma_wait3A_84 = tpu.memref_squeeze %dma_wait3A_83 : memref<1x!tpu.dma_semaphore, #tpu.memory_space<semaphore_mem>> -> memref<!tpu.dma_semaphore, #tpu.memory_space<semaphore_mem>>
        tpu.wait_indirect_dma semaphore(%dma_wait3A_84 : memref<!tpu.dma_semaphore, #tpu.memory_space<semaphore_mem>>) src(%dma_wait3A_82 : memref<10240x128xf32, #tpu.memory_space<hbm>>) dst(%arg10 : memref<128x128xf32, #tpu.memory_space<vmem>>)
        "tpu.region"() ({
          %run_scoped3A = tpu.sem_alloc : memref<!tpu.dma_semaphore, #tpu.memory_space<semaphore_mem>>
          %dma_start3A_111 = arith.constant 0 : i32
          %dma_start3A_112 = tpu.memref_slice %arg9[%add3A_76, %dma_start3A_111] : memref<40x128xi32, #tpu.memory_space<vmem>> -> memref<1x128xi32, #tpu.memory_space<vmem>>
          %dma_start3A_113 = tpu.memref_squeeze %dma_start3A_112 : memref<1x128xi32, #tpu.memory_space<vmem>> -> memref<128xi32, #tpu.memory_space<vmem>>
          %dma_start3A_114 = arith.constant 0 : i32
          %dma_start3A_115 = arith.constant 0 : i32
          %dma_start3A_116 = tpu.memref_slice %arg12[%dma_start3A_114, %dma_start3A_115] : memref<10240x128xf32, #tpu.memory_space<vmem_shared>> -> memref<10240x128xf32, #tpu.memory_space<vmem_shared>>
          tpu.enqueue_indirect_dma source(%arg10 : memref<128x128xf32, #tpu.memory_space<vmem>>) target(%dma_start3A_116 : memref<10240x128xf32, #tpu.memory_space<vmem_shared>>) offsets(%dma_start3A_113 : memref<128xi32, #tpu.memory_space<vmem>>) semaphore(%run_scoped3A : memref<!tpu.dma_semaphore, #tpu.memory_space<semaphore_mem>>) {add = true}
          %dma_wait3A_117 = arith.constant 0 : i32
          %dma_wait3A_118 = tpu.memref_slice %arg9[%add3A_76, %dma_wait3A_117] : memref<40x128xi32, #tpu.memory_space<vmem>> -> memref<1x128xi32, #tpu.memory_space<vmem>>
          %dma_wait3A_119 = tpu.memref_squeeze %dma_wait3A_118 : memref<1x128xi32, #tpu.memory_space<vmem>> -> memref<128xi32, #tpu.memory_space<vmem>>
          %dma_wait3A_120 = arith.constant 0 : i32
          %dma_wait3A_121 = arith.constant 0 : i32
          %dma_wait3A_122 = tpu.memref_slice %arg12[%dma_wait3A_120, %dma_wait3A_121] : memref<10240x128xf32, #tpu.memory_space<vmem_shared>> -> memref<10240x128xf32, #tpu.memory_space<vmem_shared>>
          tpu.wait_indirect_dma semaphore(%run_scoped3A : memref<!tpu.dma_semaphore, #tpu.memory_space<semaphore_mem>>) src(%arg10 : memref<128x128xf32, #tpu.memory_space<vmem>>) dst(%dma_wait3A_122 : memref<10240x128xf32, #tpu.memory_space<vmem_shared>>)
          tpu.yield
        }) : () -> ()
        %add3A_85 = arith.constant 2 : i32
        %add3A_86 = arith.addi %add3A_76, %add3A_85 : i32
        %lt3A = arith.constant 40 : i32
        %lt3A_87 = arith.cmpi slt, %add3A_86, %lt3A : i32
        %convert_element_type3A_88 = arith.extui %lt3A_87 : i1 to i32
        %cond3A_89 = arith.constant 0 : i32
        %cond3A_90 = arith.cmpi ne, %convert_element_type3A_88, %cond3A_89 : i32
        scf.if %cond3A_90 {
          %add3A_111 = arith.constant 2 : i32
          %add3A_112 = arith.addi %add3A_76, %add3A_111 : i32
          %dma_start3A_113 = arith.constant 0 : i32
          %dma_start3A_114 = arith.constant 0 : i32
          %dma_start3A_115 = tpu.memref_slice %arg8[%add3A_112, %dma_start3A_114] : memref<40x128xi32, #tpu.memory_space<vmem>> -> memref<1x128xi32, #tpu.memory_space<vmem>>
          %dma_start3A_116 = tpu.memref_squeeze %dma_start3A_115 : memref<1x128xi32, #tpu.memory_space<vmem>> -> memref<128xi32, #tpu.memory_space<vmem>>
          %dma_start3A_117 = arith.constant 0 : i32
          %dma_start3A_118 = arith.constant 0 : i32
          %dma_start3A_119 = tpu.memref_slice %arg2[%dma_start3A_117, %dma_start3A_118] : memref<10240x128xf32, #tpu.memory_space<hbm>> -> memref<10240x128xf32, #tpu.memory_space<hbm>>
          %dma_start3A_120 = tpu.memref_slice %arg13[%dma_start3A_113] : memref<2x!tpu.dma_semaphore, #tpu.memory_space<semaphore_mem>> -> memref<1x!tpu.dma_semaphore, #tpu.memory_space<semaphore_mem>>
          %dma_start3A_121 = tpu.memref_squeeze %dma_start3A_120 : memref<1x!tpu.dma_semaphore, #tpu.memory_space<semaphore_mem>> -> memref<!tpu.dma_semaphore, #tpu.memory_space<semaphore_mem>>
          tpu.enqueue_indirect_dma source(%dma_start3A_119 : memref<10240x128xf32, #tpu.memory_space<hbm>>) target(%arg10 : memref<128x128xf32, #tpu.memory_space<vmem>>) offsets(%dma_start3A_116 : memref<128xi32, #tpu.memory_space<vmem>>) semaphore(%dma_start3A_121 : memref<!tpu.dma_semaphore, #tpu.memory_space<semaphore_mem>>)
        } else {
        }
        %mul3A_91 = arith.constant 2 : i32
        %mul3A_92 = arith.muli %scan3A_72, %mul3A_91 : i32
        %add3A_93 = arith.constant 1 : i32
        %add3A_94 = arith.addi %mul3A_92, %add3A_93 : i32
        %dma_wait3A_95 = arith.constant 1 : i32
        %dma_wait3A_96 = arith.constant 0 : i32
        %dma_wait3A_97 = tpu.memref_slice %arg8[%add3A_94, %dma_wait3A_96] : memref<40x128xi32, #tpu.memory_space<vmem>> -> memref<1x128xi32, #tpu.memory_space<vmem>>
        %dma_wait3A_98 = tpu.memref_squeeze %dma_wait3A_97 : memref<1x128xi32, #tpu.memory_space<vmem>> -> memref<128xi32, #tpu.memory_space<vmem>>
        %dma_wait3A_99 = arith.constant 0 : i32
        %dma_wait3A_100 = arith.constant 0 : i32
        %dma_wait3A_101 = tpu.memref_slice %arg2[%dma_wait3A_99, %dma_wait3A_100] : memref<10240x128xf32, #tpu.memory_space<hbm>> -> memref<10240x128xf32, #tpu.memory_space<hbm>>
        %dma_wait3A_102 = tpu.memref_slice %arg13[%dma_wait3A_95] : memref<2x!tpu.dma_semaphore, #tpu.memory_space<semaphore_mem>> -> memref<1x!tpu.dma_semaphore, #tpu.memory_space<semaphore_mem>>
        %dma_wait3A_103 = tpu.memref_squeeze %dma_wait3A_102 : memref<1x!tpu.dma_semaphore, #tpu.memory_space<semaphore_mem>> -> memref<!tpu.dma_semaphore, #tpu.memory_space<semaphore_mem>>
        tpu.wait_indirect_dma semaphore(%dma_wait3A_103 : memref<!tpu.dma_semaphore, #tpu.memory_space<semaphore_mem>>) src(%dma_wait3A_101 : memref<10240x128xf32, #tpu.memory_space<hbm>>) dst(%arg11 : memref<128x128xf32, #tpu.memory_space<vmem>>)
        "tpu.region"() ({
          %run_scoped3A = tpu.sem_alloc : memref<!tpu.dma_semaphore, #tpu.memory_space<semaphore_mem>>
          %dma_start3A_111 = arith.constant 0 : i32
          %dma_start3A_112 = tpu.memref_slice %arg9[%add3A_94, %dma_start3A_111] : memref<40x128xi32, #tpu.memory_space<vmem>> -> memref<1x128xi32, #tpu.memory_space<vmem>>
          %dma_start3A_113 = tpu.memref_squeeze %dma_start3A_112 : memref<1x128xi32, #tpu.memory_space<vmem>> -> memref<128xi32, #tpu.memory_space<vmem>>
          %dma_start3A_114 = arith.constant 0 : i32
          %dma_start3A_115 = arith.constant 0 : i32
          %dma_start3A_116 = tpu.memref_slice %arg12[%dma_start3A_114, %dma_start3A_115] : memref<10240x128xf32, #tpu.memory_space<vmem_shared>> -> memref<10240x128xf32, #tpu.memory_space<vmem_shared>>
          tpu.enqueue_indirect_dma source(%arg11 : memref<128x128xf32, #tpu.memory_space<vmem>>) target(%dma_start3A_116 : memref<10240x128xf32, #tpu.memory_space<vmem_shared>>) offsets(%dma_start3A_113 : memref<128xi32, #tpu.memory_space<vmem>>) semaphore(%run_scoped3A : memref<!tpu.dma_semaphore, #tpu.memory_space<semaphore_mem>>) {add = true}
          %dma_wait3A_117 = arith.constant 0 : i32
          %dma_wait3A_118 = tpu.memref_slice %arg9[%add3A_94, %dma_wait3A_117] : memref<40x128xi32, #tpu.memory_space<vmem>> -> memref<1x128xi32, #tpu.memory_space<vmem>>
          %dma_wait3A_119 = tpu.memref_squeeze %dma_wait3A_118 : memref<1x128xi32, #tpu.memory_space<vmem>> -> memref<128xi32, #tpu.memory_space<vmem>>
          %dma_wait3A_120 = arith.constant 0 : i32
          %dma_wait3A_121 = arith.constant 0 : i32
          %dma_wait3A_122 = tpu.memref_slice %arg12[%dma_wait3A_120, %dma_wait3A_121] : memref<10240x128xf32, #tpu.memory_space<vmem_shared>> -> memref<10240x128xf32, #tpu.memory_space<vmem_shared>>
          tpu.wait_indirect_dma semaphore(%run_scoped3A : memref<!tpu.dma_semaphore, #tpu.memory_space<semaphore_mem>>) src(%arg11 : memref<128x128xf32, #tpu.memory_space<vmem>>) dst(%dma_wait3A_122 : memref<10240x128xf32, #tpu.memory_space<vmem_shared>>)
          tpu.yield
        }) : () -> ()
        %add3A_104 = arith.constant 2 : i32
        %add3A_105 = arith.addi %add3A_94, %add3A_104 : i32
        %lt3A_106 = arith.constant 40 : i32
        %lt3A_107 = arith.cmpi slt, %add3A_105, %lt3A_106 : i32
        %convert_element_type3A_108 = arith.extui %lt3A_107 : i1 to i32
        %cond3A_109 = arith.constant 0 : i32
        %cond3A_110 = arith.cmpi ne, %convert_element_type3A_108, %cond3A_109 : i32
        scf.if %cond3A_110 {
          %add3A_111 = arith.constant 2 : i32
          %add3A_112 = arith.addi %add3A_94, %add3A_111 : i32
          %dma_start3A_113 = arith.constant 1 : i32
          %dma_start3A_114 = arith.constant 0 : i32
          %dma_start3A_115 = tpu.memref_slice %arg8[%add3A_112, %dma_start3A_114] : memref<40x128xi32, #tpu.memory_space<vmem>> -> memref<1x128xi32, #tpu.memory_space<vmem>>
          %dma_start3A_116 = tpu.memref_squeeze %dma_start3A_115 : memref<1x128xi32, #tpu.memory_space<vmem>> -> memref<128xi32, #tpu.memory_space<vmem>>
          %dma_start3A_117 = arith.constant 0 : i32
          %dma_start3A_118 = arith.constant 0 : i32
          %dma_start3A_119 = tpu.memref_slice %arg2[%dma_start3A_117, %dma_start3A_118] : memref<10240x128xf32, #tpu.memory_space<hbm>> -> memref<10240x128xf32, #tpu.memory_space<hbm>>
          %dma_start3A_120 = tpu.memref_slice %arg13[%dma_start3A_113] : memref<2x!tpu.dma_semaphore, #tpu.memory_space<semaphore_mem>> -> memref<1x!tpu.dma_semaphore, #tpu.memory_space<semaphore_mem>>
          %dma_start3A_121 = tpu.memref_squeeze %dma_start3A_120 : memref<1x!tpu.dma_semaphore, #tpu.memory_space<semaphore_mem>> -> memref<!tpu.dma_semaphore, #tpu.memory_space<semaphore_mem>>
          tpu.enqueue_indirect_dma source(%dma_start3A_119 : memref<10240x128xf32, #tpu.memory_space<hbm>>) target(%arg11 : memref<128x128xf32, #tpu.memory_space<vmem>>) offsets(%dma_start3A_116 : memref<128xi32, #tpu.memory_space<vmem>>) semaphore(%dma_start3A_121 : memref<!tpu.dma_semaphore, #tpu.memory_space<semaphore_mem>>)
        } else {
        }
      }
      %scan3A_66 = arith.constant 20 : i32
      %barrier3A_67 = arith.constant 0 : index
      tpu.barrier barrier_id(%barrier3A_67)
      %mul3A_68 = arith.constant 640 : i32
      %mul3A_69 = arith.muli %arg1, %mul3A_68 : i32
      %mul3A_70 = arith.constant 640 : i32
      %mul3A_71 = arith.muli %arg1, %mul3A_70 : i32
      "tpu.region"() ({
        %run_scoped3A = tpu.sem_alloc : memref<!tpu.dma_semaphore, #tpu.memory_space<semaphore_mem>>
        %dma_start3A_72 = arith.constant 0 : i32
        %dma_start3A_73 = tpu.memref_slice %arg6[%mul3A_71, %dma_start3A_72] : memref<10240x128xf32, #tpu.memory_space<hbm>> -> memref<640x128xf32, #tpu.memory_space<hbm>>
        %dma_start3A_74 = arith.constant 0 : i32
        %dma_start3A_75 = tpu.memref_slice %arg12[%mul3A_69, %dma_start3A_74] : memref<10240x128xf32, #tpu.memory_space<vmem_shared>> -> memref<640x128xf32, #tpu.memory_space<vmem_shared>>
        tpu.enqueue_dma source(%dma_start3A_75 : memref<640x128xf32, #tpu.memory_space<vmem_shared>>) target(%dma_start3A_73 : memref<640x128xf32, #tpu.memory_space<hbm>>) target_semaphore(%run_scoped3A : memref<!tpu.dma_semaphore, #tpu.memory_space<semaphore_mem>>)
        %dma_wait3A = arith.constant 0 : i32
        %dma_wait3A_76 = tpu.memref_slice %arg6[%mul3A_71, %dma_wait3A] : memref<10240x128xf32, #tpu.memory_space<hbm>> -> memref<640x128xf32, #tpu.memory_space<hbm>>
        %dma_wait3A_77 = arith.constant 0 : i32
        %dma_wait3A_78 = tpu.memref_slice %arg12[%mul3A_69, %dma_wait3A_77] : memref<10240x128xf32, #tpu.memory_space<vmem_shared>> -> memref<640x128xf32, #tpu.memory_space<vmem_shared>>
        tpu.wait_dma2 semaphore(%run_scoped3A : memref<!tpu.dma_semaphore, #tpu.memory_space<semaphore_mem>>) src(%dma_wait3A_78 : memref<640x128xf32, #tpu.memory_space<vmem_shared>>) dst(%dma_wait3A_76 : memref<640x128xf32, #tpu.memory_space<hbm>>)
        tpu.yield
      }) : () -> ()
    } else {
    }
    %eq3A_2 = arith.constant 1 : i32
    %eq3A_3 = arith.cmpi eq, %arg0, %eq3A_2 : i32
    %convert_element_type3A_4 = arith.extui %eq3A_3 : i1 to i32
    %cond3A_5 = arith.constant 0 : i32
    %cond3A_6 = arith.cmpi ne, %convert_element_type3A_4, %cond3A_5 : i32
    scf.if %cond3A_6 {
      %mul3A = arith.constant 640 : i32
      %mul3A_7 = arith.muli %arg1, %mul3A : i32
      %mul3A_8 = arith.constant 640 : i32
      %mul3A_9 = arith.muli %arg1, %mul3A_8 : i32
      "tpu.region"() ({
        %run_scoped3A = tpu.sem_alloc : memref<!tpu.dma_semaphore, #tpu.memory_space<semaphore_mem>>
        %dma_start3A_72 = arith.constant 0 : i32
        %dma_start3A_73 = tpu.memref_slice %arg12[%mul3A_9, %dma_start3A_72] : memref<10240x128xf32, #tpu.memory_space<vmem_shared>> -> memref<640x128xf32, #tpu.memory_space<vmem_shared>>
        %dma_start3A_74 = arith.constant 0 : i32
        %dma_start3A_75 = tpu.memref_slice %arg3[%mul3A_7, %dma_start3A_74] : memref<10240x128xf32, #tpu.memory_space<hbm>> -> memref<640x128xf32, #tpu.memory_space<hbm>>
        tpu.enqueue_dma source(%dma_start3A_75 : memref<640x128xf32, #tpu.memory_space<hbm>>) target(%dma_start3A_73 : memref<640x128xf32, #tpu.memory_space<vmem_shared>>) target_semaphore(%run_scoped3A : memref<!tpu.dma_semaphore, #tpu.memory_space<semaphore_mem>>)
        %dma_wait3A = arith.constant 0 : i32
        %dma_wait3A_76 = tpu.memref_slice %arg12[%mul3A_9, %dma_wait3A] : memref<10240x128xf32, #tpu.memory_space<vmem_shared>> -> memref<640x128xf32, #tpu.memory_space<vmem_shared>>
        %dma_wait3A_77 = arith.constant 0 : i32
        %dma_wait3A_78 = tpu.memref_slice %arg3[%mul3A_7, %dma_wait3A_77] : memref<10240x128xf32, #tpu.memory_space<hbm>> -> memref<640x128xf32, #tpu.memory_space<hbm>>
        tpu.wait_dma2 semaphore(%run_scoped3A : memref<!tpu.dma_semaphore, #tpu.memory_space<semaphore_mem>>) src(%dma_wait3A_78 : memref<640x128xf32, #tpu.memory_space<hbm>>) dst(%dma_wait3A_76 : memref<640x128xf32, #tpu.memory_space<vmem_shared>>)
        tpu.yield
      }) : () -> ()
      %barrier3A = arith.constant 0 : index
      tpu.barrier barrier_id(%barrier3A)
      %mul3A_10 = arith.constant 80 : i32
      %mul3A_11 = arith.muli %arg1, %mul3A_10 : i32
      %add3A = arith.constant 0 : i32
      %add3A_12 = arith.addi %mul3A_11, %add3A : i32
      "tpu.region"() ({
        %run_scoped3A = tpu.sem_alloc : memref<!tpu.dma_semaphore, #tpu.memory_space<semaphore_mem>>
        %dma_start3A_72 = arith.constant 0 : i32
        %dma_start3A_73 = tpu.memref_slice %arg4[%add3A_12, %dma_start3A_72] : memref<1280x128xi32, #tpu.memory_space<hbm>> -> memref<40x128xi32, #tpu.memory_space<hbm>>
        %dma_start3A_74 = arith.constant 0 : i32
        %dma_start3A_75 = tpu.memref_slice %arg4[%add3A_12, %dma_start3A_74] : memref<1280x128xi32, #tpu.memory_space<hbm>> -> memref<40x128xi32, #tpu.memory_space<hbm>>
        tpu.enqueue_dma source(%dma_start3A_75 : memref<40x128xi32, #tpu.memory_space<hbm>>) target(%arg8 : memref<40x128xi32, #tpu.memory_space<vmem>>) target_semaphore(%run_scoped3A : memref<!tpu.dma_semaphore, #tpu.memory_space<semaphore_mem>>)
        %dma_wait3A = arith.constant 0 : i32
        %dma_wait3A_76 = tpu.memref_slice %arg4[%add3A_12, %dma_wait3A] : memref<1280x128xi32, #tpu.memory_space<hbm>> -> memref<40x128xi32, #tpu.memory_space<hbm>>
        %dma_wait3A_77 = arith.constant 0 : i32
        %dma_wait3A_78 = tpu.memref_slice %arg4[%add3A_12, %dma_wait3A_77] : memref<1280x128xi32, #tpu.memory_space<hbm>> -> memref<40x128xi32, #tpu.memory_space<hbm>>
        tpu.wait_dma2 semaphore(%run_scoped3A : memref<!tpu.dma_semaphore, #tpu.memory_space<semaphore_mem>>) src(%dma_wait3A_78 : memref<40x128xi32, #tpu.memory_space<hbm>>) dst(%arg8 : memref<40x128xi32, #tpu.memory_space<vmem>>)
        tpu.yield
      }) : () -> ()
      "tpu.region"() ({
        %run_scoped3A = tpu.sem_alloc : memref<!tpu.dma_semaphore, #tpu.memory_space<semaphore_mem>>
        %dma_start3A_72 = arith.constant 0 : i32
        %dma_start3A_73 = tpu.memref_slice %arg5[%add3A_12, %dma_start3A_72] : memref<1280x128xi32, #tpu.memory_space<hbm>> -> memref<40x128xi32, #tpu.memory_space<hbm>>
        %dma_start3A_74 = arith.constant 0 : i32
        %dma_start3A_75 = tpu.memref_slice %arg5[%add3A_12, %dma_start3A_74] : memref<1280x128xi32, #tpu.memory_space<hbm>> -> memref<40x128xi32, #tpu.memory_space<hbm>>
        tpu.enqueue_dma source(%dma_start3A_75 : memref<40x128xi32, #tpu.memory_space<hbm>>) target(%arg9 : memref<40x128xi32, #tpu.memory_space<vmem>>) target_semaphore(%run_scoped3A : memref<!tpu.dma_semaphore, #tpu.memory_space<semaphore_mem>>)
        %dma_wait3A = arith.constant 0 : i32
        %dma_wait3A_76 = tpu.memref_slice %arg5[%add3A_12, %dma_wait3A] : memref<1280x128xi32, #tpu.memory_space<hbm>> -> memref<40x128xi32, #tpu.memory_space<hbm>>
        %dma_wait3A_77 = arith.constant 0 : i32
        %dma_wait3A_78 = tpu.memref_slice %arg5[%add3A_12, %dma_wait3A_77] : memref<1280x128xi32, #tpu.memory_space<hbm>> -> memref<40x128xi32, #tpu.memory_space<hbm>>
        tpu.wait_dma2 semaphore(%run_scoped3A : memref<!tpu.dma_semaphore, #tpu.memory_space<semaphore_mem>>) src(%dma_wait3A_78 : memref<40x128xi32, #tpu.memory_space<hbm>>) dst(%arg9 : memref<40x128xi32, #tpu.memory_space<vmem>>)
        tpu.yield
      }) : () -> ()
      %dma_start3A = arith.constant 0 : i32
      %dma_start3A_13 = arith.constant 0 : i32
      %dma_start3A_14 = arith.constant 0 : i32
      %dma_start3A_15 = tpu.memref_slice %arg8[%dma_start3A, %dma_start3A_14] : memref<40x128xi32, #tpu.memory_space<vmem>> -> memref<1x128xi32, #tpu.memory_space<vmem>>
      %dma_start3A_16 = tpu.memref_squeeze %dma_start3A_15 : memref<1x128xi32, #tpu.memory_space<vmem>> -> memref<128xi32, #tpu.memory_space<vmem>>
      %dma_start3A_17 = arith.constant 0 : i32
      %dma_start3A_18 = arith.constant 0 : i32
      %dma_start3A_19 = tpu.memref_slice %arg3[%dma_start3A_17, %dma_start3A_18] : memref<10240x128xf32, #tpu.memory_space<hbm>> -> memref<10240x128xf32, #tpu.memory_space<hbm>>
      %dma_start3A_20 = tpu.memref_slice %arg13[%dma_start3A_13] : memref<2x!tpu.dma_semaphore, #tpu.memory_space<semaphore_mem>> -> memref<1x!tpu.dma_semaphore, #tpu.memory_space<semaphore_mem>>
      %dma_start3A_21 = tpu.memref_squeeze %dma_start3A_20 : memref<1x!tpu.dma_semaphore, #tpu.memory_space<semaphore_mem>> -> memref<!tpu.dma_semaphore, #tpu.memory_space<semaphore_mem>>
      tpu.enqueue_indirect_dma source(%dma_start3A_19 : memref<10240x128xf32, #tpu.memory_space<hbm>>) target(%arg10 : memref<128x128xf32, #tpu.memory_space<vmem>>) offsets(%dma_start3A_16 : memref<128xi32, #tpu.memory_space<vmem>>) semaphore(%dma_start3A_21 : memref<!tpu.dma_semaphore, #tpu.memory_space<semaphore_mem>>)
      %dma_start3A_22 = arith.constant 1 : i32
      %dma_start3A_23 = arith.constant 1 : i32
      %dma_start3A_24 = arith.constant 0 : i32
      %dma_start3A_25 = tpu.memref_slice %arg8[%dma_start3A_22, %dma_start3A_24] : memref<40x128xi32, #tpu.memory_space<vmem>> -> memref<1x128xi32, #tpu.memory_space<vmem>>
      %dma_start3A_26 = tpu.memref_squeeze %dma_start3A_25 : memref<1x128xi32, #tpu.memory_space<vmem>> -> memref<128xi32, #tpu.memory_space<vmem>>
      %dma_start3A_27 = arith.constant 0 : i32
      %dma_start3A_28 = arith.constant 0 : i32
      %dma_start3A_29 = tpu.memref_slice %arg3[%dma_start3A_27, %dma_start3A_28] : memref<10240x128xf32, #tpu.memory_space<hbm>> -> memref<10240x128xf32, #tpu.memory_space<hbm>>
      %dma_start3A_30 = tpu.memref_slice %arg13[%dma_start3A_23] : memref<2x!tpu.dma_semaphore, #tpu.memory_space<semaphore_mem>> -> memref<1x!tpu.dma_semaphore, #tpu.memory_space<semaphore_mem>>
      %dma_start3A_31 = tpu.memref_squeeze %dma_start3A_30 : memref<1x!tpu.dma_semaphore, #tpu.memory_space<semaphore_mem>> -> memref<!tpu.dma_semaphore, #tpu.memory_space<semaphore_mem>>
      tpu.enqueue_indirect_dma source(%dma_start3A_29 : memref<10240x128xf32, #tpu.memory_space<hbm>>) target(%arg11 : memref<128x128xf32, #tpu.memory_space<vmem>>) offsets(%dma_start3A_26 : memref<128xi32, #tpu.memory_space<vmem>>) semaphore(%dma_start3A_31 : memref<!tpu.dma_semaphore, #tpu.memory_space<semaphore_mem>>)
      %scan3A = arith.constant 0 : i32
      %scan3A_32 = arith.constant 0 : i32
      %scan3A_33 = arith.constant 20 : i32
      %scan3A_34 = arith.addi %scan3A_32, %scan3A_33 : i32
      %scan3A_35 = arith.constant 1 : i32
      scf.for %scan3A_72 = %scan3A_32 to %scan3A_34 step %scan3A_35  : i32 {
        %mul3A_73 = arith.constant 2 : i32
        %mul3A_74 = arith.muli %scan3A_72, %mul3A_73 : i32
        %add3A_75 = arith.constant 0 : i32
        %add3A_76 = arith.addi %mul3A_74, %add3A_75 : i32
        %dma_wait3A = arith.constant 0 : i32
        %dma_wait3A_77 = arith.constant 0 : i32
        %dma_wait3A_78 = tpu.memref_slice %arg8[%add3A_76, %dma_wait3A_77] : memref<40x128xi32, #tpu.memory_space<vmem>> -> memref<1x128xi32, #tpu.memory_space<vmem>>
        %dma_wait3A_79 = tpu.memref_squeeze %dma_wait3A_78 : memref<1x128xi32, #tpu.memory_space<vmem>> -> memref<128xi32, #tpu.memory_space<vmem>>
        %dma_wait3A_80 = arith.constant 0 : i32
        %dma_wait3A_81 = arith.constant 0 : i32
        %dma_wait3A_82 = tpu.memref_slice %arg3[%dma_wait3A_80, %dma_wait3A_81] : memref<10240x128xf32, #tpu.memory_space<hbm>> -> memref<10240x128xf32, #tpu.memory_space<hbm>>
        %dma_wait3A_83 = tpu.memref_slice %arg13[%dma_wait3A] : memref<2x!tpu.dma_semaphore, #tpu.memory_space<semaphore_mem>> -> memref<1x!tpu.dma_semaphore, #tpu.memory_space<semaphore_mem>>
        %dma_wait3A_84 = tpu.memref_squeeze %dma_wait3A_83 : memref<1x!tpu.dma_semaphore, #tpu.memory_space<semaphore_mem>> -> memref<!tpu.dma_semaphore, #tpu.memory_space<semaphore_mem>>
        tpu.wait_indirect_dma semaphore(%dma_wait3A_84 : memref<!tpu.dma_semaphore, #tpu.memory_space<semaphore_mem>>) src(%dma_wait3A_82 : memref<10240x128xf32, #tpu.memory_space<hbm>>) dst(%arg10 : memref<128x128xf32, #tpu.memory_space<vmem>>)
        "tpu.region"() ({
          %run_scoped3A = tpu.sem_alloc : memref<!tpu.dma_semaphore, #tpu.memory_space<semaphore_mem>>
          %dma_start3A_111 = arith.constant 0 : i32
          %dma_start3A_112 = tpu.memref_slice %arg9[%add3A_76, %dma_start3A_111] : memref<40x128xi32, #tpu.memory_space<vmem>> -> memref<1x128xi32, #tpu.memory_space<vmem>>
          %dma_start3A_113 = tpu.memref_squeeze %dma_start3A_112 : memref<1x128xi32, #tpu.memory_space<vmem>> -> memref<128xi32, #tpu.memory_space<vmem>>
          %dma_start3A_114 = arith.constant 0 : i32
          %dma_start3A_115 = arith.constant 0 : i32
          %dma_start3A_116 = tpu.memref_slice %arg12[%dma_start3A_114, %dma_start3A_115] : memref<10240x128xf32, #tpu.memory_space<vmem_shared>> -> memref<10240x128xf32, #tpu.memory_space<vmem_shared>>
          tpu.enqueue_indirect_dma source(%arg10 : memref<128x128xf32, #tpu.memory_space<vmem>>) target(%dma_start3A_116 : memref<10240x128xf32, #tpu.memory_space<vmem_shared>>) offsets(%dma_start3A_113 : memref<128xi32, #tpu.memory_space<vmem>>) semaphore(%run_scoped3A : memref<!tpu.dma_semaphore, #tpu.memory_space<semaphore_mem>>) {add = true}
          %dma_wait3A_117 = arith.constant 0 : i32
          %dma_wait3A_118 = tpu.memref_slice %arg9[%add3A_76, %dma_wait3A_117] : memref<40x128xi32, #tpu.memory_space<vmem>> -> memref<1x128xi32, #tpu.memory_space<vmem>>
          %dma_wait3A_119 = tpu.memref_squeeze %dma_wait3A_118 : memref<1x128xi32, #tpu.memory_space<vmem>> -> memref<128xi32, #tpu.memory_space<vmem>>
          %dma_wait3A_120 = arith.constant 0 : i32
          %dma_wait3A_121 = arith.constant 0 : i32
          %dma_wait3A_122 = tpu.memref_slice %arg12[%dma_wait3A_120, %dma_wait3A_121] : memref<10240x128xf32, #tpu.memory_space<vmem_shared>> -> memref<10240x128xf32, #tpu.memory_space<vmem_shared>>
          tpu.wait_indirect_dma semaphore(%run_scoped3A : memref<!tpu.dma_semaphore, #tpu.memory_space<semaphore_mem>>) src(%arg10 : memref<128x128xf32, #tpu.memory_space<vmem>>) dst(%dma_wait3A_122 : memref<10240x128xf32, #tpu.memory_space<vmem_shared>>)
          tpu.yield
        }) : () -> ()
        %add3A_85 = arith.constant 2 : i32
        %add3A_86 = arith.addi %add3A_76, %add3A_85 : i32
        %lt3A = arith.constant 40 : i32
        %lt3A_87 = arith.cmpi slt, %add3A_86, %lt3A : i32
        %convert_element_type3A_88 = arith.extui %lt3A_87 : i1 to i32
        %cond3A_89 = arith.constant 0 : i32
        %cond3A_90 = arith.cmpi ne, %convert_element_type3A_88, %cond3A_89 : i32
        scf.if %cond3A_90 {
          %add3A_111 = arith.constant 2 : i32
          %add3A_112 = arith.addi %add3A_76, %add3A_111 : i32
          %dma_start3A_113 = arith.constant 0 : i32
          %dma_start3A_114 = arith.constant 0 : i32
          %dma_start3A_115 = tpu.memref_slice %arg8[%add3A_112, %dma_start3A_114] : memref<40x128xi32, #tpu.memory_space<vmem>> -> memref<1x128xi32, #tpu.memory_space<vmem>>
          %dma_start3A_116 = tpu.memref_squeeze %dma_start3A_115 : memref<1x128xi32, #tpu.memory_space<vmem>> -> memref<128xi32, #tpu.memory_space<vmem>>
          %dma_start3A_117 = arith.constant 0 : i32
          %dma_start3A_118 = arith.constant 0 : i32
          %dma_start3A_119 = tpu.memref_slice %arg3[%dma_start3A_117, %dma_start3A_118] : memref<10240x128xf32, #tpu.memory_space<hbm>> -> memref<10240x128xf32, #tpu.memory_space<hbm>>
          %dma_start3A_120 = tpu.memref_slice %arg13[%dma_start3A_113] : memref<2x!tpu.dma_semaphore, #tpu.memory_space<semaphore_mem>> -> memref<1x!tpu.dma_semaphore, #tpu.memory_space<semaphore_mem>>
          %dma_start3A_121 = tpu.memref_squeeze %dma_start3A_120 : memref<1x!tpu.dma_semaphore, #tpu.memory_space<semaphore_mem>> -> memref<!tpu.dma_semaphore, #tpu.memory_space<semaphore_mem>>
          tpu.enqueue_indirect_dma source(%dma_start3A_119 : memref<10240x128xf32, #tpu.memory_space<hbm>>) target(%arg10 : memref<128x128xf32, #tpu.memory_space<vmem>>) offsets(%dma_start3A_116 : memref<128xi32, #tpu.memory_space<vmem>>) semaphore(%dma_start3A_121 : memref<!tpu.dma_semaphore, #tpu.memory_space<semaphore_mem>>)
        } else {
        }
        %mul3A_91 = arith.constant 2 : i32
        %mul3A_92 = arith.muli %scan3A_72, %mul3A_91 : i32
        %add3A_93 = arith.constant 1 : i32
        %add3A_94 = arith.addi %mul3A_92, %add3A_93 : i32
        %dma_wait3A_95 = arith.constant 1 : i32
        %dma_wait3A_96 = arith.constant 0 : i32
        %dma_wait3A_97 = tpu.memref_slice %arg8[%add3A_94, %dma_wait3A_96] : memref<40x128xi32, #tpu.memory_space<vmem>> -> memref<1x128xi32, #tpu.memory_space<vmem>>
        %dma_wait3A_98 = tpu.memref_squeeze %dma_wait3A_97 : memref<1x128xi32, #tpu.memory_space<vmem>> -> memref<128xi32, #tpu.memory_space<vmem>>
        %dma_wait3A_99 = arith.constant 0 : i32
        %dma_wait3A_100 = arith.constant 0 : i32
        %dma_wait3A_101 = tpu.memref_slice %arg3[%dma_wait3A_99, %dma_wait3A_100] : memref<10240x128xf32, #tpu.memory_space<hbm>> -> memref<10240x128xf32, #tpu.memory_space<hbm>>
        %dma_wait3A_102 = tpu.memref_slice %arg13[%dma_wait3A_95] : memref<2x!tpu.dma_semaphore, #tpu.memory_space<semaphore_mem>> -> memref<1x!tpu.dma_semaphore, #tpu.memory_space<semaphore_mem>>
        %dma_wait3A_103 = tpu.memref_squeeze %dma_wait3A_102 : memref<1x!tpu.dma_semaphore, #tpu.memory_space<semaphore_mem>> -> memref<!tpu.dma_semaphore, #tpu.memory_space<semaphore_mem>>
        tpu.wait_indirect_dma semaphore(%dma_wait3A_103 : memref<!tpu.dma_semaphore, #tpu.memory_space<semaphore_mem>>) src(%dma_wait3A_101 : memref<10240x128xf32, #tpu.memory_space<hbm>>) dst(%arg11 : memref<128x128xf32, #tpu.memory_space<vmem>>)
        "tpu.region"() ({
          %run_scoped3A = tpu.sem_alloc : memref<!tpu.dma_semaphore, #tpu.memory_space<semaphore_mem>>
          %dma_start3A_111 = arith.constant 0 : i32
          %dma_start3A_112 = tpu.memref_slice %arg9[%add3A_94, %dma_start3A_111] : memref<40x128xi32, #tpu.memory_space<vmem>> -> memref<1x128xi32, #tpu.memory_space<vmem>>
          %dma_start3A_113 = tpu.memref_squeeze %dma_start3A_112 : memref<1x128xi32, #tpu.memory_space<vmem>> -> memref<128xi32, #tpu.memory_space<vmem>>
          %dma_start3A_114 = arith.constant 0 : i32
          %dma_start3A_115 = arith.constant 0 : i32
          %dma_start3A_116 = tpu.memref_slice %arg12[%dma_start3A_114, %dma_start3A_115] : memref<10240x128xf32, #tpu.memory_space<vmem_shared>> -> memref<10240x128xf32, #tpu.memory_space<vmem_shared>>
          tpu.enqueue_indirect_dma source(%arg11 : memref<128x128xf32, #tpu.memory_space<vmem>>) target(%dma_start3A_116 : memref<10240x128xf32, #tpu.memory_space<vmem_shared>>) offsets(%dma_start3A_113 : memref<128xi32, #tpu.memory_space<vmem>>) semaphore(%run_scoped3A : memref<!tpu.dma_semaphore, #tpu.memory_space<semaphore_mem>>) {add = true}
          %dma_wait3A_117 = arith.constant 0 : i32
          %dma_wait3A_118 = tpu.memref_slice %arg9[%add3A_94, %dma_wait3A_117] : memref<40x128xi32, #tpu.memory_space<vmem>> -> memref<1x128xi32, #tpu.memory_space<vmem>>
          %dma_wait3A_119 = tpu.memref_squeeze %dma_wait3A_118 : memref<1x128xi32, #tpu.memory_space<vmem>> -> memref<128xi32, #tpu.memory_space<vmem>>
          %dma_wait3A_120 = arith.constant 0 : i32
          %dma_wait3A_121 = arith.constant 0 : i32
          %dma_wait3A_122 = tpu.memref_slice %arg12[%dma_wait3A_120, %dma_wait3A_121] : memref<10240x128xf32, #tpu.memory_space<vmem_shared>> -> memref<10240x128xf32, #tpu.memory_space<vmem_shared>>
          tpu.wait_indirect_dma semaphore(%run_scoped3A : memref<!tpu.dma_semaphore, #tpu.memory_space<semaphore_mem>>) src(%arg11 : memref<128x128xf32, #tpu.memory_space<vmem>>) dst(%dma_wait3A_122 : memref<10240x128xf32, #tpu.memory_space<vmem_shared>>)
          tpu.yield
        }) : () -> ()
        %add3A_104 = arith.constant 2 : i32
        %add3A_105 = arith.addi %add3A_94, %add3A_104 : i32
        %lt3A_106 = arith.constant 40 : i32
        %lt3A_107 = arith.cmpi slt, %add3A_105, %lt3A_106 : i32
        %convert_element_type3A_108 = arith.extui %lt3A_107 : i1 to i32
        %cond3A_109 = arith.constant 0 : i32
        %cond3A_110 = arith.cmpi ne, %convert_element_type3A_108, %cond3A_109 : i32
        scf.if %cond3A_110 {
          %add3A_111 = arith.constant 2 : i32
          %add3A_112 = arith.addi %add3A_94, %add3A_111 : i32
          %dma_start3A_113 = arith.constant 1 : i32
          %dma_start3A_114 = arith.constant 0 : i32
          %dma_start3A_115 = tpu.memref_slice %arg8[%add3A_112, %dma_start3A_114] : memref<40x128xi32, #tpu.memory_space<vmem>> -> memref<1x128xi32, #tpu.memory_space<vmem>>
          %dma_start3A_116 = tpu.memref_squeeze %dma_start3A_115 : memref<1x128xi32, #tpu.memory_space<vmem>> -> memref<128xi32, #tpu.memory_space<vmem>>
          %dma_start3A_117 = arith.constant 0 : i32
          %dma_start3A_118 = arith.constant 0 : i32
          %dma_start3A_119 = tpu.memref_slice %arg3[%dma_start3A_117, %dma_start3A_118] : memref<10240x128xf32, #tpu.memory_space<hbm>> -> memref<10240x128xf32, #tpu.memory_space<hbm>>
          %dma_start3A_120 = tpu.memref_slice %arg13[%dma_start3A_113] : memref<2x!tpu.dma_semaphore, #tpu.memory_space<semaphore_mem>> -> memref<1x!tpu.dma_semaphore, #tpu.memory_space<semaphore_mem>>
          %dma_start3A_121 = tpu.memref_squeeze %dma_start3A_120 : memref<1x!tpu.dma_semaphore, #tpu.memory_space<semaphore_mem>> -> memref<!tpu.dma_semaphore, #tpu.memory_space<semaphore_mem>>
          tpu.enqueue_indirect_dma source(%dma_start3A_119 : memref<10240x128xf32, #tpu.memory_space<hbm>>) target(%arg11 : memref<128x128xf32, #tpu.memory_space<vmem>>) offsets(%dma_start3A_116 : memref<128xi32, #tpu.memory_space<vmem>>) semaphore(%dma_start3A_121 : memref<!tpu.dma_semaphore, #tpu.memory_space<semaphore_mem>>)
        } else {
        }
      }
      %scan3A_36 = arith.constant 20 : i32
      %mul3A_37 = arith.constant 80 : i32
      %mul3A_38 = arith.muli %arg1, %mul3A_37 : i32
      %add3A_39 = arith.constant 40 : i32
      %add3A_40 = arith.addi %mul3A_38, %add3A_39 : i32
      "tpu.region"() ({
        %run_scoped3A = tpu.sem_alloc : memref<!tpu.dma_semaphore, #tpu.memory_space<semaphore_mem>>
        %dma_start3A_72 = arith.constant 0 : i32
        %dma_start3A_73 = tpu.memref_slice %arg4[%add3A_40, %dma_start3A_72] : memref<1280x128xi32, #tpu.memory_space<hbm>> -> memref<40x128xi32, #tpu.memory_space<hbm>>
        %dma_start3A_74 = arith.constant 0 : i32
        %dma_start3A_75 = tpu.memref_slice %arg4[%add3A_40, %dma_start3A_74] : memref<1280x128xi32, #tpu.memory_space<hbm>> -> memref<40x128xi32, #tpu.memory_space<hbm>>
        tpu.enqueue_dma source(%dma_start3A_75 : memref<40x128xi32, #tpu.memory_space<hbm>>) target(%arg8 : memref<40x128xi32, #tpu.memory_space<vmem>>) target_semaphore(%run_scoped3A : memref<!tpu.dma_semaphore, #tpu.memory_space<semaphore_mem>>)
        %dma_wait3A = arith.constant 0 : i32
        %dma_wait3A_76 = tpu.memref_slice %arg4[%add3A_40, %dma_wait3A] : memref<1280x128xi32, #tpu.memory_space<hbm>> -> memref<40x128xi32, #tpu.memory_space<hbm>>
        %dma_wait3A_77 = arith.constant 0 : i32
        %dma_wait3A_78 = tpu.memref_slice %arg4[%add3A_40, %dma_wait3A_77] : memref<1280x128xi32, #tpu.memory_space<hbm>> -> memref<40x128xi32, #tpu.memory_space<hbm>>
        tpu.wait_dma2 semaphore(%run_scoped3A : memref<!tpu.dma_semaphore, #tpu.memory_space<semaphore_mem>>) src(%dma_wait3A_78 : memref<40x128xi32, #tpu.memory_space<hbm>>) dst(%arg8 : memref<40x128xi32, #tpu.memory_space<vmem>>)
        tpu.yield
      }) : () -> ()
      "tpu.region"() ({
        %run_scoped3A = tpu.sem_alloc : memref<!tpu.dma_semaphore, #tpu.memory_space<semaphore_mem>>
        %dma_start3A_72 = arith.constant 0 : i32
        %dma_start3A_73 = tpu.memref_slice %arg5[%add3A_40, %dma_start3A_72] : memref<1280x128xi32, #tpu.memory_space<hbm>> -> memref<40x128xi32, #tpu.memory_space<hbm>>
        %dma_start3A_74 = arith.constant 0 : i32
        %dma_start3A_75 = tpu.memref_slice %arg5[%add3A_40, %dma_start3A_74] : memref<1280x128xi32, #tpu.memory_space<hbm>> -> memref<40x128xi32, #tpu.memory_space<hbm>>
        tpu.enqueue_dma source(%dma_start3A_75 : memref<40x128xi32, #tpu.memory_space<hbm>>) target(%arg9 : memref<40x128xi32, #tpu.memory_space<vmem>>) target_semaphore(%run_scoped3A : memref<!tpu.dma_semaphore, #tpu.memory_space<semaphore_mem>>)
        %dma_wait3A = arith.constant 0 : i32
        %dma_wait3A_76 = tpu.memref_slice %arg5[%add3A_40, %dma_wait3A] : memref<1280x128xi32, #tpu.memory_space<hbm>> -> memref<40x128xi32, #tpu.memory_space<hbm>>
        %dma_wait3A_77 = arith.constant 0 : i32
        %dma_wait3A_78 = tpu.memref_slice %arg5[%add3A_40, %dma_wait3A_77] : memref<1280x128xi32, #tpu.memory_space<hbm>> -> memref<40x128xi32, #tpu.memory_space<hbm>>
        tpu.wait_dma2 semaphore(%run_scoped3A : memref<!tpu.dma_semaphore, #tpu.memory_space<semaphore_mem>>) src(%dma_wait3A_78 : memref<40x128xi32, #tpu.memory_space<hbm>>) dst(%arg9 : memref<40x128xi32, #tpu.memory_space<vmem>>)
        tpu.yield
      }) : () -> ()
      %dma_start3A_41 = arith.constant 0 : i32
      %dma_start3A_42 = arith.constant 0 : i32
      %dma_start3A_43 = arith.constant 0 : i32
      %dma_start3A_44 = tpu.memref_slice %arg8[%dma_start3A_41, %dma_start3A_43] : memref<40x128xi32, #tpu.memory_space<vmem>> -> memref<1x128xi32, #tpu.memory_space<vmem>>
      %dma_start3A_45 = tpu.memref_squeeze %dma_start3A_44 : memref<1x128xi32, #tpu.memory_space<vmem>> -> memref<128xi32, #tpu.memory_space<vmem>>
      %dma_start3A_46 = arith.constant 0 : i32
      %dma_start3A_47 = arith.constant 0 : i32
      %dma_start3A_48 = tpu.memref_slice %arg3[%dma_start3A_46, %dma_start3A_47] : memref<10240x128xf32, #tpu.memory_space<hbm>> -> memref<10240x128xf32, #tpu.memory_space<hbm>>
      %dma_start3A_49 = tpu.memref_slice %arg13[%dma_start3A_42] : memref<2x!tpu.dma_semaphore, #tpu.memory_space<semaphore_mem>> -> memref<1x!tpu.dma_semaphore, #tpu.memory_space<semaphore_mem>>
      %dma_start3A_50 = tpu.memref_squeeze %dma_start3A_49 : memref<1x!tpu.dma_semaphore, #tpu.memory_space<semaphore_mem>> -> memref<!tpu.dma_semaphore, #tpu.memory_space<semaphore_mem>>
      tpu.enqueue_indirect_dma source(%dma_start3A_48 : memref<10240x128xf32, #tpu.memory_space<hbm>>) target(%arg10 : memref<128x128xf32, #tpu.memory_space<vmem>>) offsets(%dma_start3A_45 : memref<128xi32, #tpu.memory_space<vmem>>) semaphore(%dma_start3A_50 : memref<!tpu.dma_semaphore, #tpu.memory_space<semaphore_mem>>)
      %dma_start3A_51 = arith.constant 1 : i32
      %dma_start3A_52 = arith.constant 1 : i32
      %dma_start3A_53 = arith.constant 0 : i32
      %dma_start3A_54 = tpu.memref_slice %arg8[%dma_start3A_51, %dma_start3A_53] : memref<40x128xi32, #tpu.memory_space<vmem>> -> memref<1x128xi32, #tpu.memory_space<vmem>>
      %dma_start3A_55 = tpu.memref_squeeze %dma_start3A_54 : memref<1x128xi32, #tpu.memory_space<vmem>> -> memref<128xi32, #tpu.memory_space<vmem>>
      %dma_start3A_56 = arith.constant 0 : i32
      %dma_start3A_57 = arith.constant 0 : i32
      %dma_start3A_58 = tpu.memref_slice %arg3[%dma_start3A_56, %dma_start3A_57] : memref<10240x128xf32, #tpu.memory_space<hbm>> -> memref<10240x128xf32, #tpu.memory_space<hbm>>
      %dma_start3A_59 = tpu.memref_slice %arg13[%dma_start3A_52] : memref<2x!tpu.dma_semaphore, #tpu.memory_space<semaphore_mem>> -> memref<1x!tpu.dma_semaphore, #tpu.memory_space<semaphore_mem>>
      %dma_start3A_60 = tpu.memref_squeeze %dma_start3A_59 : memref<1x!tpu.dma_semaphore, #tpu.memory_space<semaphore_mem>> -> memref<!tpu.dma_semaphore, #tpu.memory_space<semaphore_mem>>
      tpu.enqueue_indirect_dma source(%dma_start3A_58 : memref<10240x128xf32, #tpu.memory_space<hbm>>) target(%arg11 : memref<128x128xf32, #tpu.memory_space<vmem>>) offsets(%dma_start3A_55 : memref<128xi32, #tpu.memory_space<vmem>>) semaphore(%dma_start3A_60 : memref<!tpu.dma_semaphore, #tpu.memory_space<semaphore_mem>>)
      %scan3A_61 = arith.constant 0 : i32
      %scan3A_62 = arith.constant 0 : i32
      %scan3A_63 = arith.constant 20 : i32
      %scan3A_64 = arith.addi %scan3A_62, %scan3A_63 : i32
      %scan3A_65 = arith.constant 1 : i32
      scf.for %scan3A_72 = %scan3A_62 to %scan3A_64 step %scan3A_65  : i32 {
        %mul3A_73 = arith.constant 2 : i32
        %mul3A_74 = arith.muli %scan3A_72, %mul3A_73 : i32
        %add3A_75 = arith.constant 0 : i32
        %add3A_76 = arith.addi %mul3A_74, %add3A_75 : i32
        %dma_wait3A = arith.constant 0 : i32
        %dma_wait3A_77 = arith.constant 0 : i32
        %dma_wait3A_78 = tpu.memref_slice %arg8[%add3A_76, %dma_wait3A_77] : memref<40x128xi32, #tpu.memory_space<vmem>> -> memref<1x128xi32, #tpu.memory_space<vmem>>
        %dma_wait3A_79 = tpu.memref_squeeze %dma_wait3A_78 : memref<1x128xi32, #tpu.memory_space<vmem>> -> memref<128xi32, #tpu.memory_space<vmem>>
        %dma_wait3A_80 = arith.constant 0 : i32
        %dma_wait3A_81 = arith.constant 0 : i32
        %dma_wait3A_82 = tpu.memref_slice %arg3[%dma_wait3A_80, %dma_wait3A_81] : memref<10240x128xf32, #tpu.memory_space<hbm>> -> memref<10240x128xf32, #tpu.memory_space<hbm>>
        %dma_wait3A_83 = tpu.memref_slice %arg13[%dma_wait3A] : memref<2x!tpu.dma_semaphore, #tpu.memory_space<semaphore_mem>> -> memref<1x!tpu.dma_semaphore, #tpu.memory_space<semaphore_mem>>
        %dma_wait3A_84 = tpu.memref_squeeze %dma_wait3A_83 : memref<1x!tpu.dma_semaphore, #tpu.memory_space<semaphore_mem>> -> memref<!tpu.dma_semaphore, #tpu.memory_space<semaphore_mem>>
        tpu.wait_indirect_dma semaphore(%dma_wait3A_84 : memref<!tpu.dma_semaphore, #tpu.memory_space<semaphore_mem>>) src(%dma_wait3A_82 : memref<10240x128xf32, #tpu.memory_space<hbm>>) dst(%arg10 : memref<128x128xf32, #tpu.memory_space<vmem>>)
        "tpu.region"() ({
          %run_scoped3A = tpu.sem_alloc : memref<!tpu.dma_semaphore, #tpu.memory_space<semaphore_mem>>
          %dma_start3A_111 = arith.constant 0 : i32
          %dma_start3A_112 = tpu.memref_slice %arg9[%add3A_76, %dma_start3A_111] : memref<40x128xi32, #tpu.memory_space<vmem>> -> memref<1x128xi32, #tpu.memory_space<vmem>>
          %dma_start3A_113 = tpu.memref_squeeze %dma_start3A_112 : memref<1x128xi32, #tpu.memory_space<vmem>> -> memref<128xi32, #tpu.memory_space<vmem>>
          %dma_start3A_114 = arith.constant 0 : i32
          %dma_start3A_115 = arith.constant 0 : i32
          %dma_start3A_116 = tpu.memref_slice %arg12[%dma_start3A_114, %dma_start3A_115] : memref<10240x128xf32, #tpu.memory_space<vmem_shared>> -> memref<10240x128xf32, #tpu.memory_space<vmem_shared>>
          tpu.enqueue_indirect_dma source(%arg10 : memref<128x128xf32, #tpu.memory_space<vmem>>) target(%dma_start3A_116 : memref<10240x128xf32, #tpu.memory_space<vmem_shared>>) offsets(%dma_start3A_113 : memref<128xi32, #tpu.memory_space<vmem>>) semaphore(%run_scoped3A : memref<!tpu.dma_semaphore, #tpu.memory_space<semaphore_mem>>) {add = true}
          %dma_wait3A_117 = arith.constant 0 : i32
          %dma_wait3A_118 = tpu.memref_slice %arg9[%add3A_76, %dma_wait3A_117] : memref<40x128xi32, #tpu.memory_space<vmem>> -> memref<1x128xi32, #tpu.memory_space<vmem>>
          %dma_wait3A_119 = tpu.memref_squeeze %dma_wait3A_118 : memref<1x128xi32, #tpu.memory_space<vmem>> -> memref<128xi32, #tpu.memory_space<vmem>>
          %dma_wait3A_120 = arith.constant 0 : i32
          %dma_wait3A_121 = arith.constant 0 : i32
          %dma_wait3A_122 = tpu.memref_slice %arg12[%dma_wait3A_120, %dma_wait3A_121] : memref<10240x128xf32, #tpu.memory_space<vmem_shared>> -> memref<10240x128xf32, #tpu.memory_space<vmem_shared>>
          tpu.wait_indirect_dma semaphore(%run_scoped3A : memref<!tpu.dma_semaphore, #tpu.memory_space<semaphore_mem>>) src(%arg10 : memref<128x128xf32, #tpu.memory_space<vmem>>) dst(%dma_wait3A_122 : memref<10240x128xf32, #tpu.memory_space<vmem_shared>>)
          tpu.yield
        }) : () -> ()
        %add3A_85 = arith.constant 2 : i32
        %add3A_86 = arith.addi %add3A_76, %add3A_85 : i32
        %lt3A = arith.constant 40 : i32
        %lt3A_87 = arith.cmpi slt, %add3A_86, %lt3A : i32
        %convert_element_type3A_88 = arith.extui %lt3A_87 : i1 to i32
        %cond3A_89 = arith.constant 0 : i32
        %cond3A_90 = arith.cmpi ne, %convert_element_type3A_88, %cond3A_89 : i32
        scf.if %cond3A_90 {
          %add3A_111 = arith.constant 2 : i32
          %add3A_112 = arith.addi %add3A_76, %add3A_111 : i32
          %dma_start3A_113 = arith.constant 0 : i32
          %dma_start3A_114 = arith.constant 0 : i32
          %dma_start3A_115 = tpu.memref_slice %arg8[%add3A_112, %dma_start3A_114] : memref<40x128xi32, #tpu.memory_space<vmem>> -> memref<1x128xi32, #tpu.memory_space<vmem>>
          %dma_start3A_116 = tpu.memref_squeeze %dma_start3A_115 : memref<1x128xi32, #tpu.memory_space<vmem>> -> memref<128xi32, #tpu.memory_space<vmem>>
          %dma_start3A_117 = arith.constant 0 : i32
          %dma_start3A_118 = arith.constant 0 : i32
          %dma_start3A_119 = tpu.memref_slice %arg3[%dma_start3A_117, %dma_start3A_118] : memref<10240x128xf32, #tpu.memory_space<hbm>> -> memref<10240x128xf32, #tpu.memory_space<hbm>>
          %dma_start3A_120 = tpu.memref_slice %arg13[%dma_start3A_113] : memref<2x!tpu.dma_semaphore, #tpu.memory_space<semaphore_mem>> -> memref<1x!tpu.dma_semaphore, #tpu.memory_space<semaphore_mem>>
          %dma_start3A_121 = tpu.memref_squeeze %dma_start3A_120 : memref<1x!tpu.dma_semaphore, #tpu.memory_space<semaphore_mem>> -> memref<!tpu.dma_semaphore, #tpu.memory_space<semaphore_mem>>
          tpu.enqueue_indirect_dma source(%dma_start3A_119 : memref<10240x128xf32, #tpu.memory_space<hbm>>) target(%arg10 : memref<128x128xf32, #tpu.memory_space<vmem>>) offsets(%dma_start3A_116 : memref<128xi32, #tpu.memory_space<vmem>>) semaphore(%dma_start3A_121 : memref<!tpu.dma_semaphore, #tpu.memory_space<semaphore_mem>>)
        } else {
        }
        %mul3A_91 = arith.constant 2 : i32
        %mul3A_92 = arith.muli %scan3A_72, %mul3A_91 : i32
        %add3A_93 = arith.constant 1 : i32
        %add3A_94 = arith.addi %mul3A_92, %add3A_93 : i32
        %dma_wait3A_95 = arith.constant 1 : i32
        %dma_wait3A_96 = arith.constant 0 : i32
        %dma_wait3A_97 = tpu.memref_slice %arg8[%add3A_94, %dma_wait3A_96] : memref<40x128xi32, #tpu.memory_space<vmem>> -> memref<1x128xi32, #tpu.memory_space<vmem>>
        %dma_wait3A_98 = tpu.memref_squeeze %dma_wait3A_97 : memref<1x128xi32, #tpu.memory_space<vmem>> -> memref<128xi32, #tpu.memory_space<vmem>>
        %dma_wait3A_99 = arith.constant 0 : i32
        %dma_wait3A_100 = arith.constant 0 : i32
        %dma_wait3A_101 = tpu.memref_slice %arg3[%dma_wait3A_99, %dma_wait3A_100] : memref<10240x128xf32, #tpu.memory_space<hbm>> -> memref<10240x128xf32, #tpu.memory_space<hbm>>
        %dma_wait3A_102 = tpu.memref_slice %arg13[%dma_wait3A_95] : memref<2x!tpu.dma_semaphore, #tpu.memory_space<semaphore_mem>> -> memref<1x!tpu.dma_semaphore, #tpu.memory_space<semaphore_mem>>
        %dma_wait3A_103 = tpu.memref_squeeze %dma_wait3A_102 : memref<1x!tpu.dma_semaphore, #tpu.memory_space<semaphore_mem>> -> memref<!tpu.dma_semaphore, #tpu.memory_space<semaphore_mem>>
        tpu.wait_indirect_dma semaphore(%dma_wait3A_103 : memref<!tpu.dma_semaphore, #tpu.memory_space<semaphore_mem>>) src(%dma_wait3A_101 : memref<10240x128xf32, #tpu.memory_space<hbm>>) dst(%arg11 : memref<128x128xf32, #tpu.memory_space<vmem>>)
        "tpu.region"() ({
          %run_scoped3A = tpu.sem_alloc : memref<!tpu.dma_semaphore, #tpu.memory_space<semaphore_mem>>
          %dma_start3A_111 = arith.constant 0 : i32
          %dma_start3A_112 = tpu.memref_slice %arg9[%add3A_94, %dma_start3A_111] : memref<40x128xi32, #tpu.memory_space<vmem>> -> memref<1x128xi32, #tpu.memory_space<vmem>>
          %dma_start3A_113 = tpu.memref_squeeze %dma_start3A_112 : memref<1x128xi32, #tpu.memory_space<vmem>> -> memref<128xi32, #tpu.memory_space<vmem>>
          %dma_start3A_114 = arith.constant 0 : i32
          %dma_start3A_115 = arith.constant 0 : i32
          %dma_start3A_116 = tpu.memref_slice %arg12[%dma_start3A_114, %dma_start3A_115] : memref<10240x128xf32, #tpu.memory_space<vmem_shared>> -> memref<10240x128xf32, #tpu.memory_space<vmem_shared>>
          tpu.enqueue_indirect_dma source(%arg11 : memref<128x128xf32, #tpu.memory_space<vmem>>) target(%dma_start3A_116 : memref<10240x128xf32, #tpu.memory_space<vmem_shared>>) offsets(%dma_start3A_113 : memref<128xi32, #tpu.memory_space<vmem>>) semaphore(%run_scoped3A : memref<!tpu.dma_semaphore, #tpu.memory_space<semaphore_mem>>) {add = true}
          %dma_wait3A_117 = arith.constant 0 : i32
          %dma_wait3A_118 = tpu.memref_slice %arg9[%add3A_94, %dma_wait3A_117] : memref<40x128xi32, #tpu.memory_space<vmem>> -> memref<1x128xi32, #tpu.memory_space<vmem>>
          %dma_wait3A_119 = tpu.memref_squeeze %dma_wait3A_118 : memref<1x128xi32, #tpu.memory_space<vmem>> -> memref<128xi32, #tpu.memory_space<vmem>>
          %dma_wait3A_120 = arith.constant 0 : i32
          %dma_wait3A_121 = arith.constant 0 : i32
          %dma_wait3A_122 = tpu.memref_slice %arg12[%dma_wait3A_120, %dma_wait3A_121] : memref<10240x128xf32, #tpu.memory_space<vmem_shared>> -> memref<10240x128xf32, #tpu.memory_space<vmem_shared>>
          tpu.wait_indirect_dma semaphore(%run_scoped3A : memref<!tpu.dma_semaphore, #tpu.memory_space<semaphore_mem>>) src(%arg11 : memref<128x128xf32, #tpu.memory_space<vmem>>) dst(%dma_wait3A_122 : memref<10240x128xf32, #tpu.memory_space<vmem_shared>>)
          tpu.yield
        }) : () -> ()
        %add3A_104 = arith.constant 2 : i32
        %add3A_105 = arith.addi %add3A_94, %add3A_104 : i32
        %lt3A_106 = arith.constant 40 : i32
        %lt3A_107 = arith.cmpi slt, %add3A_105, %lt3A_106 : i32
        %convert_element_type3A_108 = arith.extui %lt3A_107 : i1 to i32
        %cond3A_109 = arith.constant 0 : i32
        %cond3A_110 = arith.cmpi ne, %convert_element_type3A_108, %cond3A_109 : i32
        scf.if %cond3A_110 {
          %add3A_111 = arith.constant 2 : i32
          %add3A_112 = arith.addi %add3A_94, %add3A_111 : i32
          %dma_start3A_113 = arith.constant 1 : i32
          %dma_start3A_114 = arith.constant 0 : i32
          %dma_start3A_115 = tpu.memref_slice %arg8[%add3A_112, %dma_start3A_114] : memref<40x128xi32, #tpu.memory_space<vmem>> -> memref<1x128xi32, #tpu.memory_space<vmem>>
          %dma_start3A_116 = tpu.memref_squeeze %dma_start3A_115 : memref<1x128xi32, #tpu.memory_space<vmem>> -> memref<128xi32, #tpu.memory_space<vmem>>
          %dma_start3A_117 = arith.constant 0 : i32
          %dma_start3A_118 = arith.constant 0 : i32
          %dma_start3A_119 = tpu.memref_slice %arg3[%dma_start3A_117, %dma_start3A_118] : memref<10240x128xf32, #tpu.memory_space<hbm>> -> memref<10240x128xf32, #tpu.memory_space<hbm>>
          %dma_start3A_120 = tpu.memref_slice %arg13[%dma_start3A_113] : memref<2x!tpu.dma_semaphore, #tpu.memory_space<semaphore_mem>> -> memref<1x!tpu.dma_semaphore, #tpu.memory_space<semaphore_mem>>
          %dma_start3A_121 = tpu.memref_squeeze %dma_start3A_120 : memref<1x!tpu.dma_semaphore, #tpu.memory_space<semaphore_mem>> -> memref<!tpu.dma_semaphore, #tpu.memory_space<semaphore_mem>>
          tpu.enqueue_indirect_dma source(%dma_start3A_119 : memref<10240x128xf32, #tpu.memory_space<hbm>>) target(%arg11 : memref<128x128xf32, #tpu.memory_space<vmem>>) offsets(%dma_start3A_116 : memref<128xi32, #tpu.memory_space<vmem>>) semaphore(%dma_start3A_121 : memref<!tpu.dma_semaphore, #tpu.memory_space<semaphore_mem>>)
        } else {
        }
      }
      %scan3A_66 = arith.constant 20 : i32
      %barrier3A_67 = arith.constant 0 : index
      tpu.barrier barrier_id(%barrier3A_67)
      %mul3A_68 = arith.constant 640 : i32
      %mul3A_69 = arith.muli %arg1, %mul3A_68 : i32
      %mul3A_70 = arith.constant 640 : i32
      %mul3A_71 = arith.muli %arg1, %mul3A_70 : i32
      "tpu.region"() ({
        %run_scoped3A = tpu.sem_alloc : memref<!tpu.dma_semaphore, #tpu.memory_space<semaphore_mem>>
        %dma_start3A_72 = arith.constant 0 : i32
        %dma_start3A_73 = tpu.memref_slice %arg7[%mul3A_71, %dma_start3A_72] : memref<10240x128xf32, #tpu.memory_space<hbm>> -> memref<640x128xf32, #tpu.memory_space<hbm>>
        %dma_start3A_74 = arith.constant 0 : i32
        %dma_start3A_75 = tpu.memref_slice %arg12[%mul3A_69, %dma_start3A_74] : memref<10240x128xf32, #tpu.memory_space<vmem_shared>> -> memref<640x128xf32, #tpu.memory_space<vmem_shared>>
        tpu.enqueue_dma source(%dma_start3A_75 : memref<640x128xf32, #tpu.memory_space<vmem_shared>>) target(%dma_start3A_73 : memref<640x128xf32, #tpu.memory_space<hbm>>) target_semaphore(%run_scoped3A : memref<!tpu.dma_semaphore, #tpu.memory_space<semaphore_mem>>)
        %dma_wait3A = arith.constant 0 : i32
        %dma_wait3A_76 = tpu.memref_slice %arg7[%mul3A_71, %dma_wait3A] : memref<10240x128xf32, #tpu.memory_space<hbm>> -> memref<640x128xf32, #tpu.memory_space<hbm>>
        %dma_wait3A_77 = arith.constant 0 : i32
        %dma_wait3A_78 = tpu.memref_slice %arg12[%mul3A_69, %dma_wait3A_77] : memref<10240x128xf32, #tpu.memory_space<vmem_shared>> -> memref<640x128xf32, #tpu.memory_space<vmem_shared>>
        tpu.wait_dma2 semaphore(%run_scoped3A : memref<!tpu.dma_semaphore, #tpu.memory_space<semaphore_mem>>) src(%dma_wait3A_78 : memref<640x128xf32, #tpu.memory_space<vmem_shared>>) dst(%dma_wait3A_76 : memref<640x128xf32, #tpu.memory_space<hbm>>)
        tpu.yield
      }) : () -> ()
    } else {
    }
    return
  }
}

module attributes {stable_mosaic.version = 14 : i64} {
  func.func @_tc_mm_body(%arg0: i32, %arg1: memref<1024x256xf32, #tpu.memory_space<vmem>>, %arg2: memref<256x256xf32, #tpu.memory_space<vmem>>, %arg3: memref<1024x256xf32, #tpu.memory_space<vmem>>) attributes {dimension_semantics = [#tpu.dimension_semantics<arbitrary>], iteration_bounds = array<i64: 10>, scalar_prefetch = 0 : i64, scratch_operands = 0 : i64, tpu.core_type = #tpu.core_type<tc>, window_params = [{transform_indices = @transform_0, window_bounds = array<i64: 1024, 256>}, {pipeline_mode = #tpu.pipeline_mode<synchronous>, transform_indices = @transform_1, window_bounds = array<i64: 256, 256>}, {transform_indices = @transform_2, window_bounds = array<i64: 1024, 256>}]} {
    %get3A = arith.constant 0 : index
    %get3A_0 = arith.constant 0 : index
    %get3A_1 = vector.load %arg1[%get3A, %get3A_0] : memref<1024x256xf32, #tpu.memory_space<vmem>>, vector<1024x256xf32>
    %get3A_2 = arith.constant 0 : index
    %get3A_3 = arith.constant 0 : index
    %get3A_4 = vector.load %arg2[%get3A_2, %get3A_3] : memref<256x256xf32, #tpu.memory_space<vmem>>, vector<256x256xf32>
    %dot_general3A = arith.constant dense<0.000000e+00> : vector<1024x256xf32>
    %dot_general3A_5 = tpu.matmul %get3A_1, %get3A_4, %dot_general3A {dimension_numbers = #tpu.dot_dimension_numbers<[1], [0], [0], [1], [0, 0, 1, 1], [], []>, transpose_lhs_hint = false} : vector<1024x256xf32>, vector<256x256xf32>, vector<1024x256xf32> -> vector<1024x256xf32>
    %swap3A = arith.constant 0 : index
    %swap3A_6 = arith.constant 0 : index
    %swap3A_7 = vector.load %arg3[%swap3A, %swap3A_6] : memref<1024x256xf32, #tpu.memory_space<vmem>>, vector<1024x256xf32>
    tpu.vector_store %arg3[%swap3A, %swap3A_6], %dot_general3A_5 {strides = array<i32>} : memref<1024x256xf32, #tpu.memory_space<vmem>>, vector<1024x256xf32>,
    return
  }
  func.func @transform_0(%arg0: i32) -> (i32, i32) {
    %c0_i32 = arith.constant 0 : i32
    %c0_i32_0 = arith.constant 0 : i32
    return %arg0, %c0_i32 : i32, i32
  }
  func.func @transform_1(%arg0: i32) -> (i32, i32) {
    %c0_i32 = arith.constant 0 : i32
    %c0_i32_0 = arith.constant 0 : i32
    %c0_i32_1 = arith.constant 0 : i32
    return %c0_i32, %c0_i32_0 : i32, i32
  }
  func.func @transform_2(%arg0: i32) -> (i32, i32) {
    %c0_i32 = arith.constant 0 : i32
    %c0_i32_0 = arith.constant 0 : i32
    return %arg0, %c0_i32 : i32, i32
  }
}

module attributes {stable_mosaic.version = 14 : i64} {
  func.func @_tc_in_body(%arg0: i32, %arg1: memref<1024x256xf32, #tpu.memory_space<vmem>>, %arg2: memref<1024x1xf32, #tpu.memory_space<vmem>>, %arg3: memref<1024x128xf32, #tpu.memory_space<vmem>>, %arg4: memref<1024x128xf32, #tpu.memory_space<vmem>>) attributes {dimension_semantics = [#tpu.dimension_semantics<arbitrary>], iteration_bounds = array<i64: 10>, scalar_prefetch = 0 : i64, scratch_operands = 0 : i64, tpu.core_type = #tpu.core_type<tc>, window_params = [{transform_indices = @transform_0, window_bounds = array<i64: 1024, 256>}, {transform_indices = @transform_1, window_bounds = array<i64: 1024, 1>}, {transform_indices = @transform_2, window_bounds = array<i64: 1024, 128>}, {transform_indices = @transform_3, window_bounds = array<i64: 1024, 128>}]} {
    %get3A = arith.constant 0 : index
    %get3A_0 = arith.constant 0 : index
    %get3A_1 = vector.load %arg2[%get3A, %get3A_0] : memref<1024x1xf32, #tpu.memory_space<vmem>>, vector<1024x1xf32>
    %add3A = arith.constant 1.000000e+00 : f32
    %add3A_2 = vector.broadcast %add3A : f32 to vector<1024x1xf32>
    %add3A_3 = arith.addf %get3A_1, %add3A_2 : vector<1024x1xf32>
    %rsqrt3A = math.rsqrt %add3A_3 : vector<1024x1xf32>
    %get3A_4 = arith.constant 0 : index
    %get3A_5 = arith.constant 0 : index
    %get3A_6 = vector.load %arg1[%get3A_4, %get3A_5] : memref<1024x256xf32, #tpu.memory_space<vmem>>, vector<1024x256xf32>
    %mul3A = vector.broadcast %rsqrt3A : vector<1024x1xf32> to vector<1024x256xf32>
    %mul3A_7 = arith.mulf %get3A_6, %mul3A : vector<1024x256xf32>
    %slice3A = vector.extract_strided_slice %mul3A_7 {offsets = [0, 0], sizes = [1024, 128], strides = [1, 1]} : vector<1024x256xf32> to vector<1024x128xf32>
    %swap3A = arith.constant 0 : index
    %swap3A_8 = arith.constant 0 : index
    %swap3A_9 = vector.load %arg3[%swap3A, %swap3A_8] : memref<1024x128xf32, #tpu.memory_space<vmem>>, vector<1024x128xf32>
    tpu.vector_store %arg3[%swap3A, %swap3A_8], %slice3A {strides = array<i32>} : memref<1024x128xf32, #tpu.memory_space<vmem>>, vector<1024x128xf32>,
    %slice3A_10 = vector.extract_strided_slice %mul3A_7 {offsets = [0, 128], sizes = [1024, 128], strides = [1, 1]} : vector<1024x256xf32> to vector<1024x128xf32>
    %swap3A_11 = arith.constant 0 : index
    %swap3A_12 = arith.constant 0 : index
    %swap3A_13 = vector.load %arg4[%swap3A_11, %swap3A_12] : memref<1024x128xf32, #tpu.memory_space<vmem>>, vector<1024x128xf32>
    tpu.vector_store %arg4[%swap3A_11, %swap3A_12], %slice3A_10 {strides = array<i32>} : memref<1024x128xf32, #tpu.memory_space<vmem>>, vector<1024x128xf32>,
    return
  }
  func.func @transform_0(%arg0: i32) -> (i32, i32) {
    %c0_i32 = arith.constant 0 : i32
    %c0_i32_0 = arith.constant 0 : i32
    return %arg0, %c0_i32 : i32, i32
  }
  func.func @transform_1(%arg0: i32) -> (i32, i32) {
    %c0_i32 = arith.constant 0 : i32
    %c0_i32_0 = arith.constant 0 : i32
    return %arg0, %c0_i32 : i32, i32
  }
  func.func @transform_2(%arg0: i32) -> (i32, i32) {
    %c0_i32 = arith.constant 0 : i32
    %c0_i32_0 = arith.constant 0 : i32
    return %arg0, %c0_i32 : i32, i32
  }
  func.func @transform_3(%arg0: i32) -> (i32, i32) {
    %c0_i32 = arith.constant 0 : i32
    %c0_i32_0 = arith.constant 0 : i32
    return %arg0, %c0_i32 : i32, i32
  }
}

module attributes {stable_mosaic.version = 14 : i64} {
  func.func @_tc_mid_body(%arg0: i32, %arg1: memref<1024x128xf32, #tpu.memory_space<vmem>>, %arg2: memref<1024x128xf32, #tpu.memory_space<vmem>>, %arg3: memref<1024x1xf32, #tpu.memory_space<vmem>>, %arg4: memref<256x256xf32, #tpu.memory_space<vmem>>, %arg5: memref<1x256xf32, #tpu.memory_space<vmem>>, %arg6: memref<1024x128xf32, #tpu.memory_space<vmem>>, %arg7: memref<1024x128xf32, #tpu.memory_space<vmem>>) attributes {dimension_semantics = [#tpu.dimension_semantics<arbitrary>], iteration_bounds = array<i64: 10>, scalar_prefetch = 0 : i64, scratch_operands = 0 : i64, tpu.core_type = #tpu.core_type<tc>, window_params = [{transform_indices = @transform_0, window_bounds = array<i64: 1024, 128>}, {transform_indices = @transform_1, window_bounds = array<i64: 1024, 128>}, {transform_indices = @transform_2, window_bounds = array<i64: 1024, 1>}, {pipeline_mode = #tpu.pipeline_mode<synchronous>, transform_indices = @transform_3, window_bounds = array<i64: 256, 256>}, {pipeline_mode = #tpu.pipeline_mode<synchronous>, transform_indices = @transform_4, window_bounds = array<i64: 1, 256>}, {transform_indices = @transform_5, window_bounds = array<i64: 1024, 128>}, {transform_indices = @transform_6, window_bounds = array<i64: 1024, 128>}]} {
    %get3A = arith.constant 0 : index
    %get3A_0 = arith.constant 0 : index
    %get3A_1 = vector.load %arg3[%get3A, %get3A_0] : memref<1024x1xf32, #tpu.memory_space<vmem>>, vector<1024x1xf32>
    %add3A = arith.constant 1.000000e+00 : f32
    %add3A_2 = vector.broadcast %add3A : f32 to vector<1024x1xf32>
    %add3A_3 = arith.addf %get3A_1, %add3A_2 : vector<1024x1xf32>
    %rsqrt3A = math.rsqrt %add3A_3 : vector<1024x1xf32>
    %get3A_4 = arith.constant 0 : index
    %get3A_5 = arith.constant 0 : index
    %get3A_6 = vector.load %arg1[%get3A_4, %get3A_5] : memref<1024x128xf32, #tpu.memory_space<vmem>>, vector<1024x128xf32>
    %get3A_7 = arith.constant 0 : index
    %get3A_8 = arith.constant 0 : index
    %get3A_9 = vector.load %arg2[%get3A_7, %get3A_8] : memref<1024x128xf32, #tpu.memory_space<vmem>>, vector<1024x128xf32>
    %concatenate3A = tpu.concatenate %get3A_6, %get3A_9 in 1 : vector<1024x128xf32>, vector<1024x128xf32> -> vector<1024x256xf32>
    %mul3A = vector.broadcast %rsqrt3A : vector<1024x1xf32> to vector<1024x256xf32>
    %mul3A_10 = arith.mulf %concatenate3A, %mul3A : vector<1024x256xf32>
    %ge3A = arith.constant 0.000000e+00 : f32
    %ge3A_11 = vector.broadcast %ge3A : f32 to vector<1024x256xf32>
    %ge3A_12 = arith.cmpf oge, %mul3A_10, %ge3A_11 : vector<1024x256xf32>
    %get3A_13 = arith.constant 0 : index
    %get3A_14 = arith.constant 0 : index
    %get3A_15 = vector.load %arg5[%get3A_13, %get3A_14] : memref<1x256xf32, #tpu.memory_space<vmem>>, vector<1x256xf32>
    %mul3A_16 = vector.broadcast %get3A_15 : vector<1x256xf32> to vector<1024x256xf32>
    %mul3A_17 = arith.mulf %mul3A_16, %mul3A_10 : vector<1024x256xf32>
    %select_n3A = arith.select %ge3A_12, %mul3A_10, %mul3A_17 : vector<1024x256xi1>, vector<1024x256xf32>
    %get3A_18 = arith.constant 0 : index
    %get3A_19 = arith.constant 0 : index
    %get3A_20 = vector.load %arg4[%get3A_18, %get3A_19] : memref<256x256xf32, #tpu.memory_space<vmem>>, vector<256x256xf32>
    %dot_general3A = arith.constant dense<0.000000e+00> : vector<1024x256xf32>
    %dot_general3A_21 = tpu.matmul %select_n3A, %get3A_20, %dot_general3A {dimension_numbers = #tpu.dot_dimension_numbers<[1], [0], [0], [1], [0, 0, 1, 1], [], []>, transpose_lhs_hint = false} : vector<1024x256xf32>, vector<256x256xf32>, vector<1024x256xf32> -> vector<1024x256xf32>
    %mul3A_22 = vector.broadcast %rsqrt3A : vector<1024x1xf32> to vector<1024x256xf32>
    %mul3A_23 = arith.mulf %dot_general3A_21, %mul3A_22 : vector<1024x256xf32>
    %slice3A = vector.extract_strided_slice %mul3A_23 {offsets = [0, 0], sizes = [1024, 128], strides = [1, 1]} : vector<1024x256xf32> to vector<1024x128xf32>
    %swap3A = arith.constant 0 : index
    %swap3A_24 = arith.constant 0 : index
    %swap3A_25 = vector.load %arg6[%swap3A, %swap3A_24] : memref<1024x128xf32, #tpu.memory_space<vmem>>, vector<1024x128xf32>
    tpu.vector_store %arg6[%swap3A, %swap3A_24], %slice3A {strides = array<i32>} : memref<1024x128xf32, #tpu.memory_space<vmem>>, vector<1024x128xf32>,
    %slice3A_26 = vector.extract_strided_slice %mul3A_23 {offsets = [0, 128], sizes = [1024, 128], strides = [1, 1]} : vector<1024x256xf32> to vector<1024x128xf32>
    %swap3A_27 = arith.constant 0 : index
    %swap3A_28 = arith.constant 0 : index
    %swap3A_29 = vector.load %arg7[%swap3A_27, %swap3A_28] : memref<1024x128xf32, #tpu.memory_space<vmem>>, vector<1024x128xf32>
    tpu.vector_store %arg7[%swap3A_27, %swap3A_28], %slice3A_26 {strides = array<i32>} : memref<1024x128xf32, #tpu.memory_space<vmem>>, vector<1024x128xf32>,
    return
  }
  func.func @transform_0(%arg0: i32) -> (i32, i32) {
    %c0_i32 = arith.constant 0 : i32
    %c0_i32_0 = arith.constant 0 : i32
    return %arg0, %c0_i32 : i32, i32
  }
  func.func @transform_1(%arg0: i32) -> (i32, i32) {
    %c0_i32 = arith.constant 0 : i32
    %c0_i32_0 = arith.constant 0 : i32
    return %arg0, %c0_i32 : i32, i32
  }
  func.func @transform_2(%arg0: i32) -> (i32, i32) {
    %c0_i32 = arith.constant 0 : i32
    %c0_i32_0 = arith.constant 0 : i32
    return %arg0, %c0_i32 : i32, i32
  }
  func.func @transform_3(%arg0: i32) -> (i32, i32) {
    %c0_i32 = arith.constant 0 : i32
    %c0_i32_0 = arith.constant 0 : i32
    %c0_i32_1 = arith.constant 0 : i32
    return %c0_i32, %c0_i32_0 : i32, i32
  }
  func.func @transform_4(%arg0: i32) -> (i32, i32) {
    %c0_i32 = arith.constant 0 : i32
    %c0_i32_0 = arith.constant 0 : i32
    %c0_i32_1 = arith.constant 0 : i32
    return %c0_i32, %c0_i32_0 : i32, i32
  }
  func.func @transform_5(%arg0: i32) -> (i32, i32) {
    %c0_i32 = arith.constant 0 : i32
    %c0_i32_0 = arith.constant 0 : i32
    return %arg0, %c0_i32 : i32, i32
  }
  func.func @transform_6(%arg0: i32) -> (i32, i32) {
    %c0_i32 = arith.constant 0 : i32
    %c0_i32_0 = arith.constant 0 : i32
    return %arg0, %c0_i32 : i32, i32
  }
}

module attributes {stable_mosaic.version = 14 : i64} {
  func.func @_tc_out_body(%arg0: i32, %arg1: memref<1024x128xf32, #tpu.memory_space<vmem>>, %arg2: memref<1024x128xf32, #tpu.memory_space<vmem>>, %arg3: memref<1024x1xf32, #tpu.memory_space<vmem>>, %arg4: memref<1x256xf32, #tpu.memory_space<vmem>>, %arg5: memref<1024x256xf32, #tpu.memory_space<vmem>>) attributes {dimension_semantics = [#tpu.dimension_semantics<arbitrary>], iteration_bounds = array<i64: 10>, scalar_prefetch = 0 : i64, scratch_operands = 0 : i64, tpu.core_type = #tpu.core_type<tc>, window_params = [{transform_indices = @transform_0, window_bounds = array<i64: 1024, 128>}, {transform_indices = @transform_1, window_bounds = array<i64: 1024, 128>}, {transform_indices = @transform_2, window_bounds = array<i64: 1024, 1>}, {pipeline_mode = #tpu.pipeline_mode<synchronous>, transform_indices = @transform_3, window_bounds = array<i64: 1, 256>}, {transform_indices = @transform_4, window_bounds = array<i64: 1024, 256>}]} {
    %get3A = arith.constant 0 : index
    %get3A_0 = arith.constant 0 : index
    %get3A_1 = vector.load %arg3[%get3A, %get3A_0] : memref<1024x1xf32, #tpu.memory_space<vmem>>, vector<1024x1xf32>
    %add3A = arith.constant 1.000000e+00 : f32
    %add3A_2 = vector.broadcast %add3A : f32 to vector<1024x1xf32>
    %add3A_3 = arith.addf %get3A_1, %add3A_2 : vector<1024x1xf32>
    %rsqrt3A = math.rsqrt %add3A_3 : vector<1024x1xf32>
    %get3A_4 = arith.constant 0 : index
    %get3A_5 = arith.constant 0 : index
    %get3A_6 = vector.load %arg1[%get3A_4, %get3A_5] : memref<1024x128xf32, #tpu.memory_space<vmem>>, vector<1024x128xf32>
    %get3A_7 = arith.constant 0 : index
    %get3A_8 = arith.constant 0 : index
    %get3A_9 = vector.load %arg2[%get3A_7, %get3A_8] : memref<1024x128xf32, #tpu.memory_space<vmem>>, vector<1024x128xf32>
    %concatenate3A = tpu.concatenate %get3A_6, %get3A_9 in 1 : vector<1024x128xf32>, vector<1024x128xf32> -> vector<1024x256xf32>
    %mul3A = vector.broadcast %rsqrt3A : vector<1024x1xf32> to vector<1024x256xf32>
    %mul3A_10 = arith.mulf %concatenate3A, %mul3A : vector<1024x256xf32>
    %ge3A = arith.constant 0.000000e+00 : f32
    %ge3A_11 = vector.broadcast %ge3A : f32 to vector<1024x256xf32>
    %ge3A_12 = arith.cmpf oge, %mul3A_10, %ge3A_11 : vector<1024x256xf32>
    %get3A_13 = arith.constant 0 : index
    %get3A_14 = arith.constant 0 : index
    %get3A_15 = vector.load %arg4[%get3A_13, %get3A_14] : memref<1x256xf32, #tpu.memory_space<vmem>>, vector<1x256xf32>
    %mul3A_16 = vector.broadcast %get3A_15 : vector<1x256xf32> to vector<1024x256xf32>
    %mul3A_17 = arith.mulf %mul3A_16, %mul3A_10 : vector<1024x256xf32>
    %select_n3A = arith.select %ge3A_12, %mul3A_10, %mul3A_17 : vector<1024x256xi1>, vector<1024x256xf32>
    %swap3A = arith.constant 0 : index
    %swap3A_18 = arith.constant 0 : index
    %swap3A_19 = vector.load %arg5[%swap3A, %swap3A_18] : memref<1024x256xf32, #tpu.memory_space<vmem>>, vector<1024x256xf32>
    tpu.vector_store %arg5[%swap3A, %swap3A_18], %select_n3A {strides = array<i32>} : memref<1024x256xf32, #tpu.memory_space<vmem>>, vector<1024x256xf32>,
    return
  }
  func.func @transform_0(%arg0: i32) -> (i32, i32) {
    %c0_i32 = arith.constant 0 : i32
    %c0_i32_0 = arith.constant 0 : i32
    return %arg0, %c0_i32 : i32, i32
  }
  func.func @transform_1(%arg0: i32) -> (i32, i32) {
    %c0_i32 = arith.constant 0 : i32
    %c0_i32_0 = arith.constant 0 : i32
    return %arg0, %c0_i32 : i32, i32
  }
  func.func @transform_2(%arg0: i32) -> (i32, i32) {
    %c0_i32 = arith.constant 0 : i32
    %c0_i32_0 = arith.constant 0 : i32
    return %arg0, %c0_i32 : i32, i32
  }
  func.func @transform_3(%arg0: i32) -> (i32, i32) {
    %c0_i32 = arith.constant 0 : i32
    %c0_i32_0 = arith.constant 0 : i32
    %c0_i32_1 = arith.constant 0 : i32
    return %c0_i32, %c0_i32_0 : i32, i32
  }
  func.func @transform_4(%arg0: i32) -> (i32, i32) {
    %c0_i32 = arith.constant 0 : i32
    %c0_i32_0 = arith.constant 0 : i32
    return %arg0, %c0_i32 : i32, i32
  }
}

</mosaic_0001>

<sc_bundles>
// kernel: kernel.12.cloned.1.call-start
scs
__scs_entry_jumppad:
0x0: {  	(pc) =	sbr.rel $0x88, $3  }
0x1: {  	(tag) =	ssettag $0x0;
	lr =	simm.s32 $0x1  }
0x2: {  	[smem:$0x3F9B] =	sst lr;
	_ =	strace $0xD0000000  }
0x3: {  	_ = 	snop  }
0x4: {  	_ = 	snop  }
0x5: {  	_ = 	snop  }
0x6: {  	_ = 	snop  }
0x7: {  	_ = 	snop  }
__scs_overlays_trampoline_lowered:
0x8: {  	[smem:$0x3FAA] =	sst s0  }
0x9: {  	[smem:$0x3FAB] =	sst s1  }
0xa: {  	[smem:$0x3FAC] =	sst s2  }
0xb: {  	[smem:$0x3FAD] =	sst s3  }
0xc: {  	[smem:$0x3FAE] =	sst s4  }
0xd: {  	[smem:$0x3FAF] =	sst s5  }
0xe: {  	[smem:$0x3FB0] =	sst s6  }
0xf: {  	[smem:$0x3FB1] =	sst s7  }
0x10: {  	[smem:$0x3FB2] =	sst s8  }
0x11: {  	[smem:$0x3FB3] =	sst s9;
	s0 =	simm.s32 @!p0 $0x0  }
0x12: {  	s1 =	sld [smem:$0x3F99];
	s0 =	simm.s32 @p0 $0x1  }
0x13: {  	[smem:$0x3FB4] =	sst s0;
	s0 =	simm.s32 @!p1 $0x0  }
0x14: {  	s2 =	sld [smem:$0x3F98];
	s0 =	simm.s32 @p1 $0x1  }
0x15: {  	[smem:$0x3FB5] =	sst s0;
	s0 =	simm.s32 @!p2 $0x0  }
0x16: {  	s3 =	sld [smem:$0x3FDB];
	s0 =	simm.s32 @p2 $0x1  }
0x17: {  	s4 =	simm.s32 $0x1BF5;
	[smem:$0x3FB7] =	sst s0  }
0x18: {  	s0 =	sld [smem:$0x3F9A];
	_ =	swait.ge [sflag:s4], $0x0  }
0x19: {  	s7 =	sld [smem:$0x3F9B]  }
0x1a: {  	s8 =	sadd.s32 $0xFFFFE003, lr  }
0x1b: {  	s9 =	sadd.s32 $0xFFFFFEF7, lr;
	s5 =	simm.s32 $0xFFFFFFFF;
	p2 =	slt.u32 s8, $0xFFFFF086  }
0x1c: {  	p1 =	slt.u32 s9, $0xF7A;
	s5 =	simm.s32 @!p2 $0x0  }
0x1d: {  	s5 =	simm.s32 @p1 $0x1;
	p0 =	seq.s32 s7, s2  }
0x1e: {  	s7 =	smul.u32 @!p0 $0xF7A, s2;
	p2 =	seq.s32 @!p0 s5, $0x0  }
0x1f: {  	s9 =	smul.u32 $0xF7A, s1;
	s8 =	simm.s32 @!p0 $0x1BF5;
	p2 =	por !p2, p0  }
0x20: {  	[sflag:s8] =	ssyncset.s32 @!p0 $0xFFFFF086;
	s6 =	sadd.s32 @!p0 s3, s7;
	s7 =	simm.s32 @!p0 $0x108  }
0x21: {  	s3 =	sadd.s32 s3, s9;
	s6 =	sadd.s32 @!p0 $0x88, s6;
	s7 =	simm.s32 @p2 $0x1082  }
0x22: {  	[simem:s7], [sflag:s8] =	dma.local @!p0 [hbm:s6], $0xF7A  }
0x23: {  	s9 =	sor.u32 $0xD0000000, s2;
	s6 =	simm.s32 $0x108;
	_ =	swait.ge @!p0 [sflag:s8], $0x0  }
0x24: {  	s3 =	sadd.s32 $0x88, s3;
	s6 =	simm.s32 @!p1 $0x1082;
	[sflag:s4] =	ssyncset.s32 $0xFFFFF086  }
0x25: {  	[simem:s6], [sflag:s4] =	dma.local [hbm:s3], $0xF7A  }
0x26: {  	[smem:$0x3F9B] =	sst s1;
	(tag) =	ssettag s2;
	_ =	strace s9  }
0x27: {  	s1 =	sld [smem:$0x3FAB]  }
0x28: {  	s2 =	sld [smem:$0x3FAC]  }
0x29: {  	s4 =	sld [smem:$0x3FAE]  }
0x2a: {  	p0 =	seq.s32 s5, $0x0;
	s5 =	sld [smem:$0x3FAF]  }
0x2b: {  	s6 =	sld [smem:$0x3FB0]  }
0x2c: {  	s7 =	sld [smem:$0x3FB1]  }
0x2d: {  	s3 =	simm.s32 $0x108;
	s8 =	sld [smem:$0x3FB2]  }
0x2e: {  	s3 =	simm.s32 @!p0 $0x1082;
	s9 =	sld [smem:$0x3FB3]  }
0x2f: {  	lr =	sadd.s32 s0, s3;
	s0 =	sld [smem:$0x3FAA]  }
0x30: {  	s3 =	sld [smem:$0x3FAD]  }
0x31: {  	[smem:$0x3FB6] =	sst s10  }
0x32: {  	s10 =	sld [smem:$0x3FB4];
	_ =	sdelay $0x3  }
0x33: {  	p0 =	seq.s32 s10, $0x1;
	s10 =	sld [smem:$0x3FB6];
	_ =	sdelay $0x3  }
0x34: {  	[smem:$0x3FB6] =	sst s10  }
0x35: {  	s10 =	sld [smem:$0x3FB5];
	_ =	sdelay $0x3  }
0x36: {  	p1 =	seq.s32 s10, $0x1;
	s10 =	sld [smem:$0x3FB6];
	_ =	sdelay $0x3  }
0x37: {  	[smem:$0x3FB6] =	sst s10  }
0x38: {  	s10 =	sld [smem:$0x3FB7]  }
0x39: {  	_ = 	snop;
	(pc) =	sbr.ind lr, $3  }
0x3a: {  	_ = 	snop  }
0x3b: {  	_ = 	snop  }
0x3c: {  	p2 =	seq.s32 s10, $0x1;
	s10 =	sld [smem:$0x3FB6]  }
0x3d: {  	_ =	shalt  }
0x3e: {  	_ =	shalt  }
0x3f: {  	_ =	shalt  }
0x40: {  	_ =	shalt  }
0x41: {  	_ =	shalt  }
0x42: {  	_ =	shalt  }
0x43: {  	_ =	shalt  }
0x44: {  	_ =	shalt  }
0x45: {  	_ =	shalt  }
0x46: {  	_ =	shalt  }
0x47: {  	_ =	shalt  }
0x48: {  	_ =	shalt  }
0x49: {  	_ =	shalt  }
0x4a: {  	_ =	shalt  }
0x4b: {  	_ =	shalt  }
0x4c: {  	_ =	shalt  }
0x4d: {  	_ =	shalt  }
0x4e: {  	_ =	shalt  }
0x4f: {  	_ =	shalt  }
0x50: {  	_ =	shalt  }
0x51: {  	_ =	shalt  }
0x52: {  	_ =	shalt  }
0x53: {  	_ =	shalt  }
0x54: {  	_ =	shalt  }
0x55: {  	_ =	shalt  }
0x56: {  	_ =	shalt  }
0x57: {  	_ =	shalt  }
0x58: {  	_ =	shalt  }
0x59: {  	_ =	shalt  }
0x5a: {  	_ =	shalt  }
0x5b: {  	_ =	shalt  }
0x5c: {  	_ =	shalt  }
0x5d: {  	_ =	shalt  }
0x5e: {  	_ =	shalt  }
0x5f: {  	_ =	shalt  }
0x60: {  	_ =	shalt  }
0x61: {  	_ =	shalt  }
0x62: {  	_ =	shalt  }
0x63: {  	_ =	shalt  }
0x64: {  	_ =	shalt  }
0x65: {  	_ =	shalt  }
0x66: {  	_ =	shalt  }
0x67: {  	_ =	shalt  }
0x68: {  	_ =	shalt  }
0x69: {  	_ =	shalt  }
0x6a: {  	_ =	shalt  }
0x6b: {  	_ =	shalt  }
0x6c: {  	_ =	shalt  }
0x6d: {  	_ =	shalt  }
0x6e: {  	_ =	shalt  }
0x6f: {  	_ =	shalt  }
0x70: {  	_ =	shalt  }
0x71: {  	_ =	shalt  }
0x72: {  	_ =	shalt  }
0x73: {  	_ =	shalt  }
0x74: {  	_ =	shalt  }
0x75: {  	_ =	shalt  }
0x76: {  	_ =	shalt  }
0x77: {  	_ =	shalt  }
0x78: {  	_ =	shalt  }
0x79: {  	_ =	shalt  }
0x7a: {  	_ =	shalt  }
0x7b: {  	_ =	shalt  }
0x7c: {  	_ =	shalt  }
0x7d: {  	_ =	shalt  }
0x7e: {  	_ =	shalt  }
0x7f: {  	_ =	shalt  }
0x80: {  	_ =	shalt  }
0x81: {  	_ =	shalt  }
0x82: {  	_ =	shalt  }
0x83: {  	_ =	shalt  }
0x84: {  	_ =	shalt  }
0x85: {  	_ =	shalt  }
0x86: {  	_ =	shalt  }
0x87: {  	_ =	shalt  }
.Lfunc_end0:
.L_simem_size_0:
called_computation.1_lowered:
.L_overlay_start_0:
0x88: {  	s2 =	sld [smem:$0x3FD9]  }
0x89: {  	s3 =	sld [smem:$0x3FFE];
	_ =	sdelay $0x1  }
0x8a: {  	s1 =	srdreg.scid  }
0x8b: {  	s0 =	sand.u32 $0x1, s1  }
0x8c: {  	s17 =	sshll.u32 s0, $0xA;
	s2 =	sadd.s32 s3, s2  }
0x8d: {  	s2 =	sadd.s32 s2, s17  }
0x8e: {  	[smem:$0x3FC2] =	sst s2  }
0x8f: {  	_ = 	snop  }
0x90: {  	s2 =	sld [smem:$0x3FD0];
	(tm) =	ssettm $0x1  }
0x91: {  	s18 =	sld [smem:$0x3FFB];
	_ =	sdelay $0x3  }
0x92: {  	_ =	strace s18  }
0x93: {  	s3 =	sld [smem:$0x3FFC];
	_ =	sdelay $0x3  }
0x94: {  	_ =	strace s3  }
0x95: {  	s3 =	sld [smem:$0x3FFD];
	_ =	sdelay $0x3  }
0x96: {  	_ =	strace s3  }
0x97: {  	_ =	strace $0x8FFFFFFF  }
0x98: {  	s19 =	sld [smem:$0x3FDB];
	_ =	sdelay $0x1  }
0x99: {  	s4 =	simm.s32 $_scs_section_size  }
0x9a: {  	s5 =	simm.s32 $_size__tile_overlayer_lowered;
	s6 =	simm.s32 $_tile_overlayer_lowered  }
0x9b: {  	s22 =	simm.s32 $0x1BFF;
	s21 =	sshll.u32 s6, $0x1;
	s3 =	sadd.s32 s4, s19  }
0x9c: {  	s7 =	simm.s32 $0x0;
	s20 =	sshll.u32 s5, $0x1;
	s5 =	sadd.s32 s21, s3  }
0x9d: {  	[timem:s7], [sflag:s22] =	dma.local [hbm:s5], s20  }
0x9e: {  	_ =	swait.ge [sflag:s22], s20  }
0x9f: {  	s4 =	ssub.s32 $0x0, s20;
	[sflag:s22] =	ssyncset.done $0x0  }
0xa0: {  	[sflag:s22] =	ssyncadd.s32 s4;
	_ =	sdelay $0x1  }
0xa1: {  	s23 =	simm.s32 $0x1B8B  }
0xa2: {  	_ =	swait.ge [sflag:s23], $0x1  }
0xa3: {  	[sflag:s23] =	ssyncset.done $0x0  }
0xa4: {  	s25 =	simm.s32 $0x1B8E;
	s24 =	sld [smem:$0x3FFE];
	[sflag:s23] =	ssyncadd.s32 $0xFFFFFFFF  }
0xa5: {  	s26 =	simm.s32 $execute0_lowered;
	[smem:$0x3FD2] =	sst s25  }
0xa6: {  	s5 =	sshll.u32 s26, $0x1;
	_ =	strace $0x80000049;
	[dreg:$0x1] =	wrdreg $0xFFFFFFFF  }
0xa7: {  	s28 =	simm.s32 $_size_execute0_lowered;
	s3 =	sadd.s32 s3, s5;
	[dreg:$0x0] =	wrdreg $0x0  }
0xa8: {  	s5 =	sshll.u32 s28, $0x1;
	[dreg:$0x2] =	wrdreg s3  }
0xa9: {  	[dreg:$0x3] =	wrdreg s5  }
0xaa: {  	[dreg:$0x4] =	wrdreg $0xC0  }
0xab: {  	_ =	task [dreg:s7], $0x5FFFF  }
0xac: {  	[dreg:$0x1] =	wrdreg $0xFFFFFFFF  }
0xad: {  	[dreg:$0x0] =	wrdreg $0x60  }
0xae: {  	[dreg:$0x2] =	wrdreg s2  }
0xaf: {  	[dreg:$0x3] =	wrdreg s24  }
0xb0: {  	[dreg:$0x4] =	wrdreg $0xA8000  }
0xb1: {  	[dreg:$0x5] =	wrdreg $0x9  }
0xb2: {  	_ =	task.clear_ibuf [dreg:s7], $0x6FFFF;
	_ =	strace $0x90000049  }
0xb3: {  	s29 =	simm.s32 $0x9;
	_ =	strace $0x8000004B  }
0xb4: {  	_ =	swait.ge [sflag:s29], $0x1  }
0xb5: {  	[sflag:s29] =	ssyncadd.s32 $0xFFFFFFFF  }
0xb6: {  	_ =	strace $0x9000004B  }
0xb7: {  	_ =	sfence  }
0xb8: {  	s30 =	sld [smem:$0x0];
	_ =	sdelay $0x2  }
0xb9: {  	s31 =	sshll.u32 s1, $0xD;
	s1 =	sshrl.u32 s1, $0x2  }
0xba: {  	s3 =	sand.u32 $0x4000, s31;
	s1 =	sadd.s32 s1, s30  }
0xbb: {  	s0 =	sor.u32 s3, s0;
	s1 =	sshll.u32 s1, $0x11  }
0xbc: {  	s0 =	sor.u32 s1, s0  }
0xbd: {  	s0 =	sadd.s32 $0x8F2B, s0  }
0xbe: {  	[sflag:s0] =	ssyncadd.remote.s32 $0x1  }
0xbf: {  	_ =	sfence.sel $0xFFFF  }
0xc0: {  	[dreg:$0x0] =	wrdreg $0xFFFFFFFF;
	(pc) =	sbr.abs _section_cstart, $3  }
0xc1: {  	[dreg:$0x1] =	wrdreg $0xFFFFFFFF  }
0xc2: {  	_ =	task.clear_ibuf [dreg:s7], $0x2FFFF;
	_ =	strace $0x9FFFFFFF  }
0xc3: {  	(tm) =	ssettm $0x7FFFFFFF  }
tec
execute0_lowered:
.L_overlay_start_1:
0x0: {  	(tag) =	ssettag $0x1  }
0x1: {  	s1 =	rddreg [dreg:$0x0]  }
0x2: {  	s8 =	rddreg [dreg:$0x1]  }
0x3: {  	s2 =	rddreg [dreg:$0x2]  }
0x4: {  	s3 =	simm.s32 $0x0;
	s6 =	srdreg.scid;
	s4 =	stileid.u32  }
0x5: {  	s19 =	simm.s32 $0x3;
	s20 =	simm.s32 $0x1400;
	s21 =	simm.s32 $0x80  }
0x6: {  	s22 =	simm.s32 $0x2800;
	s23 =	simm.s32 $0x6800;
	s24 =	simm.s32 $0x1  }
0x7: {  	s25 =	simm.s32 $0x2;
	s28 =	simm.s32 $0x2780;
	[smem:$0x7FF] =	sst s3  }
0x8: {  	s5 =	sadd.s32 $0xD600, s8;
	s12 =	sadd.s32 $0x3600, s8;
	s11 =	smul.u32 $0x50000, s4  }
0x9: {  	s9 =	sand.u32 $0x1, s6;
	s13 =	sadd.s32 $0x8600, s8;
	s7 =	smul.u32 $0x2800, s4  }
0xa: {  	s6 =	sadd.s32 $0x35600, s8;
	s8 =	sadd.s32 $0x85600, s8;
	s29 =	smul.u32 $0x500, s4  }
0xb: {  	s15 =	sshll.u32 s4, $0x6;
	_ =	strace $0x8000004A;
	s10 =	ssub.s32 $0x2, s9  }
0xc: {  	p0 =	seq.s32 s9, $0x1;
	s17 =	sor.u32 $0x1C03, s15;
	s14 =	sshrl.u32 s10, $0x1  }
.Ltmp0:
0xd: {  	s26 =	sshrl.u32 s11, $0x2;
	s30 =	sshrl.u32 s7, $0x3;
	(pc) =	sbr.rel .LBB2_1-.Ltmp0, $4  }
0xe: {  	s9 =	sadd.s32 s1, s7;
	s11 =	sadd.s32 s13, s29;
	s16 =	ssub.s32 s10, s14  }
0xf: {  	s18 =	sadd.s32 s26, s2;
	s31 =	sadd.s32 $0x280, s30;
	s10 =	sadd.s32 s12, s29  }
0x10: {  	s14 =	sadd.s32 s5, s7;
	s26 =	simm.s32 $0x2700;
	s12 =	sadd.s32 s12, s31  }
0x11: {  	s13 =	sadd.s32 s13, s31;
	s16 =	smax.u32 s16, $0x1;
	s18 =	sshrl.u32 s18, $0x3  }
.LBB2_11:
0x12: {  	[tilespmem:s23], [sflag:$0x2] =	stream.indirect.gather [hbm4b:s5+s21], $0x80, s30, s21, $0xb8;
	[tilespmem:$0x1E800] =	vst v63  }
0x13: {  	s30 =	smov.u32 s8;
	s29 =	smov.u32 s17  }
.LBB2_12:
0x14: {  	_ =	swait.ge [sflag:s24], $0x4000  }
0x15: {  	[sflag:s24] =	ssyncset.done $0x0  }
0x16: {  	[sflag:s24] =	ssyncadd.s32 $0xFFFFC000  }
0x17: {  	[spmem:s2] =	stream.indirect.scatter.add.f32 [tilespmem:s22], [sflag:$0x3], $0x80, s26, s21, $0xb8;
	[tilespmem:$0x1E800] =	vst v63  }
0x18: {  	_ =	swait.ge [sflag:s19], $0x4000  }
0x19: {  	[sflag:s19] =	ssyncset.done $0x0  }
0x1a: {  	[sflag:s19] =	ssyncadd.s32 $0xFFFFC000  }
0x1b: {  	_ =	swait.ge [sflag:s25], $0x4000  }
0x1c: {  	[sflag:s25] =	ssyncset.done $0x0  }
0x1d: {  	[sflag:s25] =	ssyncadd.s32 $0xFFFFC000  }
0x1e: {  	[spmem:s2] =	stream.indirect.scatter.add.f32 [tilespmem:s23], [sflag:$0x3], $0x80, s28, s21, $0xb8;
	[tilespmem:$0x1E800] =	vst v63  }
0x1f: {  	_ =	swait.ge [sflag:s19], $0x4000  }
0x20: {  	s3 =	sadd.s32 $0x1, s3;
	[sflag:s19] =	ssyncset.done $0x0  }
0x21: {  	p1 =	sne.s32 s3, s16;
	[sflag:s19] =	ssyncadd.s32 $0xFFFFC000  }
.Ltmp1:
0x22: {  	s0 =	sadd.s32 s30, s7;
	[bflag:$0x0] =	sbarrier.arrive $0xFFFF;
	(pc) =	sbr.rel @!p1 .LBB2_13-.Ltmp1, $4  }
0x23: {  	[hbm:s0], [sflag:s29] =	dma.local [spmem:s18], $0x2800  }
0x24: {  	_ =	swait.ge [sflag:s19], $0x2800  }
0x25: {  	[sflag:s19] =	ssyncset.done $0x0  }
0x26: {  	[sflag:s19] =	ssyncadd.s32 $0xFFFFD800  }
.LBB2_1:
.Ltmp2:
0x27: {  	(pc) =	sbr.rel @!p0 .LBB2_2-.Ltmp2, $1  }
0x28: {  	_ =	sdelay $0x3  }
0x29: {  	[spmem:s18], [sflag:s17] =	dma.local [hbm:s14], $0x2800  }
0x2a: {  	_ =	swait.ge [sflag:s19], $0x2800  }
0x2b: {  	[sflag:s19] =	ssyncset.done $0x0  }
0x2c: {  	[sflag:s19] =	ssyncadd.s32 $0xFFFFD800  }
0x2d: {  	s0 =	simm.s32 $0x0;
	[bflag:$0x0] =	sbarrier.arrive $0xFFFF  }
0x2e: {  	[tilespmem:s0], [sflag:$0x3] =	stream.linear.gather [hbm4b:s10+s0], $0x1400, $0x38;
	[tilespmem:$0x1E800] =	vst v63  }
0x2f: {  	_ =	swait.ge [sflag:s19], $0x1400  }
0x30: {  	[sflag:s19] =	ssyncset.done $0x0  }
0x31: {  	[sflag:s19] =	ssyncadd.s32 $0xFFFFEC00  }
0x32: {  	[tilespmem:s20], [sflag:$0x3] =	stream.linear.gather [hbm4b:s11+s0], $0x1400, $0x38;
	[tilespmem:$0x1E800] =	vst v63  }
0x33: {  	_ =	swait.ge [sflag:s19], $0x1400  }
0x34: {  	[sflag:s19] =	ssyncset.done $0x0  }
0x35: {  	[sflag:s19] =	ssyncadd.s32 $0xFFFFEC00  }
0x36: {  	[tilespmem:s22], [sflag:$0x1] =	stream.indirect.gather [hbm4b:s5+s21], $0x80, s0, s21, $0xb8;
	[tilespmem:$0x1E800] =	vst v63  }
0x37: {  	_ = 	snop  }
0x38: {  	[tilespmem:s23], [sflag:$0x2] =	stream.indirect.gather [hbm4b:s5+s21], $0x80, s21, s21, $0xb8;
	[tilespmem:$0x1E800] =	vst v63  }
0x39: {  	_ =	swait.ge [sflag:s24], $0x4000  }
0x3a: {  	[sflag:s24] =	ssyncset.done $0x0  }
0x3b: {  	s31 =	simm.s32 $0x1400;
	[sflag:s24] =	ssyncadd.s32 $0xFFFFC000  }
0x3c: {  	[spmem:s2] =	stream.indirect.scatter.add.f32 [tilespmem:s22], [sflag:$0x3], $0x80, s31, s21, $0xb8;
	[tilespmem:$0x1E800] =	vst v63  }
0x3d: {  	_ =	swait.ge [sflag:s19], $0x4000  }
0x3e: {  	[sflag:s19] =	ssyncset.done $0x0  }
0x3f: {  	s31 =	simm.s32 $0x100;
	[sflag:s19] =	ssyncadd.s32 $0xFFFFC000  }
0x40: {  	[tilespmem:s22], [sflag:$0x1] =	stream.indirect.gather [hbm4b:s5+s21], $0x80, s31, s21, $0xb8;
	[tilespmem:$0x1E800] =	vst v63  }
0x41: {  	_ =	swait.ge [sflag:s25], $0x4000  }
0x42: {  	[sflag:s25] =	ssyncset.done $0x0  }
0x43: {  	s31 =	simm.s32 $0x1480;
	[sflag:s25] =	ssyncadd.s32 $0xFFFFC000  }
0x44: {  	[spmem:s2] =	stream.indirect.scatter.add.f32 [tilespmem:s23], [sflag:$0x3], $0x80, s31, s21, $0xb8;
	[tilespmem:$0x1E800] =	vst v63  }
0x45: {  	_ =	swait.ge [sflag:s19], $0x4000  }
0x46: {  	[sflag:s19] =	ssyncset.done $0x0  }
0x47: {  	s29 =	simm.s32 $0x400;
	s30 =	simm.s32 $0x180;
	[sflag:s19] =	ssyncadd.s32 $0xFFFFC000  }
.LBB2_8:
0x48: {  	[tilespmem:s23], [sflag:$0x2] =	stream.indirect.gather [hbm4b:s5+s21], $0x80, s30, s21, $0xb8;
	[tilespmem:$0x1E800] =	vst v63  }
0x49: {  	s0 =	smov.u32 s29  }
0x4a: {  	p1 =	sne.s32 s29, $0x4800;
	s29 =	sadd.s32 $0x400, s29;
	_ =	swait.ge [sflag:s24], $0x4000  }
0x4b: {  	s0 =	sshra.s32 s0, $0x2;
	[sflag:s24] =	ssyncset.done $0x0  }
0x4c: {  	s30 =	sadd.s32 $0x1400, s0;
	[sflag:s24] =	ssyncadd.s32 $0xFFFFC000  }
0x4d: {  	[spmem:s2] =	stream.indirect.scatter.add.f32 [tilespmem:s22], [sflag:$0x3], $0x80, s30, s21, $0xb8;
	[tilespmem:$0x1E800] =	vst v63  }
0x4e: {  	_ =	swait.ge [sflag:s19], $0x4000  }
0x4f: {  	[sflag:s19] =	ssyncset.done $0x0  }
0x50: {  	s30 =	sadd.s32 $0x100, s0;
	[sflag:s19] =	ssyncadd.s32 $0xFFFFC000  }
0x51: {  	[tilespmem:s22], [sflag:$0x1] =	stream.indirect.gather [hbm4b:s5+s21], $0x80, s30, s21, $0xb8;
	[tilespmem:$0x1E800] =	vst v63  }
0x52: {  	_ =	swait.ge [sflag:s25], $0x4000  }
0x53: {  	[sflag:s25] =	ssyncset.done $0x0  }
.Ltmp3:
0x54: {  	s30 =	sadd.s32 $0x1480, s0;
	[sflag:s25] =	ssyncadd.s32 $0xFFFFC000;
	(pc) =	sbr.rel @p1 .LBB2_8-.Ltmp3, $4  }
0x55: {  	[spmem:s2] =	stream.indirect.scatter.add.f32 [tilespmem:s23], [sflag:$0x3], $0x80, s30, s21, $0xb8;
	[tilespmem:$0x1E800] =	vst v63  }
0x56: {  	_ =	swait.ge [sflag:s19], $0x4000  }
0x57: {  	[sflag:s19] =	ssyncset.done $0x0  }
0x58: {  	s30 =	sadd.s32 $0x180, s0;
	[sflag:s19] =	ssyncadd.s32 $0xFFFFC000  }
0x59: {  	[tilespmem:s23], [sflag:$0x2] =	stream.indirect.gather [hbm4b:s5+s21], $0x80, s30, s21, $0xb8;
	[tilespmem:$0x1E800] =	vst v63  }
0x5a: {  	_ =	swait.ge [sflag:s24], $0x4000  }
0x5b: {  	[sflag:s24] =	ssyncset.done $0x0  }
0x5c: {  	[sflag:s24] =	ssyncadd.s32 $0xFFFFC000  }
0x5d: {  	[spmem:s2] =	stream.indirect.scatter.add.f32 [tilespmem:s22], [sflag:$0x3], $0x80, s26, s21, $0xb8;
	[tilespmem:$0x1E800] =	vst v63  }
0x5e: {  	_ =	swait.ge [sflag:s19], $0x4000  }
0x5f: {  	[sflag:s19] =	ssyncset.done $0x0  }
0x60: {  	[sflag:s19] =	ssyncadd.s32 $0xFFFFC000  }
0x61: {  	_ =	swait.ge [sflag:s25], $0x4000  }
0x62: {  	[sflag:s25] =	ssyncset.done $0x0  }
0x63: {  	[sflag:s25] =	ssyncadd.s32 $0xFFFFC000  }
0x64: {  	[spmem:s2] =	stream.indirect.scatter.add.f32 [tilespmem:s23], [sflag:$0x3], $0x80, s28, s21, $0xb8;
	[tilespmem:$0x1E800] =	vst v63  }
0x65: {  	_ =	swait.ge [sflag:s19], $0x4000  }
0x66: {  	[sflag:s19] =	ssyncset.done $0x0  }
0x67: {  	s0 =	simm.s32 $0x0;
	[sflag:s19] =	ssyncadd.s32 $0xFFFFC000  }
0x68: {  	[tilespmem:s0], [sflag:$0x3] =	stream.linear.gather [hbm4b:s12+s0], $0x1400, $0x38;
	[tilespmem:$0x1E800] =	vst v63  }
0x69: {  	_ =	swait.ge [sflag:s19], $0x1400  }
0x6a: {  	[sflag:s19] =	ssyncset.done $0x0  }
0x6b: {  	[sflag:s19] =	ssyncadd.s32 $0xFFFFEC00  }
0x6c: {  	[tilespmem:s20], [sflag:$0x3] =	stream.linear.gather [hbm4b:s13+s0], $0x1400, $0x38;
	[tilespmem:$0x1E800] =	vst v63  }
0x6d: {  	_ =	swait.ge [sflag:s19], $0x1400  }
0x6e: {  	[sflag:s19] =	ssyncset.done $0x0  }
0x6f: {  	[sflag:s19] =	ssyncadd.s32 $0xFFFFEC00  }
0x70: {  	[tilespmem:s22], [sflag:$0x1] =	stream.indirect.gather [hbm4b:s5+s21], $0x80, s0, s21, $0xb8;
	[tilespmem:$0x1E800] =	vst v63  }
0x71: {  	_ = 	snop  }
0x72: {  	[tilespmem:s23], [sflag:$0x2] =	stream.indirect.gather [hbm4b:s5+s21], $0x80, s21, s21, $0xb8;
	[tilespmem:$0x1E800] =	vst v63  }
0x73: {  	_ =	swait.ge [sflag:s24], $0x4000  }
0x74: {  	[sflag:s24] =	ssyncset.done $0x0  }
0x75: {  	s31 =	simm.s32 $0x1400;
	[sflag:s24] =	ssyncadd.s32 $0xFFFFC000  }
0x76: {  	[spmem:s2] =	stream.indirect.scatter.add.f32 [tilespmem:s22], [sflag:$0x3], $0x80, s31, s21, $0xb8;
	[tilespmem:$0x1E800] =	vst v63  }
0x77: {  	_ =	swait.ge [sflag:s19], $0x4000  }
0x78: {  	[sflag:s19] =	ssyncset.done $0x0  }
0x79: {  	s31 =	simm.s32 $0x100;
	[sflag:s19] =	ssyncadd.s32 $0xFFFFC000  }
0x7a: {  	[tilespmem:s22], [sflag:$0x1] =	stream.indirect.gather [hbm4b:s5+s21], $0x80, s31, s21, $0xb8;
	[tilespmem:$0x1E800] =	vst v63  }
0x7b: {  	_ =	swait.ge [sflag:s25], $0x4000  }
0x7c: {  	[sflag:s25] =	ssyncset.done $0x0  }
0x7d: {  	s31 =	simm.s32 $0x1480;
	[sflag:s25] =	ssyncadd.s32 $0xFFFFC000  }
0x7e: {  	[spmem:s2] =	stream.indirect.scatter.add.f32 [tilespmem:s23], [sflag:$0x3], $0x80, s31, s21, $0xb8;
	[tilespmem:$0x1E800] =	vst v63  }
0x7f: {  	_ =	swait.ge [sflag:s19], $0x4000  }
0x80: {  	[sflag:s19] =	ssyncset.done $0x0  }
0x81: {  	s29 =	simm.s32 $0x400;
	s30 =	simm.s32 $0x180;
	[sflag:s19] =	ssyncadd.s32 $0xFFFFC000  }
.LBB2_10:
0x82: {  	[tilespmem:s23], [sflag:$0x2] =	stream.indirect.gather [hbm4b:s5+s21], $0x80, s30, s21, $0xb8;
	[tilespmem:$0x1E800] =	vst v63  }
0x83: {  	s0 =	smov.u32 s29  }
0x84: {  	p1 =	sne.s32 s29, $0x4800;
	s29 =	sadd.s32 $0x400, s29;
	_ =	swait.ge [sflag:s24], $0x4000  }
0x85: {  	s0 =	sshra.s32 s0, $0x2;
	[sflag:s24] =	ssyncset.done $0x0  }
0x86: {  	s30 =	sadd.s32 $0x1400, s0;
	[sflag:s24] =	ssyncadd.s32 $0xFFFFC000  }
0x87: {  	[spmem:s2] =	stream.indirect.scatter.add.f32 [tilespmem:s22], [sflag:$0x3], $0x80, s30, s21, $0xb8;
	[tilespmem:$0x1E800] =	vst v63  }
0x88: {  	_ =	swait.ge [sflag:s19], $0x4000  }
0x89: {  	[sflag:s19] =	ssyncset.done $0x0  }
0x8a: {  	s30 =	sadd.s32 $0x100, s0;
	[sflag:s19] =	ssyncadd.s32 $0xFFFFC000  }
0x8b: {  	[tilespmem:s22], [sflag:$0x1] =	stream.indirect.gather [hbm4b:s5+s21], $0x80, s30, s21, $0xb8;
	[tilespmem:$0x1E800] =	vst v63  }
0x8c: {  	_ =	swait.ge [sflag:s25], $0x4000  }
0x8d: {  	[sflag:s25] =	ssyncset.done $0x0  }
.Ltmp4:
0x8e: {  	s30 =	sadd.s32 $0x1480, s0;
	[sflag:s25] =	ssyncadd.s32 $0xFFFFC000;
	(pc) =	sbr.rel @p1 .LBB2_10-.Ltmp4, $4  }
0x8f: {  	[spmem:s2] =	stream.indirect.scatter.add.f32 [tilespmem:s23], [sflag:$0x3], $0x80, s30, s21, $0xb8;
	[tilespmem:$0x1E800] =	vst v63  }
0x90: {  	_ =	swait.ge [sflag:s19], $0x4000  }
0x91: {  	[sflag:s19] =	ssyncset.done $0x0  }
0x92: {  	s30 =	sadd.s32 $0x180, s0;
	[sflag:s19] =	ssyncadd.s32 $0xFFFFC000  }
.Ltmp5:
0x93: {  	_ = 	snop;
	(pc) =	sbr.rel .LBB2_11-.Ltmp5, $1  }
0x94: {  	_ =	sdelay $0x3  }
.LBB2_2:
0x95: {  	s29 =	sor.u32 $0x1C03, s15  }
0x96: {  	[spmem:s18], [sflag:s29] =	dma.local [hbm:s9], $0x2800  }
0x97: {  	_ =	swait.ge [sflag:s19], $0x2800  }
0x98: {  	[sflag:s19] =	ssyncset.done $0x0  }
0x99: {  	[sflag:s19] =	ssyncadd.s32 $0xFFFFD800  }
0x9a: {  	s30 =	simm.s32 $0x0;
	[bflag:$0x0] =	sbarrier.arrive $0xFFFF  }
0x9b: {  	[tilespmem:s30], [sflag:$0x3] =	stream.linear.gather [hbm4b:s10+s30], $0x1400, $0x38;
	[tilespmem:$0x1E800] =	vst v63  }
0x9c: {  	_ =	swait.ge [sflag:s19], $0x1400  }
0x9d: {  	[sflag:s19] =	ssyncset.done $0x0  }
0x9e: {  	[sflag:s19] =	ssyncadd.s32 $0xFFFFEC00  }
0x9f: {  	[tilespmem:s20], [sflag:$0x3] =	stream.linear.gather [hbm4b:s11+s30], $0x1400, $0x38;
	[tilespmem:$0x1E800] =	vst v63  }
0xa0: {  	_ =	swait.ge [sflag:s19], $0x1400  }
0xa1: {  	[sflag:s19] =	ssyncset.done $0x0  }
0xa2: {  	[sflag:s19] =	ssyncadd.s32 $0xFFFFEC00  }
0xa3: {  	[tilespmem:s22], [sflag:$0x1] =	stream.indirect.gather [hbm4b:s1+s21], $0x80, s30, s21, $0xb8;
	[tilespmem:$0x1E800] =	vst v63  }
0xa4: {  	_ = 	snop  }
0xa5: {  	[tilespmem:s23], [sflag:$0x2] =	stream.indirect.gather [hbm4b:s1+s21], $0x80, s21, s21, $0xb8;
	[tilespmem:$0x1E800] =	vst v63  }
0xa6: {  	_ =	swait.ge [sflag:s24], $0x4000  }
0xa7: {  	[sflag:s24] =	ssyncset.done $0x0  }
0xa8: {  	s30 =	simm.s32 $0x1400;
	[sflag:s24] =	ssyncadd.s32 $0xFFFFC000  }
0xa9: {  	[spmem:s2] =	stream.indirect.scatter.add.f32 [tilespmem:s22], [sflag:$0x3], $0x80, s30, s21, $0xb8;
	[tilespmem:$0x1E800] =	vst v63  }
0xaa: {  	_ =	swait.ge [sflag:s19], $0x4000  }
0xab: {  	[sflag:s19] =	ssyncset.done $0x0  }
0xac: {  	s30 =	simm.s32 $0x100;
	[sflag:s19] =	ssyncadd.s32 $0xFFFFC000  }
0xad: {  	[tilespmem:s22], [sflag:$0x1] =	stream.indirect.gather [hbm4b:s1+s21], $0x80, s30, s21, $0xb8;
	[tilespmem:$0x1E800] =	vst v63  }
0xae: {  	_ =	swait.ge [sflag:s25], $0x4000  }
0xaf: {  	[sflag:s25] =	ssyncset.done $0x0  }
0xb0: {  	s30 =	simm.s32 $0x1480;
	[sflag:s25] =	ssyncadd.s32 $0xFFFFC000  }
0xb1: {  	[spmem:s2] =	stream.indirect.scatter.add.f32 [tilespmem:s23], [sflag:$0x3], $0x80, s30, s21, $0xb8;
	[tilespmem:$0x1E800] =	vst v63  }
0xb2: {  	_ =	swait.ge [sflag:s19], $0x4000  }
0xb3: {  	[sflag:s19] =	ssyncset.done $0x0  }
0xb4: {  	s31 =	simm.s32 $0x180;
	s30 =	simm.s32 $0x400;
	[sflag:s19] =	ssyncadd.s32 $0xFFFFC000  }
.LBB2_3:
0xb5: {  	[tilespmem:s23], [sflag:$0x2] =	stream.indirect.gather [hbm4b:s1+s21], $0x80, s31, s21, $0xb8;
	[tilespmem:$0x1E800] =	vst v63  }
0xb6: {  	s31 =	smov.u32 s30  }
0xb7: {  	p1 =	sne.s32 s30, $0x4800;
	s30 =	sadd.s32 $0x400, s30;
	_ =	swait.ge [sflag:s24], $0x4000  }
0xb8: {  	s31 =	sshra.s32 s31, $0x2;
	[sflag:s24] =	ssyncset.done $0x0  }
0xb9: {  	s0 =	sadd.s32 $0x1400, s31;
	[sflag:s24] =	ssyncadd.s32 $0xFFFFC000  }
0xba: {  	[spmem:s2] =	stream.indirect.scatter.add.f32 [tilespmem:s22], [sflag:$0x3], $0x80, s0, s21, $0xb8;
	[tilespmem:$0x1E800] =	vst v63  }
0xbb: {  	_ =	swait.ge [sflag:s19], $0x4000  }
0xbc: {  	[sflag:s19] =	ssyncset.done $0x0  }
0xbd: {  	s0 =	sadd.s32 $0x100, s31;
	[sflag:s19] =	ssyncadd.s32 $0xFFFFC000  }
0xbe: {  	[tilespmem:s22], [sflag:$0x1] =	stream.indirect.gather [hbm4b:s1+s21], $0x80, s0, s21, $0xb8;
	[tilespmem:$0x1E800] =	vst v63  }
0xbf: {  	_ =	swait.ge [sflag:s25], $0x4000  }
0xc0: {  	[sflag:s25] =	ssyncset.done $0x0  }
.Ltmp6:
0xc1: {  	s0 =	sadd.s32 $0x1480, s31;
	[sflag:s25] =	ssyncadd.s32 $0xFFFFC000;
	(pc) =	sbr.rel @p1 .LBB2_3-.Ltmp6, $4  }
0xc2: {  	[spmem:s2] =	stream.indirect.scatter.add.f32 [tilespmem:s23], [sflag:$0x3], $0x80, s0, s21, $0xb8;
	[tilespmem:$0x1E800] =	vst v63  }
0xc3: {  	_ =	swait.ge [sflag:s19], $0x4000  }
0xc4: {  	[sflag:s19] =	ssyncset.done $0x0  }
0xc5: {  	s31 =	sadd.s32 $0x180, s31;
	[sflag:s19] =	ssyncadd.s32 $0xFFFFC000  }
0xc6: {  	[tilespmem:s23], [sflag:$0x2] =	stream.indirect.gather [hbm4b:s1+s21], $0x80, s31, s21, $0xb8;
	[tilespmem:$0x1E800] =	vst v63  }
0xc7: {  	_ =	swait.ge [sflag:s24], $0x4000  }
0xc8: {  	[sflag:s24] =	ssyncset.done $0x0  }
0xc9: {  	[sflag:s24] =	ssyncadd.s32 $0xFFFFC000  }
0xca: {  	[spmem:s2] =	stream.indirect.scatter.add.f32 [tilespmem:s22], [sflag:$0x3], $0x80, s26, s21, $0xb8;
	[tilespmem:$0x1E800] =	vst v63  }
0xcb: {  	_ =	swait.ge [sflag:s19], $0x4000  }
0xcc: {  	[sflag:s19] =	ssyncset.done $0x0  }
0xcd: {  	[sflag:s19] =	ssyncadd.s32 $0xFFFFC000  }
0xce: {  	_ =	swait.ge [sflag:s25], $0x4000  }
0xcf: {  	[sflag:s25] =	ssyncset.done $0x0  }
0xd0: {  	[sflag:s25] =	ssyncadd.s32 $0xFFFFC000  }
0xd1: {  	[spmem:s2] =	stream.indirect.scatter.add.f32 [tilespmem:s23], [sflag:$0x3], $0x80, s28, s21, $0xb8;
	[tilespmem:$0x1E800] =	vst v63  }
0xd2: {  	_ =	swait.ge [sflag:s19], $0x4000  }
0xd3: {  	[sflag:s19] =	ssyncset.done $0x0  }
0xd4: {  	s0 =	simm.s32 $0x0;
	[sflag:s19] =	ssyncadd.s32 $0xFFFFC000  }
0xd5: {  	[tilespmem:s0], [sflag:$0x3] =	stream.linear.gather [hbm4b:s12+s0], $0x1400, $0x38;
	[tilespmem:$0x1E800] =	vst v63  }
0xd6: {  	_ =	swait.ge [sflag:s19], $0x1400  }
0xd7: {  	[sflag:s19] =	ssyncset.done $0x0  }
0xd8: {  	[sflag:s19] =	ssyncadd.s32 $0xFFFFEC00  }
0xd9: {  	[tilespmem:s20], [sflag:$0x3] =	stream.linear.gather [hbm4b:s13+s0], $0x1400, $0x38;
	[tilespmem:$0x1E800] =	vst v63  }
0xda: {  	_ =	swait.ge [sflag:s19], $0x1400  }
0xdb: {  	[sflag:s19] =	ssyncset.done $0x0  }
0xdc: {  	[sflag:s19] =	ssyncadd.s32 $0xFFFFEC00  }
0xdd: {  	[tilespmem:s22], [sflag:$0x1] =	stream.indirect.gather [hbm4b:s1+s21], $0x80, s0, s21, $0xb8;
	[tilespmem:$0x1E800] =	vst v63  }
0xde: {  	_ = 	snop  }
0xdf: {  	[tilespmem:s23], [sflag:$0x2] =	stream.indirect.gather [hbm4b:s1+s21], $0x80, s21, s21, $0xb8;
	[tilespmem:$0x1E800] =	vst v63  }
0xe0: {  	_ =	swait.ge [sflag:s24], $0x4000  }
0xe1: {  	[sflag:s24] =	ssyncset.done $0x0  }
0xe2: {  	s0 =	simm.s32 $0x1400;
	[sflag:s24] =	ssyncadd.s32 $0xFFFFC000  }
0xe3: {  	[spmem:s2] =	stream.indirect.scatter.add.f32 [tilespmem:s22], [sflag:$0x3], $0x80, s0, s21, $0xb8;
	[tilespmem:$0x1E800] =	vst v63  }
0xe4: {  	_ =	swait.ge [sflag:s19], $0x4000  }
0xe5: {  	[sflag:s19] =	ssyncset.done $0x0  }
0xe6: {  	s0 =	simm.s32 $0x100;
	[sflag:s19] =	ssyncadd.s32 $0xFFFFC000  }
0xe7: {  	[tilespmem:s22], [sflag:$0x1] =	stream.indirect.gather [hbm4b:s1+s21], $0x80, s0, s21, $0xb8;
	[tilespmem:$0x1E800] =	vst v63  }
0xe8: {  	_ =	swait.ge [sflag:s25], $0x4000  }
0xe9: {  	[sflag:s25] =	ssyncset.done $0x0  }
0xea: {  	s0 =	simm.s32 $0x1480;
	[sflag:s25] =	ssyncadd.s32 $0xFFFFC000  }
0xeb: {  	[spmem:s2] =	stream.indirect.scatter.add.f32 [tilespmem:s23], [sflag:$0x3], $0x80, s0, s21, $0xb8;
	[tilespmem:$0x1E800] =	vst v63  }
0xec: {  	_ =	swait.ge [sflag:s19], $0x4000  }
0xed: {  	[sflag:s19] =	ssyncset.done $0x0  }
0xee: {  	s30 =	simm.s32 $0x400;
	s31 =	simm.s32 $0x180;
	[sflag:s19] =	ssyncadd.s32 $0xFFFFC000  }
.LBB2_5:
0xef: {  	[tilespmem:s23], [sflag:$0x2] =	stream.indirect.gather [hbm4b:s1+s21], $0x80, s31, s21, $0xb8;
	[tilespmem:$0x1E800] =	vst v63  }
0xf0: {  	s0 =	smov.u32 s30  }
0xf1: {  	p1 =	seq.s32 s30, $0x4800;
	s30 =	sadd.s32 $0x400, s30;
	_ =	swait.ge [sflag:s24], $0x4000  }
0xf2: {  	s0 =	sshra.s32 s0, $0x2;
	[sflag:s24] =	ssyncset.done $0x0  }
0xf3: {  	s31 =	sadd.s32 $0x1400, s0;
	[sflag:s24] =	ssyncadd.s32 $0xFFFFC000  }
0xf4: {  	[spmem:s2] =	stream.indirect.scatter.add.f32 [tilespmem:s22], [sflag:$0x3], $0x80, s31, s21, $0xb8;
	[tilespmem:$0x1E800] =	vst v63  }
0xf5: {  	_ =	swait.ge [sflag:s19], $0x4000  }
0xf6: {  	[sflag:s19] =	ssyncset.done $0x0  }
0xf7: {  	s31 =	sadd.s32 $0x100, s0;
	[sflag:s19] =	ssyncadd.s32 $0xFFFFC000  }
0xf8: {  	[tilespmem:s22], [sflag:$0x1] =	stream.indirect.gather [hbm4b:s1+s21], $0x80, s31, s21, $0xb8;
	[tilespmem:$0x1E800] =	vst v63  }
0xf9: {  	_ =	swait.ge [sflag:s25], $0x4000  }
0xfa: {  	[sflag:s25] =	ssyncset.done $0x0  }
.Ltmp7:
0xfb: {  	s31 =	sadd.s32 $0x1480, s0;
	[sflag:s25] =	ssyncadd.s32 $0xFFFFC000;
	(pc) =	sbr.rel @!p1 .LBB2_5-.Ltmp7, $4  }
0xfc: {  	[spmem:s2] =	stream.indirect.scatter.add.f32 [tilespmem:s23], [sflag:$0x3], $0x80, s31, s21, $0xb8;
	[tilespmem:$0x1E800] =	vst v63  }
0xfd: {  	_ =	swait.ge [sflag:s19], $0x4000  }
0xfe: {  	[sflag:s19] =	ssyncset.done $0x0  }
0xff: {  	s31 =	sadd.s32 $0x180, s0;
	[sflag:s19] =	ssyncadd.s32 $0xFFFFC000  }
.Ltmp8:
0x100: {  	(pc) =	sbr.rel .LBB2_12-.Ltmp8, $3  }
0x101: {  	_ =	sdelay $0x1  }
0x102: {  	[tilespmem:s23], [sflag:$0x2] =	stream.indirect.gather [hbm4b:s1+s21], $0x80, s31, s21, $0xb8;
	[tilespmem:$0x1E800] =	vst v63  }
0x103: {  	s30 =	smov.u32 s6  }
.LBB2_13:
0x104: {  	_ =	sfence.sel $0x180000  }
0x105: {  	[bflag:$0x0] =	sbarrier.arrive $0xFFFF  }
0x106: {  	_ =	strace $0x9000004A  }
0x107: {  	[bflag:$0x2] =	sbarrier.arrive $0xFFFF  }
0x108: {  	p0 =	sne.s32 s4, $0x0;
	s0 =	rddreg [dreg:$0x3]  }
0x109: {  	s0 =	sadd.s32 @!p0 $0x100000, s0  }
0x10a: {  	[sflag:s0] =	ssyncadd.tile.s32 @!p0 $0x1;
	_ =	shalt  }
.Lfunc_end2:
_tile_overlayer_lowered:
.L_overlay_start_2:
0x10b: {  	(tag) =	ssettag $0x2  }
0x10c: {  	s0 =	rddreg [dreg:$0x0];
	s2 =	stileid.u32  }
0x10d: {  	s1 =	rddreg [dreg:$0x1];
	p0 =	sne.s32 s2, $0x0  }
0x10e: {  	s3 =	rddreg [dreg:$0x2];
	[bflag:$0x3] =	sbarrier.arrive $0xFFFF;
	s2 =	simm.s32 @!p0 $0x1C03  }
0x10f: {  	[timem:s3], [sflag:s2] =	dma.local @!p0 [hbm:s0], s1  }
0x110: {  	s0 =	simm.s32 @!p0 $0x3  }
0x111: {  	_ =	swait.ge @!p0 [sflag:s0], s1  }
0x112: {  	s1 =	ssub.s32 @!p0 $0x0, s1;
	[sflag:s0] =	ssyncset.done @!p0 $0x0  }
0x113: {  	[sflag:s0] =	ssyncadd.s32 @!p0 s1  }
0x114: {  	[bflag:$0x3] =	sbarrier.arrive $0xFFFF  }
0x115: {  	_ =	shalt  }

// kernel: kernel.15.cloned.1.call-start
scs
__scs_entry_jumppad:
0x0: {  	(pc) =	sbr.rel $0x88, $3  }
0x1: {  	(tag) =	ssettag $0x0;
	lr =	simm.s32 $0x1  }
0x2: {  	[smem:$0x3F9B] =	sst lr;
	_ =	strace $0xD0000000  }
0x3: {  	_ = 	snop  }
0x4: {  	_ = 	snop  }
0x5: {  	_ = 	snop  }
0x6: {  	_ = 	snop  }
0x7: {  	_ = 	snop  }
__scs_overlays_trampoline_lowered:
0x8: {  	[smem:$0x3FAA] =	sst s0  }
0x9: {  	[smem:$0x3FAB] =	sst s1  }
0xa: {  	[smem:$0x3FAC] =	sst s2  }
0xb: {  	[smem:$0x3FAD] =	sst s3  }
0xc: {  	[smem:$0x3FAE] =	sst s4  }
0xd: {  	[smem:$0x3FAF] =	sst s5  }
0xe: {  	[smem:$0x3FB0] =	sst s6  }
0xf: {  	[smem:$0x3FB1] =	sst s7  }
0x10: {  	[smem:$0x3FB2] =	sst s8  }
0x11: {  	[smem:$0x3FB3] =	sst s9;
	s0 =	simm.s32 @!p0 $0x0  }
0x12: {  	s1 =	sld [smem:$0x3F99];
	s0 =	simm.s32 @p0 $0x1  }
0x13: {  	[smem:$0x3FB4] =	sst s0;
	s0 =	simm.s32 @!p1 $0x0  }
0x14: {  	s2 =	sld [smem:$0x3F98];
	s0 =	simm.s32 @p1 $0x1  }
0x15: {  	[smem:$0x3FB5] =	sst s0;
	s0 =	simm.s32 @!p2 $0x0  }
0x16: {  	s3 =	sld [smem:$0x3FDB];
	s0 =	simm.s32 @p2 $0x1  }
0x17: {  	s4 =	simm.s32 $0x1BF5;
	[smem:$0x3FB7] =	sst s0  }
0x18: {  	s0 =	sld [smem:$0x3F9A];
	_ =	swait.ge [sflag:s4], $0x0  }
0x19: {  	s7 =	sld [smem:$0x3F9B]  }
0x1a: {  	s8 =	sadd.s32 $0xFFFFE003, lr  }
0x1b: {  	s9 =	sadd.s32 $0xFFFFFEF7, lr;
	s5 =	simm.s32 $0xFFFFFFFF;
	p2 =	slt.u32 s8, $0xFFFFF086  }
0x1c: {  	p1 =	slt.u32 s9, $0xF7A;
	s5 =	simm.s32 @!p2 $0x0  }
0x1d: {  	s5 =	simm.s32 @p1 $0x1;
	p0 =	seq.s32 s7, s2  }
0x1e: {  	s7 =	smul.u32 @!p0 $0xF7A, s2;
	p2 =	seq.s32 @!p0 s5, $0x0  }
0x1f: {  	s9 =	smul.u32 $0xF7A, s1;
	s8 =	simm.s32 @!p0 $0x1BF5;
	p2 =	por !p2, p0  }
0x20: {  	[sflag:s8] =	ssyncset.s32 @!p0 $0xFFFFF086;
	s6 =	sadd.s32 @!p0 s3, s7;
	s7 =	simm.s32 @!p0 $0x108  }
0x21: {  	s3 =	sadd.s32 s3, s9;
	s6 =	sadd.s32 @!p0 $0x88, s6;
	s7 =	simm.s32 @p2 $0x1082  }
0x22: {  	[simem:s7], [sflag:s8] =	dma.local @!p0 [hbm:s6], $0xF7A  }
0x23: {  	s9 =	sor.u32 $0xD0000000, s2;
	s6 =	simm.s32 $0x108;
	_ =	swait.ge @!p0 [sflag:s8], $0x0  }
0x24: {  	s3 =	sadd.s32 $0x88, s3;
	s6 =	simm.s32 @!p1 $0x1082;
	[sflag:s4] =	ssyncset.s32 $0xFFFFF086  }
0x25: {  	[simem:s6], [sflag:s4] =	dma.local [hbm:s3], $0xF7A  }
0x26: {  	[smem:$0x3F9B] =	sst s1;
	(tag) =	ssettag s2;
	_ =	strace s9  }
0x27: {  	s1 =	sld [smem:$0x3FAB]  }
0x28: {  	s2 =	sld [smem:$0x3FAC]  }
0x29: {  	s4 =	sld [smem:$0x3FAE]  }
0x2a: {  	p0 =	seq.s32 s5, $0x0;
	s5 =	sld [smem:$0x3FAF]  }
0x2b: {  	s6 =	sld [smem:$0x3FB0]  }
0x2c: {  	s7 =	sld [smem:$0x3FB1]  }
0x2d: {  	s3 =	simm.s32 $0x108;
	s8 =	sld [smem:$0x3FB2]  }
0x2e: {  	s3 =	simm.s32 @!p0 $0x1082;
	s9 =	sld [smem:$0x3FB3]  }
0x2f: {  	lr =	sadd.s32 s0, s3;
	s0 =	sld [smem:$0x3FAA]  }
0x30: {  	s3 =	sld [smem:$0x3FAD]  }
0x31: {  	[smem:$0x3FB6] =	sst s10  }
0x32: {  	s10 =	sld [smem:$0x3FB4];
	_ =	sdelay $0x3  }
0x33: {  	p0 =	seq.s32 s10, $0x1;
	s10 =	sld [smem:$0x3FB6];
	_ =	sdelay $0x3  }
0x34: {  	[smem:$0x3FB6] =	sst s10  }
0x35: {  	s10 =	sld [smem:$0x3FB5];
	_ =	sdelay $0x3  }
0x36: {  	p1 =	seq.s32 s10, $0x1;
	s10 =	sld [smem:$0x3FB6];
	_ =	sdelay $0x3  }
0x37: {  	[smem:$0x3FB6] =	sst s10  }
0x38: {  	s10 =	sld [smem:$0x3FB7]  }
0x39: {  	_ = 	snop;
	(pc) =	sbr.ind lr, $3  }
0x3a: {  	_ = 	snop  }
0x3b: {  	_ = 	snop  }
0x3c: {  	p2 =	seq.s32 s10, $0x1;
	s10 =	sld [smem:$0x3FB6]  }
0x3d: {  	_ =	shalt  }
0x3e: {  	_ =	shalt  }
0x3f: {  	_ =	shalt  }
0x40: {  	_ =	shalt  }
0x41: {  	_ =	shalt  }
0x42: {  	_ =	shalt  }
0x43: {  	_ =	shalt  }
0x44: {  	_ =	shalt  }
0x45: {  	_ =	shalt  }
0x46: {  	_ =	shalt  }
0x47: {  	_ =	shalt  }
0x48: {  	_ =	shalt  }
0x49: {  	_ =	shalt  }
0x4a: {  	_ =	shalt  }
0x4b: {  	_ =	shalt  }
0x4c: {  	_ =	shalt  }
0x4d: {  	_ =	shalt  }
0x4e: {  	_ =	shalt  }
0x4f: {  	_ =	shalt  }
0x50: {  	_ =	shalt  }
0x51: {  	_ =	shalt  }
0x52: {  	_ =	shalt  }
0x53: {  	_ =	shalt  }
0x54: {  	_ =	shalt  }
0x55: {  	_ =	shalt  }
0x56: {  	_ =	shalt  }
0x57: {  	_ =	shalt  }
0x58: {  	_ =	shalt  }
0x59: {  	_ =	shalt  }
0x5a: {  	_ =	shalt  }
0x5b: {  	_ =	shalt  }
0x5c: {  	_ =	shalt  }
0x5d: {  	_ =	shalt  }
0x5e: {  	_ =	shalt  }
0x5f: {  	_ =	shalt  }
0x60: {  	_ =	shalt  }
0x61: {  	_ =	shalt  }
0x62: {  	_ =	shalt  }
0x63: {  	_ =	shalt  }
0x64: {  	_ =	shalt  }
0x65: {  	_ =	shalt  }
0x66: {  	_ =	shalt  }
0x67: {  	_ =	shalt  }
0x68: {  	_ =	shalt  }
0x69: {  	_ =	shalt  }
0x6a: {  	_ =	shalt  }
0x6b: {  	_ =	shalt  }
0x6c: {  	_ =	shalt  }
0x6d: {  	_ =	shalt  }
0x6e: {  	_ =	shalt  }
0x6f: {  	_ =	shalt  }
0x70: {  	_ =	shalt  }
0x71: {  	_ =	shalt  }
0x72: {  	_ =	shalt  }
0x73: {  	_ =	shalt  }
0x74: {  	_ =	shalt  }
0x75: {  	_ =	shalt  }
0x76: {  	_ =	shalt  }
0x77: {  	_ =	shalt  }
0x78: {  	_ =	shalt  }
0x79: {  	_ =	shalt  }
0x7a: {  	_ =	shalt  }
0x7b: {  	_ =	shalt  }
0x7c: {  	_ =	shalt  }
0x7d: {  	_ =	shalt  }
0x7e: {  	_ =	shalt  }
0x7f: {  	_ =	shalt  }
0x80: {  	_ =	shalt  }
0x81: {  	_ =	shalt  }
0x82: {  	_ =	shalt  }
0x83: {  	_ =	shalt  }
0x84: {  	_ =	shalt  }
0x85: {  	_ =	shalt  }
0x86: {  	_ =	shalt  }
0x87: {  	_ =	shalt  }
.Lfunc_end0:
.L_simem_size_0:
called_computation.2_lowered:
.L_overlay_start_0:
0x88: {  	s2 =	sld [smem:$0x3FD9]  }
0x89: {  	s3 =	sld [smem:$0x3FFE];
	_ =	sdelay $0x1  }
0x8a: {  	s1 =	srdreg.scid  }
0x8b: {  	s0 =	sand.u32 $0x1, s1  }
0x8c: {  	s17 =	sshll.u32 s0, $0xA;
	s2 =	sadd.s32 s3, s2  }
0x8d: {  	s2 =	sadd.s32 s2, s17  }
0x8e: {  	[smem:$0x3FC2] =	sst s2  }
0x8f: {  	_ = 	snop  }
0x90: {  	s2 =	sld [smem:$0x3FD0];
	(tm) =	ssettm $0x1  }
0x91: {  	s18 =	sld [smem:$0x3FFB];
	_ =	sdelay $0x3  }
0x92: {  	_ =	strace s18  }
0x93: {  	s3 =	sld [smem:$0x3FFC];
	_ =	sdelay $0x3  }
0x94: {  	_ =	strace s3  }
0x95: {  	s3 =	sld [smem:$0x3FFD];
	_ =	sdelay $0x3  }
0x96: {  	_ =	strace s3  }
0x97: {  	_ =	strace $0x8FFFFFFF  }
0x98: {  	s19 =	sld [smem:$0x3FDB];
	_ =	sdelay $0x1  }
0x99: {  	s4 =	simm.s32 $_scs_section_size  }
0x9a: {  	s5 =	simm.s32 $_size__tile_overlayer_lowered;
	s6 =	simm.s32 $_tile_overlayer_lowered  }
0x9b: {  	s22 =	simm.s32 $0x1BFF;
	s21 =	sshll.u32 s6, $0x1;
	s3 =	sadd.s32 s4, s19  }
0x9c: {  	s7 =	simm.s32 $0x0;
	s20 =	sshll.u32 s5, $0x1;
	s5 =	sadd.s32 s21, s3  }
0x9d: {  	[timem:s7], [sflag:s22] =	dma.local [hbm:s5], s20  }
0x9e: {  	_ =	swait.ge [sflag:s22], s20  }
0x9f: {  	s4 =	ssub.s32 $0x0, s20;
	[sflag:s22] =	ssyncset.done $0x0  }
0xa0: {  	[sflag:s22] =	ssyncadd.s32 s4;
	_ =	sdelay $0x1  }
0xa1: {  	s23 =	simm.s32 $0x1B8B  }
0xa2: {  	_ =	swait.ge [sflag:s23], $0x1  }
0xa3: {  	[sflag:s23] =	ssyncset.done $0x0  }
0xa4: {  	s25 =	simm.s32 $0x1B8E;
	s24 =	sld [smem:$0x3FFE];
	[sflag:s23] =	ssyncadd.s32 $0xFFFFFFFF  }
0xa5: {  	s26 =	simm.s32 $execute0_lowered;
	[smem:$0x3FD2] =	sst s25  }
0xa6: {  	s5 =	sshll.u32 s26, $0x1;
	_ =	strace $0x8000004C;
	[dreg:$0x1] =	wrdreg $0xFFFFFFFF  }
0xa7: {  	s28 =	simm.s32 $_size_execute0_lowered;
	s3 =	sadd.s32 s3, s5;
	[dreg:$0x0] =	wrdreg $0x0  }
0xa8: {  	s5 =	sshll.u32 s28, $0x1;
	[dreg:$0x2] =	wrdreg s3  }
0xa9: {  	[dreg:$0x3] =	wrdreg s5  }
0xaa: {  	[dreg:$0x4] =	wrdreg $0xC0  }
0xab: {  	_ =	task [dreg:s7], $0x5FFFF  }
0xac: {  	[dreg:$0x1] =	wrdreg $0xFFFFFFFF  }
0xad: {  	[dreg:$0x0] =	wrdreg $0x60  }
0xae: {  	[dreg:$0x2] =	wrdreg s2  }
0xaf: {  	[dreg:$0x3] =	wrdreg s24  }
0xb0: {  	[dreg:$0x4] =	wrdreg $0xA8000  }
0xb1: {  	[dreg:$0x5] =	wrdreg $0x9  }
0xb2: {  	_ =	task.clear_ibuf [dreg:s7], $0x6FFFF;
	_ =	strace $0x9000004C  }
0xb3: {  	s29 =	simm.s32 $0x9;
	_ =	strace $0x8000004E  }
0xb4: {  	_ =	swait.ge [sflag:s29], $0x1  }
0xb5: {  	[sflag:s29] =	ssyncadd.s32 $0xFFFFFFFF  }
0xb6: {  	_ =	strace $0x9000004E  }
0xb7: {  	_ =	sfence  }
0xb8: {  	s30 =	sld [smem:$0x0];
	_ =	sdelay $0x2  }
0xb9: {  	s31 =	sshll.u32 s1, $0xD;
	s1 =	sshrl.u32 s1, $0x2  }
0xba: {  	s3 =	sand.u32 $0x4000, s31;
	s1 =	sadd.s32 s1, s30  }
0xbb: {  	s0 =	sor.u32 s3, s0;
	s1 =	sshll.u32 s1, $0x11  }
0xbc: {  	s0 =	sor.u32 s1, s0  }
0xbd: {  	s0 =	sadd.s32 $0x8F2B, s0  }
0xbe: {  	[sflag:s0] =	ssyncadd.remote.s32 $0x1  }
0xbf: {  	_ =	sfence.sel $0xFFFF  }
0xc0: {  	[dreg:$0x0] =	wrdreg $0xFFFFFFFF;
	(pc) =	sbr.abs _section_cstart, $3  }
0xc1: {  	[dreg:$0x1] =	wrdreg $0xFFFFFFFF  }
0xc2: {  	_ =	task.clear_ibuf [dreg:s7], $0x2FFFF;
	_ =	strace $0x9FFFFFFF  }
0xc3: {  	(tm) =	ssettm $0x7FFFFFFF  }
tec
execute0_lowered:
.L_overlay_start_1:
0x0: {  	(tag) =	ssettag $0x1  }
0x1: {  	s1 =	rddreg [dreg:$0x0]  }
0x2: {  	s8 =	rddreg [dreg:$0x1]  }
0x3: {  	s2 =	rddreg [dreg:$0x2]  }
0x4: {  	s3 =	simm.s32 $0x0;
	s6 =	srdreg.scid;
	s4 =	stileid.u32  }
0x5: {  	s19 =	simm.s32 $0x3;
	s20 =	simm.s32 $0x1400;
	s21 =	simm.s32 $0x80  }
0x6: {  	s22 =	simm.s32 $0x2800;
	s23 =	simm.s32 $0x6800;
	s24 =	simm.s32 $0x1  }
0x7: {  	s25 =	simm.s32 $0x2;
	s28 =	simm.s32 $0x2780;
	[smem:$0x7FF] =	sst s3  }
0x8: {  	s5 =	sadd.s32 $0xD600, s8;
	s12 =	sadd.s32 $0x3600, s8;
	s11 =	smul.u32 $0x50000, s4  }
0x9: {  	s9 =	sand.u32 $0x1, s6;
	s13 =	sadd.s32 $0x8600, s8;
	s7 =	smul.u32 $0x2800, s4  }
0xa: {  	s6 =	sadd.s32 $0x35600, s8;
	s8 =	sadd.s32 $0x85600, s8;
	s29 =	smul.u32 $0x500, s4  }
0xb: {  	s15 =	sshll.u32 s4, $0x6;
	_ =	strace $0x8000004D;
	s10 =	ssub.s32 $0x2, s9  }
0xc: {  	p0 =	seq.s32 s9, $0x1;
	s17 =	sor.u32 $0x1C03, s15;
	s14 =	sshrl.u32 s10, $0x1  }
.Ltmp0:
0xd: {  	s26 =	sshrl.u32 s11, $0x2;
	s30 =	sshrl.u32 s7, $0x3;
	(pc) =	sbr.rel .LBB2_1-.Ltmp0, $4  }
0xe: {  	s9 =	sadd.s32 s1, s7;
	s11 =	sadd.s32 s13, s29;
	s16 =	ssub.s32 s10, s14  }
0xf: {  	s18 =	sadd.s32 s26, s2;
	s31 =	sadd.s32 $0x280, s30;
	s10 =	sadd.s32 s12, s29  }
0x10: {  	s14 =	sadd.s32 s5, s7;
	s26 =	simm.s32 $0x2700;
	s12 =	sadd.s32 s12, s31  }
0x11: {  	s13 =	sadd.s32 s13, s31;
	s16 =	smax.u32 s16, $0x1;
	s18 =	sshrl.u32 s18, $0x3  }
.LBB2_11:
0x12: {  	[tilespmem:s23], [sflag:$0x2] =	stream.indirect.gather [hbm4b:s5+s21], $0x80, s30, s21, $0xb8;
	[tilespmem:$0x1E800] =	vst v63  }
0x13: {  	s30 =	smov.u32 s8;
	s29 =	smov.u32 s17  }
.LBB2_12:
0x14: {  	_ =	swait.ge [sflag:s24], $0x4000  }
0x15: {  	[sflag:s24] =	ssyncset.done $0x0  }
0x16: {  	[sflag:s24] =	ssyncadd.s32 $0xFFFFC000  }
0x17: {  	[spmem:s2] =	stream.indirect.scatter.add.f32 [tilespmem:s22], [sflag:$0x3], $0x80, s26, s21, $0xb8;
	[tilespmem:$0x1E800] =	vst v63  }
0x18: {  	_ =	swait.ge [sflag:s19], $0x4000  }
0x19: {  	[sflag:s19] =	ssyncset.done $0x0  }
0x1a: {  	[sflag:s19] =	ssyncadd.s32 $0xFFFFC000  }
0x1b: {  	_ =	swait.ge [sflag:s25], $0x4000  }
0x1c: {  	[sflag:s25] =	ssyncset.done $0x0  }
0x1d: {  	[sflag:s25] =	ssyncadd.s32 $0xFFFFC000  }
0x1e: {  	[spmem:s2] =	stream.indirect.scatter.add.f32 [tilespmem:s23], [sflag:$0x3], $0x80, s28, s21, $0xb8;
	[tilespmem:$0x1E800] =	vst v63  }
0x1f: {  	_ =	swait.ge [sflag:s19], $0x4000  }
0x20: {  	s3 =	sadd.s32 $0x1, s3;
	[sflag:s19] =	ssyncset.done $0x0  }
0x21: {  	p1 =	sne.s32 s3, s16;
	[sflag:s19] =	ssyncadd.s32 $0xFFFFC000  }
.Ltmp1:
0x22: {  	s0 =	sadd.s32 s30, s7;
	[bflag:$0x0] =	sbarrier.arrive $0xFFFF;
	(pc) =	sbr.rel @!p1 .LBB2_13-.Ltmp1, $4  }
0x23: {  	[hbm:s0], [sflag:s29] =	dma.local [spmem:s18], $0x2800  }
0x24: {  	_ =	swait.ge [sflag:s19], $0x2800  }
0x25: {  	[sflag:s19] =	ssyncset.done $0x0  }
0x26: {  	[sflag:s19] =	ssyncadd.s32 $0xFFFFD800  }
.LBB2_1:
.Ltmp2:
0x27: {  	(pc) =	sbr.rel @!p0 .LBB2_2-.Ltmp2, $1  }
0x28: {  	_ =	sdelay $0x3  }
0x29: {  	[spmem:s18], [sflag:s17] =	dma.local [hbm:s14], $0x2800  }
0x2a: {  	_ =	swait.ge [sflag:s19], $0x2800  }
0x2b: {  	[sflag:s19] =	ssyncset.done $0x0  }
0x2c: {  	[sflag:s19] =	ssyncadd.s32 $0xFFFFD800  }
0x2d: {  	s0 =	simm.s32 $0x0;
	[bflag:$0x0] =	sbarrier.arrive $0xFFFF  }
0x2e: {  	[tilespmem:s0], [sflag:$0x3] =	stream.linear.gather [hbm4b:s10+s0], $0x1400, $0x38;
	[tilespmem:$0x1E800] =	vst v63  }
0x2f: {  	_ =	swait.ge [sflag:s19], $0x1400  }
0x30: {  	[sflag:s19] =	ssyncset.done $0x0  }
0x31: {  	[sflag:s19] =	ssyncadd.s32 $0xFFFFEC00  }
0x32: {  	[tilespmem:s20], [sflag:$0x3] =	stream.linear.gather [hbm4b:s11+s0], $0x1400, $0x38;
	[tilespmem:$0x1E800] =	vst v63  }
0x33: {  	_ =	swait.ge [sflag:s19], $0x1400  }
0x34: {  	[sflag:s19] =	ssyncset.done $0x0  }
0x35: {  	[sflag:s19] =	ssyncadd.s32 $0xFFFFEC00  }
0x36: {  	[tilespmem:s22], [sflag:$0x1] =	stream.indirect.gather [hbm4b:s5+s21], $0x80, s0, s21, $0xb8;
	[tilespmem:$0x1E800] =	vst v63  }
0x37: {  	_ = 	snop  }
0x38: {  	[tilespmem:s23], [sflag:$0x2] =	stream.indirect.gather [hbm4b:s5+s21], $0x80, s21, s21, $0xb8;
	[tilespmem:$0x1E800] =	vst v63  }
0x39: {  	_ =	swait.ge [sflag:s24], $0x4000  }
0x3a: {  	[sflag:s24] =	ssyncset.done $0x0  }
0x3b: {  	s31 =	simm.s32 $0x1400;
	[sflag:s24] =	ssyncadd.s32 $0xFFFFC000  }
0x3c: {  	[spmem:s2] =	stream.indirect.scatter.add.f32 [tilespmem:s22], [sflag:$0x3], $0x80, s31, s21, $0xb8;
	[tilespmem:$0x1E800] =	vst v63  }
0x3d: {  	_ =	swait.ge [sflag:s19], $0x4000  }
0x3e: {  	[sflag:s19] =	ssyncset.done $0x0  }
0x3f: {  	s31 =	simm.s32 $0x100;
	[sflag:s19] =	ssyncadd.s32 $0xFFFFC000  }
0x40: {  	[tilespmem:s22], [sflag:$0x1] =	stream.indirect.gather [hbm4b:s5+s21], $0x80, s31, s21, $0xb8;
	[tilespmem:$0x1E800] =	vst v63  }
0x41: {  	_ =	swait.ge [sflag:s25], $0x4000  }
0x42: {  	[sflag:s25] =	ssyncset.done $0x0  }
0x43: {  	s31 =	simm.s32 $0x1480;
	[sflag:s25] =	ssyncadd.s32 $0xFFFFC000  }
0x44: {  	[spmem:s2] =	stream.indirect.scatter.add.f32 [tilespmem:s23], [sflag:$0x3], $0x80, s31, s21, $0xb8;
	[tilespmem:$0x1E800] =	vst v63  }
0x45: {  	_ =	swait.ge [sflag:s19], $0x4000  }
0x46: {  	[sflag:s19] =	ssyncset.done $0x0  }
0x47: {  	s29 =	simm.s32 $0x400;
	s30 =	simm.s32 $0x180;
	[sflag:s19] =	ssyncadd.s32 $0xFFFFC000  }
.LBB2_8:
0x48: {  	[tilespmem:s23], [sflag:$0x2] =	stream.indirect.gather [hbm4b:s5+s21], $0x80, s30, s21, $0xb8;
	[tilespmem:$0x1E800] =	vst v63  }
0x49: {  	s0 =	smov.u32 s29  }
0x4a: {  	p1 =	sne.s32 s29, $0x4800;
	s29 =	sadd.s32 $0x400, s29;
	_ =	swait.ge [sflag:s24], $0x4000  }
0x4b: {  	s0 =	sshra.s32 s0, $0x2;
	[sflag:s24] =	ssyncset.done $0x0  }
0x4c: {  	s30 =	sadd.s32 $0x1400, s0;
	[sflag:s24] =	ssyncadd.s32 $0xFFFFC000  }
0x4d: {  	[spmem:s2] =	stream.indirect.scatter.add.f32 [tilespmem:s22], [sflag:$0x3], $0x80, s30, s21, $0xb8;
	[tilespmem:$0x1E800] =	vst v63  }
0x4e: {  	_ =	swait.ge [sflag:s19], $0x4000  }
0x4f: {  	[sflag:s19] =	ssyncset.done $0x0  }
0x50: {  	s30 =	sadd.s32 $0x100, s0;
	[sflag:s19] =	ssyncadd.s32 $0xFFFFC000  }
0x51: {  	[tilespmem:s22], [sflag:$0x1] =	stream.indirect.gather [hbm4b:s5+s21], $0x80, s30, s21, $0xb8;
	[tilespmem:$0x1E800] =	vst v63  }
0x52: {  	_ =	swait.ge [sflag:s25], $0x4000  }
0x53: {  	[sflag:s25] =	ssyncset.done $0x0  }
.Ltmp3:
0x54: {  	s30 =	sadd.s32 $0x1480, s0;
	[sflag:s25] =	ssyncadd.s32 $0xFFFFC000;
	(pc) =	sbr.rel @p1 .LBB2_8-.Ltmp3, $4  }
0x55: {  	[spmem:s2] =	stream.indirect.scatter.add.f32 [tilespmem:s23], [sflag:$0x3], $0x80, s30, s21, $0xb8;
	[tilespmem:$0x1E800] =	vst v63  }
0x56: {  	_ =	swait.ge [sflag:s19], $0x4000  }
0x57: {  	[sflag:s19] =	ssyncset.done $0x0  }
0x58: {  	s30 =	sadd.s32 $0x180, s0;
	[sflag:s19] =	ssyncadd.s32 $0xFFFFC000  }
0x59: {  	[tilespmem:s23], [sflag:$0x2] =	stream.indirect.gather [hbm4b:s5+s21], $0x80, s30, s21, $0xb8;
	[tilespmem:$0x1E800] =	vst v63  }
0x5a: {  	_ =	swait.ge [sflag:s24], $0x4000  }
0x5b: {  	[sflag:s24] =	ssyncset.done $0x0  }
0x5c: {  	[sflag:s24] =	ssyncadd.s32 $0xFFFFC000  }
0x5d: {  	[spmem:s2] =	stream.indirect.scatter.add.f32 [tilespmem:s22], [sflag:$0x3], $0x80, s26, s21, $0xb8;
	[tilespmem:$0x1E800] =	vst v63  }
0x5e: {  	_ =	swait.ge [sflag:s19], $0x4000  }
0x5f: {  	[sflag:s19] =	ssyncset.done $0x0  }
0x60: {  	[sflag:s19] =	ssyncadd.s32 $0xFFFFC000  }
0x61: {  	_ =	swait.ge [sflag:s25], $0x4000  }
0x62: {  	[sflag:s25] =	ssyncset.done $0x0  }
0x63: {  	[sflag:s25] =	ssyncadd.s32 $0xFFFFC000  }
0x64: {  	[spmem:s2] =	stream.indirect.scatter.add.f32 [tilespmem:s23], [sflag:$0x3], $0x80, s28, s21, $0xb8;
	[tilespmem:$0x1E800] =	vst v63  }
0x65: {  	_ =	swait.ge [sflag:s19], $0x4000  }
0x66: {  	[sflag:s19] =	ssyncset.done $0x0  }
0x67: {  	s0 =	simm.s32 $0x0;
	[sflag:s19] =	ssyncadd.s32 $0xFFFFC000  }
0x68: {  	[tilespmem:s0], [sflag:$0x3] =	stream.linear.gather [hbm4b:s12+s0], $0x1400, $0x38;
	[tilespmem:$0x1E800] =	vst v63  }
0x69: {  	_ =	swait.ge [sflag:s19], $0x1400  }
0x6a: {  	[sflag:s19] =	ssyncset.done $0x0  }
0x6b: {  	[sflag:s19] =	ssyncadd.s32 $0xFFFFEC00  }
0x6c: {  	[tilespmem:s20], [sflag:$0x3] =	stream.linear.gather [hbm4b:s13+s0], $0x1400, $0x38;
	[tilespmem:$0x1E800] =	vst v63  }
0x6d: {  	_ =	swait.ge [sflag:s19], $0x1400  }
0x6e: {  	[sflag:s19] =	ssyncset.done $0x0  }
0x6f: {  	[sflag:s19] =	ssyncadd.s32 $0xFFFFEC00  }
0x70: {  	[tilespmem:s22], [sflag:$0x1] =	stream.indirect.gather [hbm4b:s5+s21], $0x80, s0, s21, $0xb8;
	[tilespmem:$0x1E800] =	vst v63  }
0x71: {  	_ = 	snop  }
0x72: {  	[tilespmem:s23], [sflag:$0x2] =	stream.indirect.gather [hbm4b:s5+s21], $0x80, s21, s21, $0xb8;
	[tilespmem:$0x1E800] =	vst v63  }
0x73: {  	_ =	swait.ge [sflag:s24], $0x4000  }
0x74: {  	[sflag:s24] =	ssyncset.done $0x0  }
0x75: {  	s31 =	simm.s32 $0x1400;
	[sflag:s24] =	ssyncadd.s32 $0xFFFFC000  }
0x76: {  	[spmem:s2] =	stream.indirect.scatter.add.f32 [tilespmem:s22], [sflag:$0x3], $0x80, s31, s21, $0xb8;
	[tilespmem:$0x1E800] =	vst v63  }
0x77: {  	_ =	swait.ge [sflag:s19], $0x4000  }
0x78: {  	[sflag:s19] =	ssyncset.done $0x0  }
0x79: {  	s31 =	simm.s32 $0x100;
	[sflag:s19] =	ssyncadd.s32 $0xFFFFC000  }
0x7a: {  	[tilespmem:s22], [sflag:$0x1] =	stream.indirect.gather [hbm4b:s5+s21], $0x80, s31, s21, $0xb8;
	[tilespmem:$0x1E800] =	vst v63  }
0x7b: {  	_ =	swait.ge [sflag:s25], $0x4000  }
0x7c: {  	[sflag:s25] =	ssyncset.done $0x0  }
0x7d: {  	s31 =	simm.s32 $0x1480;
	[sflag:s25] =	ssyncadd.s32 $0xFFFFC000  }
0x7e: {  	[spmem:s2] =	stream.indirect.scatter.add.f32 [tilespmem:s23], [sflag:$0x3], $0x80, s31, s21, $0xb8;
	[tilespmem:$0x1E800] =	vst v63  }
0x7f: {  	_ =	swait.ge [sflag:s19], $0x4000  }
0x80: {  	[sflag:s19] =	ssyncset.done $0x0  }
0x81: {  	s29 =	simm.s32 $0x400;
	s30 =	simm.s32 $0x180;
	[sflag:s19] =	ssyncadd.s32 $0xFFFFC000  }
.LBB2_10:
0x82: {  	[tilespmem:s23], [sflag:$0x2] =	stream.indirect.gather [hbm4b:s5+s21], $0x80, s30, s21, $0xb8;
	[tilespmem:$0x1E800] =	vst v63  }
0x83: {  	s0 =	smov.u32 s29  }
0x84: {  	p1 =	sne.s32 s29, $0x4800;
	s29 =	sadd.s32 $0x400, s29;
	_ =	swait.ge [sflag:s24], $0x4000  }
0x85: {  	s0 =	sshra.s32 s0, $0x2;
	[sflag:s24] =	ssyncset.done $0x0  }
0x86: {  	s30 =	sadd.s32 $0x1400, s0;
	[sflag:s24] =	ssyncadd.s32 $0xFFFFC000  }
0x87: {  	[spmem:s2] =	stream.indirect.scatter.add.f32 [tilespmem:s22], [sflag:$0x3], $0x80, s30, s21, $0xb8;
	[tilespmem:$0x1E800] =	vst v63  }
0x88: {  	_ =	swait.ge [sflag:s19], $0x4000  }
0x89: {  	[sflag:s19] =	ssyncset.done $0x0  }
0x8a: {  	s30 =	sadd.s32 $0x100, s0;
	[sflag:s19] =	ssyncadd.s32 $0xFFFFC000  }
0x8b: {  	[tilespmem:s22], [sflag:$0x1] =	stream.indirect.gather [hbm4b:s5+s21], $0x80, s30, s21, $0xb8;
	[tilespmem:$0x1E800] =	vst v63  }
0x8c: {  	_ =	swait.ge [sflag:s25], $0x4000  }
0x8d: {  	[sflag:s25] =	ssyncset.done $0x0  }
.Ltmp4:
0x8e: {  	s30 =	sadd.s32 $0x1480, s0;
	[sflag:s25] =	ssyncadd.s32 $0xFFFFC000;
	(pc) =	sbr.rel @p1 .LBB2_10-.Ltmp4, $4  }
0x8f: {  	[spmem:s2] =	stream.indirect.scatter.add.f32 [tilespmem:s23], [sflag:$0x3], $0x80, s30, s21, $0xb8;
	[tilespmem:$0x1E800] =	vst v63  }
0x90: {  	_ =	swait.ge [sflag:s19], $0x4000  }
0x91: {  	[sflag:s19] =	ssyncset.done $0x0  }
0x92: {  	s30 =	sadd.s32 $0x180, s0;
	[sflag:s19] =	ssyncadd.s32 $0xFFFFC000  }
.Ltmp5:
0x93: {  	_ = 	snop;
	(pc) =	sbr.rel .LBB2_11-.Ltmp5, $1  }
0x94: {  	_ =	sdelay $0x3  }
.LBB2_2:
0x95: {  	s29 =	sor.u32 $0x1C03, s15  }
0x96: {  	[spmem:s18], [sflag:s29] =	dma.local [hbm:s9], $0x2800  }
0x97: {  	_ =	swait.ge [sflag:s19], $0x2800  }
0x98: {  	[sflag:s19] =	ssyncset.done $0x0  }
0x99: {  	[sflag:s19] =	ssyncadd.s32 $0xFFFFD800  }
0x9a: {  	s30 =	simm.s32 $0x0;
	[bflag:$0x0] =	sbarrier.arrive $0xFFFF  }
0x9b: {  	[tilespmem:s30], [sflag:$0x3] =	stream.linear.gather [hbm4b:s10+s30], $0x1400, $0x38;
	[tilespmem:$0x1E800] =	vst v63  }
0x9c: {  	_ =	swait.ge [sflag:s19], $0x1400  }
0x9d: {  	[sflag:s19] =	ssyncset.done $0x0  }
0x9e: {  	[sflag:s19] =	ssyncadd.s32 $0xFFFFEC00  }
0x9f: {  	[tilespmem:s20], [sflag:$0x3] =	stream.linear.gather [hbm4b:s11+s30], $0x1400, $0x38;
	[tilespmem:$0x1E800] =	vst v63  }
0xa0: {  	_ =	swait.ge [sflag:s19], $0x1400  }
0xa1: {  	[sflag:s19] =	ssyncset.done $0x0  }
0xa2: {  	[sflag:s19] =	ssyncadd.s32 $0xFFFFEC00  }
0xa3: {  	[tilespmem:s22], [sflag:$0x1] =	stream.indirect.gather [hbm4b:s1+s21], $0x80, s30, s21, $0xb8;
	[tilespmem:$0x1E800] =	vst v63  }
0xa4: {  	_ = 	snop  }
0xa5: {  	[tilespmem:s23], [sflag:$0x2] =	stream.indirect.gather [hbm4b:s1+s21], $0x80, s21, s21, $0xb8;
	[tilespmem:$0x1E800] =	vst v63  }
0xa6: {  	_ =	swait.ge [sflag:s24], $0x4000  }
0xa7: {  	[sflag:s24] =	ssyncset.done $0x0  }
0xa8: {  	s30 =	simm.s32 $0x1400;
	[sflag:s24] =	ssyncadd.s32 $0xFFFFC000  }
0xa9: {  	[spmem:s2] =	stream.indirect.scatter.add.f32 [tilespmem:s22], [sflag:$0x3], $0x80, s30, s21, $0xb8;
	[tilespmem:$0x1E800] =	vst v63  }
0xaa: {  	_ =	swait.ge [sflag:s19], $0x4000  }
0xab: {  	[sflag:s19] =	ssyncset.done $0x0  }
0xac: {  	s30 =	simm.s32 $0x100;
	[sflag:s19] =	ssyncadd.s32 $0xFFFFC000  }
0xad: {  	[tilespmem:s22], [sflag:$0x1] =	stream.indirect.gather [hbm4b:s1+s21], $0x80, s30, s21, $0xb8;
	[tilespmem:$0x1E800] =	vst v63  }
0xae: {  	_ =	swait.ge [sflag:s25], $0x4000  }
0xaf: {  	[sflag:s25] =	ssyncset.done $0x0  }
0xb0: {  	s30 =	simm.s32 $0x1480;
	[sflag:s25] =	ssyncadd.s32 $0xFFFFC000  }
0xb1: {  	[spmem:s2] =	stream.indirect.scatter.add.f32 [tilespmem:s23], [sflag:$0x3], $0x80, s30, s21, $0xb8;
	[tilespmem:$0x1E800] =	vst v63  }
0xb2: {  	_ =	swait.ge [sflag:s19], $0x4000  }
0xb3: {  	[sflag:s19] =	ssyncset.done $0x0  }
0xb4: {  	s31 =	simm.s32 $0x180;
	s30 =	simm.s32 $0x400;
	[sflag:s19] =	ssyncadd.s32 $0xFFFFC000  }
.LBB2_3:
0xb5: {  	[tilespmem:s23], [sflag:$0x2] =	stream.indirect.gather [hbm4b:s1+s21], $0x80, s31, s21, $0xb8;
	[tilespmem:$0x1E800] =	vst v63  }
0xb6: {  	s31 =	smov.u32 s30  }
0xb7: {  	p1 =	sne.s32 s30, $0x4800;
	s30 =	sadd.s32 $0x400, s30;
	_ =	swait.ge [sflag:s24], $0x4000  }
0xb8: {  	s31 =	sshra.s32 s31, $0x2;
	[sflag:s24] =	ssyncset.done $0x0  }
0xb9: {  	s0 =	sadd.s32 $0x1400, s31;
	[sflag:s24] =	ssyncadd.s32 $0xFFFFC000  }
0xba: {  	[spmem:s2] =	stream.indirect.scatter.add.f32 [tilespmem:s22], [sflag:$0x3], $0x80, s0, s21, $0xb8;
	[tilespmem:$0x1E800] =	vst v63  }
0xbb: {  	_ =	swait.ge [sflag:s19], $0x4000  }
0xbc: {  	[sflag:s19] =	ssyncset.done $0x0  }
0xbd: {  	s0 =	sadd.s32 $0x100, s31;
	[sflag:s19] =	ssyncadd.s32 $0xFFFFC000  }
0xbe: {  	[tilespmem:s22], [sflag:$0x1] =	stream.indirect.gather [hbm4b:s1+s21], $0x80, s0, s21, $0xb8;
	[tilespmem:$0x1E800] =	vst v63  }
0xbf: {  	_ =	swait.ge [sflag:s25], $0x4000  }
0xc0: {  	[sflag:s25] =	ssyncset.done $0x0  }
.Ltmp6:
0xc1: {  	s0 =	sadd.s32 $0x1480, s31;
	[sflag:s25] =	ssyncadd.s32 $0xFFFFC000;
	(pc) =	sbr.rel @p1 .LBB2_3-.Ltmp6, $4  }
0xc2: {  	[spmem:s2] =	stream.indirect.scatter.add.f32 [tilespmem:s23], [sflag:$0x3], $0x80, s0, s21, $0xb8;
	[tilespmem:$0x1E800] =	vst v63  }
0xc3: {  	_ =	swait.ge [sflag:s19], $0x4000  }
0xc4: {  	[sflag:s19] =	ssyncset.done $0x0  }
0xc5: {  	s31 =	sadd.s32 $0x180, s31;
	[sflag:s19] =	ssyncadd.s32 $0xFFFFC000  }
0xc6: {  	[tilespmem:s23], [sflag:$0x2] =	stream.indirect.gather [hbm4b:s1+s21], $0x80, s31, s21, $0xb8;
	[tilespmem:$0x1E800] =	vst v63  }
0xc7: {  	_ =	swait.ge [sflag:s24], $0x4000  }
0xc8: {  	[sflag:s24] =	ssyncset.done $0x0  }
0xc9: {  	[sflag:s24] =	ssyncadd.s32 $0xFFFFC000  }
0xca: {  	[spmem:s2] =	stream.indirect.scatter.add.f32 [tilespmem:s22], [sflag:$0x3], $0x80, s26, s21, $0xb8;
	[tilespmem:$0x1E800] =	vst v63  }
0xcb: {  	_ =	swait.ge [sflag:s19], $0x4000  }
0xcc: {  	[sflag:s19] =	ssyncset.done $0x0  }
0xcd: {  	[sflag:s19] =	ssyncadd.s32 $0xFFFFC000  }
0xce: {  	_ =	swait.ge [sflag:s25], $0x4000  }
0xcf: {  	[sflag:s25] =	ssyncset.done $0x0  }
0xd0: {  	[sflag:s25] =	ssyncadd.s32 $0xFFFFC000  }
0xd1: {  	[spmem:s2] =	stream.indirect.scatter.add.f32 [tilespmem:s23], [sflag:$0x3], $0x80, s28, s21, $0xb8;
	[tilespmem:$0x1E800] =	vst v63  }
0xd2: {  	_ =	swait.ge [sflag:s19], $0x4000  }
0xd3: {  	[sflag:s19] =	ssyncset.done $0x0  }
0xd4: {  	s0 =	simm.s32 $0x0;
	[sflag:s19] =	ssyncadd.s32 $0xFFFFC000  }
0xd5: {  	[tilespmem:s0], [sflag:$0x3] =	stream.linear.gather [hbm4b:s12+s0], $0x1400, $0x38;
	[tilespmem:$0x1E800] =	vst v63  }
0xd6: {  	_ =	swait.ge [sflag:s19], $0x1400  }
0xd7: {  	[sflag:s19] =	ssyncset.done $0x0  }
0xd8: {  	[sflag:s19] =	ssyncadd.s32 $0xFFFFEC00  }
0xd9: {  	[tilespmem:s20], [sflag:$0x3] =	stream.linear.gather [hbm4b:s13+s0], $0x1400, $0x38;
	[tilespmem:$0x1E800] =	vst v63  }
0xda: {  	_ =	swait.ge [sflag:s19], $0x1400  }
0xdb: {  	[sflag:s19] =	ssyncset.done $0x0  }
0xdc: {  	[sflag:s19] =	ssyncadd.s32 $0xFFFFEC00  }
0xdd: {  	[tilespmem:s22], [sflag:$0x1] =	stream.indirect.gather [hbm4b:s1+s21], $0x80, s0, s21, $0xb8;
	[tilespmem:$0x1E800] =	vst v63  }
0xde: {  	_ = 	snop  }
0xdf: {  	[tilespmem:s23], [sflag:$0x2] =	stream.indirect.gather [hbm4b:s1+s21], $0x80, s21, s21, $0xb8;
	[tilespmem:$0x1E800] =	vst v63  }
0xe0: {  	_ =	swait.ge [sflag:s24], $0x4000  }
0xe1: {  	[sflag:s24] =	ssyncset.done $0x0  }
0xe2: {  	s0 =	simm.s32 $0x1400;
	[sflag:s24] =	ssyncadd.s32 $0xFFFFC000  }
0xe3: {  	[spmem:s2] =	stream.indirect.scatter.add.f32 [tilespmem:s22], [sflag:$0x3], $0x80, s0, s21, $0xb8;
	[tilespmem:$0x1E800] =	vst v63  }
0xe4: {  	_ =	swait.ge [sflag:s19], $0x4000  }
0xe5: {  	[sflag:s19] =	ssyncset.done $0x0  }
0xe6: {  	s0 =	simm.s32 $0x100;
	[sflag:s19] =	ssyncadd.s32 $0xFFFFC000  }
0xe7: {  	[tilespmem:s22], [sflag:$0x1] =	stream.indirect.gather [hbm4b:s1+s21], $0x80, s0, s21, $0xb8;
	[tilespmem:$0x1E800] =	vst v63  }
0xe8: {  	_ =	swait.ge [sflag:s25], $0x4000  }
0xe9: {  	[sflag:s25] =	ssyncset.done $0x0  }
0xea: {  	s0 =	simm.s32 $0x1480;
	[sflag:s25] =	ssyncadd.s32 $0xFFFFC000  }
0xeb: {  	[spmem:s2] =	stream.indirect.scatter.add.f32 [tilespmem:s23], [sflag:$0x3], $0x80, s0, s21, $0xb8;
	[tilespmem:$0x1E800] =	vst v63  }
0xec: {  	_ =	swait.ge [sflag:s19], $0x4000  }
0xed: {  	[sflag:s19] =	ssyncset.done $0x0  }
0xee: {  	s30 =	simm.s32 $0x400;
	s31 =	simm.s32 $0x180;
	[sflag:s19] =	ssyncadd.s32 $0xFFFFC000  }
.LBB2_5:
0xef: {  	[tilespmem:s23], [sflag:$0x2] =	stream.indirect.gather [hbm4b:s1+s21], $0x80, s31, s21, $0xb8;
	[tilespmem:$0x1E800] =	vst v63  }
0xf0: {  	s0 =	smov.u32 s30  }
0xf1: {  	p1 =	seq.s32 s30, $0x4800;
	s30 =	sadd.s32 $0x400, s30;
	_ =	swait.ge [sflag:s24], $0x4000  }
0xf2: {  	s0 =	sshra.s32 s0, $0x2;
	[sflag:s24] =	ssyncset.done $0x0  }
0xf3: {  	s31 =	sadd.s32 $0x1400, s0;
	[sflag:s24] =	ssyncadd.s32 $0xFFFFC000  }
0xf4: {  	[spmem:s2] =	stream.indirect.scatter.add.f32 [tilespmem:s22], [sflag:$0x3], $0x80, s31, s21, $0xb8;
	[tilespmem:$0x1E800] =	vst v63  }
0xf5: {  	_ =	swait.ge [sflag:s19], $0x4000  }
0xf6: {  	[sflag:s19] =	ssyncset.done $0x0  }
0xf7: {  	s31 =	sadd.s32 $0x100, s0;
	[sflag:s19] =	ssyncadd.s32 $0xFFFFC000  }
0xf8: {  	[tilespmem:s22], [sflag:$0x1] =	stream.indirect.gather [hbm4b:s1+s21], $0x80, s31, s21, $0xb8;
	[tilespmem:$0x1E800] =	vst v63  }
0xf9: {  	_ =	swait.ge [sflag:s25], $0x4000  }
0xfa: {  	[sflag:s25] =	ssyncset.done $0x0  }
.Ltmp7:
0xfb: {  	s31 =	sadd.s32 $0x1480, s0;
	[sflag:s25] =	ssyncadd.s32 $0xFFFFC000;
	(pc) =	sbr.rel @!p1 .LBB2_5-.Ltmp7, $4  }
0xfc: {  	[spmem:s2] =	stream.indirect.scatter.add.f32 [tilespmem:s23], [sflag:$0x3], $0x80, s31, s21, $0xb8;
	[tilespmem:$0x1E800] =	vst v63  }
0xfd: {  	_ =	swait.ge [sflag:s19], $0x4000  }
0xfe: {  	[sflag:s19] =	ssyncset.done $0x0  }
0xff: {  	s31 =	sadd.s32 $0x180, s0;
	[sflag:s19] =	ssyncadd.s32 $0xFFFFC000  }
.Ltmp8:
0x100: {  	(pc) =	sbr.rel .LBB2_12-.Ltmp8, $3  }
0x101: {  	_ =	sdelay $0x1  }
0x102: {  	[tilespmem:s23], [sflag:$0x2] =	stream.indirect.gather [hbm4b:s1+s21], $0x80, s31, s21, $0xb8;
	[tilespmem:$0x1E800] =	vst v63  }
0x103: {  	s30 =	smov.u32 s6  }
.LBB2_13:
0x104: {  	_ =	sfence.sel $0x180000  }
0x105: {  	[bflag:$0x0] =	sbarrier.arrive $0xFFFF  }
0x106: {  	_ =	strace $0x9000004D  }
0x107: {  	[bflag:$0x2] =	sbarrier.arrive $0xFFFF  }
0x108: {  	p0 =	sne.s32 s4, $0x0;
	s0 =	rddreg [dreg:$0x3]  }
0x109: {  	s0 =	sadd.s32 @!p0 $0x100000, s0  }
0x10a: {  	[sflag:s0] =	ssyncadd.tile.s32 @!p0 $0x1;
	_ =	shalt  }
.Lfunc_end2:
_tile_overlayer_lowered:
.L_overlay_start_2:
0x10b: {  	(tag) =	ssettag $0x2  }
0x10c: {  	s0 =	rddreg [dreg:$0x0];
	s2 =	stileid.u32  }
0x10d: {  	s1 =	rddreg [dreg:$0x1];
	p0 =	sne.s32 s2, $0x0  }
0x10e: {  	s3 =	rddreg [dreg:$0x2];
	[bflag:$0x3] =	sbarrier.arrive $0xFFFF;
	s2 =	simm.s32 @!p0 $0x1C03  }
0x10f: {  	[timem:s3], [sflag:s2] =	dma.local @!p0 [hbm:s0], s1  }
0x110: {  	s0 =	simm.s32 @!p0 $0x3  }
0x111: {  	_ =	swait.ge @!p0 [sflag:s0], s1  }
0x112: {  	s1 =	ssub.s32 @!p0 $0x0, s1;
	[sflag:s0] =	ssyncset.done @!p0 $0x0  }
0x113: {  	[sflag:s0] =	ssyncadd.s32 @!p0 s1  }
0x114: {  	[bflag:$0x3] =	sbarrier.arrive $0xFFFF  }
0x115: {  	_ =	shalt  }

// kernel: kernel.9.cloned.1.call-start
scs
__scs_entry_jumppad:
0x0: {  	(pc) =	sbr.rel $0x88, $3  }
0x1: {  	(tag) =	ssettag $0x0;
	lr =	simm.s32 $0x1  }
0x2: {  	[smem:$0x3F9B] =	sst lr;
	_ =	strace $0xD0000000  }
0x3: {  	_ = 	snop  }
0x4: {  	_ = 	snop  }
0x5: {  	_ = 	snop  }
0x6: {  	_ = 	snop  }
0x7: {  	_ = 	snop  }
__scs_overlays_trampoline_lowered:
0x8: {  	[smem:$0x3FAA] =	sst s0  }
0x9: {  	[smem:$0x3FAB] =	sst s1  }
0xa: {  	[smem:$0x3FAC] =	sst s2  }
0xb: {  	[smem:$0x3FAD] =	sst s3  }
0xc: {  	[smem:$0x3FAE] =	sst s4  }
0xd: {  	[smem:$0x3FAF] =	sst s5  }
0xe: {  	[smem:$0x3FB0] =	sst s6  }
0xf: {  	[smem:$0x3FB1] =	sst s7  }
0x10: {  	[smem:$0x3FB2] =	sst s8  }
0x11: {  	[smem:$0x3FB3] =	sst s9;
	s0 =	simm.s32 @!p0 $0x0  }
0x12: {  	s1 =	sld [smem:$0x3F99];
	s0 =	simm.s32 @p0 $0x1  }
0x13: {  	[smem:$0x3FB4] =	sst s0;
	s0 =	simm.s32 @!p1 $0x0  }
0x14: {  	s2 =	sld [smem:$0x3F98];
	s0 =	simm.s32 @p1 $0x1  }
0x15: {  	[smem:$0x3FB5] =	sst s0;
	s0 =	simm.s32 @!p2 $0x0  }
0x16: {  	s3 =	sld [smem:$0x3FDB];
	s0 =	simm.s32 @p2 $0x1  }
0x17: {  	s4 =	simm.s32 $0x1BF5;
	[smem:$0x3FB7] =	sst s0  }
0x18: {  	s0 =	sld [smem:$0x3F9A];
	_ =	swait.ge [sflag:s4], $0x0  }
0x19: {  	s7 =	sld [smem:$0x3F9B]  }
0x1a: {  	s8 =	sadd.s32 $0xFFFFE003, lr  }
0x1b: {  	s9 =	sadd.s32 $0xFFFFFEF7, lr;
	s5 =	simm.s32 $0xFFFFFFFF;
	p2 =	slt.u32 s8, $0xFFFFF086  }
0x1c: {  	p1 =	slt.u32 s9, $0xF7A;
	s5 =	simm.s32 @!p2 $0x0  }
0x1d: {  	s5 =	simm.s32 @p1 $0x1;
	p0 =	seq.s32 s7, s2  }
0x1e: {  	s7 =	smul.u32 @!p0 $0xF7A, s2;
	p2 =	seq.s32 @!p0 s5, $0x0  }
0x1f: {  	s9 =	smul.u32 $0xF7A, s1;
	s8 =	simm.s32 @!p0 $0x1BF5;
	p2 =	por !p2, p0  }
0x20: {  	[sflag:s8] =	ssyncset.s32 @!p0 $0xFFFFF086;
	s6 =	sadd.s32 @!p0 s3, s7;
	s7 =	simm.s32 @!p0 $0x108  }
0x21: {  	s3 =	sadd.s32 s3, s9;
	s6 =	sadd.s32 @!p0 $0x88, s6;
	s7 =	simm.s32 @p2 $0x1082  }
0x22: {  	[simem:s7], [sflag:s8] =	dma.local @!p0 [hbm:s6], $0xF7A  }
0x23: {  	s9 =	sor.u32 $0xD0000000, s2;
	s6 =	simm.s32 $0x108;
	_ =	swait.ge @!p0 [sflag:s8], $0x0  }
0x24: {  	s3 =	sadd.s32 $0x88, s3;
	s6 =	simm.s32 @!p1 $0x1082;
	[sflag:s4] =	ssyncset.s32 $0xFFFFF086  }
0x25: {  	[simem:s6], [sflag:s4] =	dma.local [hbm:s3], $0xF7A  }
0x26: {  	[smem:$0x3F9B] =	sst s1;
	(tag) =	ssettag s2;
	_ =	strace s9  }
0x27: {  	s1 =	sld [smem:$0x3FAB]  }
0x28: {  	s2 =	sld [smem:$0x3FAC]  }
0x29: {  	s4 =	sld [smem:$0x3FAE]  }
0x2a: {  	p0 =	seq.s32 s5, $0x0;
	s5 =	sld [smem:$0x3FAF]  }
0x2b: {  	s6 =	sld [smem:$0x3FB0]  }
0x2c: {  	s7 =	sld [smem:$0x3FB1]  }
0x2d: {  	s3 =	simm.s32 $0x108;
	s8 =	sld [smem:$0x3FB2]  }
0x2e: {  	s3 =	simm.s32 @!p0 $0x1082;
	s9 =	sld [smem:$0x3FB3]  }
0x2f: {  	lr =	sadd.s32 s0, s3;
	s0 =	sld [smem:$0x3FAA]  }
0x30: {  	s3 =	sld [smem:$0x3FAD]  }
0x31: {  	[smem:$0x3FB6] =	sst s10  }
0x32: {  	s10 =	sld [smem:$0x3FB4];
	_ =	sdelay $0x3  }
0x33: {  	p0 =	seq.s32 s10, $0x1;
	s10 =	sld [smem:$0x3FB6];
	_ =	sdelay $0x3  }
0x34: {  	[smem:$0x3FB6] =	sst s10  }
0x35: {  	s10 =	sld [smem:$0x3FB5];
	_ =	sdelay $0x3  }
0x36: {  	p1 =	seq.s32 s10, $0x1;
	s10 =	sld [smem:$0x3FB6];
	_ =	sdelay $0x3  }
0x37: {  	[smem:$0x3FB6] =	sst s10  }
0x38: {  	s10 =	sld [smem:$0x3FB7]  }
0x39: {  	_ = 	snop;
	(pc) =	sbr.ind lr, $3  }
0x3a: {  	_ = 	snop  }
0x3b: {  	_ = 	snop  }
0x3c: {  	p2 =	seq.s32 s10, $0x1;
	s10 =	sld [smem:$0x3FB6]  }
0x3d: {  	_ =	shalt  }
0x3e: {  	_ =	shalt  }
0x3f: {  	_ =	shalt  }
0x40: {  	_ =	shalt  }
0x41: {  	_ =	shalt  }
0x42: {  	_ =	shalt  }
0x43: {  	_ =	shalt  }
0x44: {  	_ =	shalt  }
0x45: {  	_ =	shalt  }
0x46: {  	_ =	shalt  }
0x47: {  	_ =	shalt  }
0x48: {  	_ =	shalt  }
0x49: {  	_ =	shalt  }
0x4a: {  	_ =	shalt  }
0x4b: {  	_ =	shalt  }
0x4c: {  	_ =	shalt  }
0x4d: {  	_ =	shalt  }
0x4e: {  	_ =	shalt  }
0x4f: {  	_ =	shalt  }
0x50: {  	_ =	shalt  }
0x51: {  	_ =	shalt  }
0x52: {  	_ =	shalt  }
0x53: {  	_ =	shalt  }
0x54: {  	_ =	shalt  }
0x55: {  	_ =	shalt  }
0x56: {  	_ =	shalt  }
0x57: {  	_ =	shalt  }
0x58: {  	_ =	shalt  }
0x59: {  	_ =	shalt  }
0x5a: {  	_ =	shalt  }
0x5b: {  	_ =	shalt  }
0x5c: {  	_ =	shalt  }
0x5d: {  	_ =	shalt  }
0x5e: {  	_ =	shalt  }
0x5f: {  	_ =	shalt  }
0x60: {  	_ =	shalt  }
0x61: {  	_ =	shalt  }
0x62: {  	_ =	shalt  }
0x63: {  	_ =	shalt  }
0x64: {  	_ =	shalt  }
0x65: {  	_ =	shalt  }
0x66: {  	_ =	shalt  }
0x67: {  	_ =	shalt  }
0x68: {  	_ =	shalt  }
0x69: {  	_ =	shalt  }
0x6a: {  	_ =	shalt  }
0x6b: {  	_ =	shalt  }
0x6c: {  	_ =	shalt  }
0x6d: {  	_ =	shalt  }
0x6e: {  	_ =	shalt  }
0x6f: {  	_ =	shalt  }
0x70: {  	_ =	shalt  }
0x71: {  	_ =	shalt  }
0x72: {  	_ =	shalt  }
0x73: {  	_ =	shalt  }
0x74: {  	_ =	shalt  }
0x75: {  	_ =	shalt  }
0x76: {  	_ =	shalt  }
0x77: {  	_ =	shalt  }
0x78: {  	_ =	shalt  }
0x79: {  	_ =	shalt  }
0x7a: {  	_ =	shalt  }
0x7b: {  	_ =	shalt  }
0x7c: {  	_ =	shalt  }
0x7d: {  	_ =	shalt  }
0x7e: {  	_ =	shalt  }
0x7f: {  	_ =	shalt  }
0x80: {  	_ =	shalt  }
0x81: {  	_ =	shalt  }
0x82: {  	_ =	shalt  }
0x83: {  	_ =	shalt  }
0x84: {  	_ =	shalt  }
0x85: {  	_ =	shalt  }
0x86: {  	_ =	shalt  }
0x87: {  	_ =	shalt  }
.Lfunc_end0:
.L_simem_size_0:
called_computation_lowered:
.L_overlay_start_0:
0x88: {  	s2 =	sld [smem:$0x3FD9]  }
0x89: {  	s3 =	sld [smem:$0x3FFE];
	_ =	sdelay $0x1  }
0x8a: {  	s1 =	srdreg.scid  }
0x8b: {  	s0 =	sand.u32 $0x1, s1  }
0x8c: {  	s17 =	sshll.u32 s0, $0xA;
	s2 =	sadd.s32 s3, s2  }
0x8d: {  	s2 =	sadd.s32 s2, s17  }
0x8e: {  	[smem:$0x3FC2] =	sst s2  }
0x8f: {  	_ = 	snop  }
0x90: {  	s2 =	sld [smem:$0x3FD0];
	(tm) =	ssettm $0x1  }
0x91: {  	s18 =	sld [smem:$0x3FFB];
	_ =	sdelay $0x3  }
0x92: {  	_ =	strace s18  }
0x93: {  	s3 =	sld [smem:$0x3FFC];
	_ =	sdelay $0x3  }
0x94: {  	_ =	strace s3  }
0x95: {  	s3 =	sld [smem:$0x3FFD];
	_ =	sdelay $0x3  }
0x96: {  	_ =	strace s3  }
0x97: {  	_ =	strace $0x8FFFFFFF  }
0x98: {  	s19 =	sld [smem:$0x3FDB];
	_ =	sdelay $0x1  }
0x99: {  	s4 =	simm.s32 $_scs_section_size  }
0x9a: {  	s5 =	simm.s32 $_size__tile_overlayer_lowered;
	s6 =	simm.s32 $_tile_overlayer_lowered  }
0x9b: {  	s22 =	simm.s32 $0x1BFF;
	s21 =	sshll.u32 s6, $0x1;
	s3 =	sadd.s32 s4, s19  }
0x9c: {  	s7 =	simm.s32 $0x0;
	s20 =	sshll.u32 s5, $0x1;
	s5 =	sadd.s32 s21, s3  }
0x9d: {  	[timem:s7], [sflag:s22] =	dma.local [hbm:s5], s20  }
0x9e: {  	_ =	swait.ge [sflag:s22], s20  }
0x9f: {  	s4 =	ssub.s32 $0x0, s20;
	[sflag:s22] =	ssyncset.done $0x0  }
0xa0: {  	[sflag:s22] =	ssyncadd.s32 s4;
	_ =	sdelay $0x1  }
0xa1: {  	s23 =	simm.s32 $0x1B8B  }
0xa2: {  	_ =	swait.ge [sflag:s23], $0x1  }
0xa3: {  	[sflag:s23] =	ssyncset.done $0x0  }
0xa4: {  	s25 =	simm.s32 $0x1B8E;
	s24 =	sld [smem:$0x3FFE];
	[sflag:s23] =	ssyncadd.s32 $0xFFFFFFFF  }
0xa5: {  	s26 =	simm.s32 $execute0_lowered;
	[smem:$0x3FD2] =	sst s25  }
0xa6: {  	s5 =	sshll.u32 s26, $0x1;
	_ =	strace $0x80000046;
	[dreg:$0x1] =	wrdreg $0xFFFFFFFF  }
0xa7: {  	s28 =	simm.s32 $_size_execute0_lowered;
	s3 =	sadd.s32 s3, s5;
	[dreg:$0x0] =	wrdreg $0x0  }
0xa8: {  	s5 =	sshll.u32 s28, $0x1;
	[dreg:$0x2] =	wrdreg s3  }
0xa9: {  	[dreg:$0x3] =	wrdreg s5  }
0xaa: {  	[dreg:$0x4] =	wrdreg $0xC0  }
0xab: {  	_ =	task [dreg:s7], $0x5FFFF  }
0xac: {  	[dreg:$0x1] =	wrdreg $0xFFFFFFFF  }
0xad: {  	[dreg:$0x0] =	wrdreg $0x60  }
0xae: {  	[dreg:$0x2] =	wrdreg s24  }
0xaf: {  	[dreg:$0x3] =	wrdreg s2  }
0xb0: {  	[dreg:$0x4] =	wrdreg $0x2B000  }
0xb1: {  	[dreg:$0x5] =	wrdreg $0x9  }
0xb2: {  	_ =	task.clear_ibuf [dreg:s7], $0x6FFFF;
	_ =	strace $0x90000046  }
0xb3: {  	s29 =	simm.s32 $0x9;
	_ =	strace $0x80000048  }
0xb4: {  	_ =	swait.ge [sflag:s29], $0x1  }
0xb5: {  	[sflag:s29] =	ssyncadd.s32 $0xFFFFFFFF  }
0xb6: {  	_ =	strace $0x90000048  }
0xb7: {  	_ =	sfence  }
0xb8: {  	s30 =	sld [smem:$0x0];
	_ =	sdelay $0x2  }
0xb9: {  	s31 =	sshll.u32 s1, $0xD;
	s1 =	sshrl.u32 s1, $0x2  }
0xba: {  	s3 =	sand.u32 $0x4000, s31;
	s1 =	sadd.s32 s1, s30  }
0xbb: {  	s0 =	sor.u32 s3, s0;
	s1 =	sshll.u32 s1, $0x11  }
0xbc: {  	s0 =	sor.u32 s1, s0  }
0xbd: {  	s0 =	sadd.s32 $0x8F2B, s0  }
0xbe: {  	[sflag:s0] =	ssyncadd.remote.s32 $0x1  }
0xbf: {  	_ =	sfence.sel $0xFFFF  }
0xc0: {  	[dreg:$0x0] =	wrdreg $0xFFFFFFFF;
	(pc) =	sbr.abs _section_cstart, $3  }
0xc1: {  	[dreg:$0x1] =	wrdreg $0xFFFFFFFF  }
0xc2: {  	_ =	task.clear_ibuf [dreg:s7], $0x2FFFF;
	_ =	strace $0x9FFFFFFF  }
0xc3: {  	(tm) =	ssettm $0x7FFFFFFF  }
tec
execute0_lowered:
.L_overlay_start_1:
0x0: {  	(tag) =	ssettag $0x1  }
0x1: {  	s4 =	rddreg [dreg:$0x0]  }
0x2: {  	s6 =	rddreg [dreg:$0x1]  }
0x3: {  	s2 =	rddreg [dreg:$0x2]  }
0x4: {  	s0 =	rddreg [dreg:$0x3]  }
0x5: {  	s1 =	stileid.u32;
	s5 =	srdreg.scid  }
0x6: {  	s3 =	simm.s32 $0x0;
	s11 =	simm.s32 $0x2800;
	s14 =	simm.s32 $0x0  }
0x7: {  	s7 =	smul.u32 $0x500, s1;
	s10 =	sand.u32 $0x1, s5;
	[smem:$0x7FF] =	sst s3  }
0x8: {  	s8 =	smul.u32 $0x280, s1;
	s5 =	ssub.s32 $0x2, s10;
	_ =	strace $0x80000047  }
0x9: {  	p0 =	sne.s32 s10, $0x0;
	s10 =	simm.s32 $0x80;
	s7 =	sadd.s32 s7, s4  }
0xa: {  	s31 =	sshrl.u32 s5, $0x1;
	s4 =	sadd.s32 s8, s2;
	s8 =	sshrl.u32 s8, $0x3  }
0xb: {  	s12 =	sshll.u32 @!p0 s1, $0x6;
	s9 =	ssub.s32 s5, s31;
	s5 =	sadd.s32 $0x8600, s7  }
0xc: {  	s6 =	sadd.s32 s6, s8;
	s8 =	simm.s32 $0x2880;
	s12 =	sor.u32 @!p0 $0x1C01, s12  }
0xd: {  	v0 =	vimm.f32 $0.0e+00;
	v1 =	vimm.f32 $1.000000000e+00;
	s13 =	sshrl.u32 @!p0 s4, $0x3;
	s7 =	smax.u32 s9, $0x1;
	s9 =	simm.s32 $0x1  }
.LBB2_1:
0xe: {  	[tilespmem:$0x2880] =	vst v0  }
0xf: {  	[tilespmem:$0x2890] =	vst v0  }
0x10: {  	[tilespmem:$0x28A0] =	vst v0  }
0x11: {  	[tilespmem:$0x28B0] =	vst v0  }
0x12: {  	[tilespmem:$0x28C0] =	vst v0  }
0x13: {  	[tilespmem:$0x28D0] =	vst v0  }
0x14: {  	[tilespmem:$0x28E0] =	vst v0  }
0x15: {  	[tilespmem:$0x28F0] =	vst v0  }
0x16: {  	[tilespmem:$0x2900] =	vst v0  }
0x17: {  	[tilespmem:$0x2910] =	vst v0  }
0x18: {  	[tilespmem:$0x2920] =	vst v0  }
0x19: {  	[tilespmem:$0x2930] =	vst v0  }
0x1a: {  	[tilespmem:$0x2940] =	vst v0  }
0x1b: {  	[tilespmem:$0x2950] =	vst v0  }
0x1c: {  	[tilespmem:$0x2960] =	vst v0  }
0x1d: {  	[tilespmem:$0x2970] =	vst v0  }
0x1e: {  	[tilespmem:$0x2980] =	vst v0  }
0x1f: {  	[tilespmem:$0x2990] =	vst v0  }
0x20: {  	[tilespmem:$0x29A0] =	vst v0  }
0x21: {  	[tilespmem:$0x29B0] =	vst v0  }
0x22: {  	[tilespmem:$0x29C0] =	vst v0  }
0x23: {  	[tilespmem:$0x29D0] =	vst v0  }
0x24: {  	[tilespmem:$0x29E0] =	vst v0  }
0x25: {  	[tilespmem:$0x29F0] =	vst v0  }
0x26: {  	[tilespmem:$0x2A00] =	vst v0  }
0x27: {  	[tilespmem:$0x2A10] =	vst v0  }
0x28: {  	[tilespmem:$0x2A20] =	vst v0  }
0x29: {  	[tilespmem:$0x2A30] =	vst v0  }
0x2a: {  	[tilespmem:$0x2A40] =	vst v0  }
0x2b: {  	[tilespmem:$0x2A50] =	vst v0  }
0x2c: {  	[tilespmem:$0x2A60] =	vst v0  }
0x2d: {  	[tilespmem:$0x2A70] =	vst v0  }
0x2e: {  	[tilespmem:$0x2A80] =	vst v0  }
0x2f: {  	[tilespmem:$0x2A90] =	vst v0  }
0x30: {  	[tilespmem:$0x2AA0] =	vst v0  }
0x31: {  	[tilespmem:$0x2AB0] =	vst v0  }
0x32: {  	[tilespmem:$0x2AC0] =	vst v0  }
0x33: {  	[tilespmem:$0x2AD0] =	vst v0  }
0x34: {  	[tilespmem:$0x2AE0] =	vst v0  }
0x35: {  	[tilespmem:$0x2AF0] =	vst v0  }
0x36: {  	[tilespmem:$0x2800] =	vst v1  }
0x37: {  	[tilespmem:$0x2810] =	vst v1  }
0x38: {  	[tilespmem:$0x2820] =	vst v1  }
0x39: {  	[tilespmem:$0x2830] =	vst v1  }
0x3a: {  	[tilespmem:$0x2840] =	vst v1  }
0x3b: {  	[tilespmem:$0x2850] =	vst v1  }
0x3c: {  	[tilespmem:$0x2860] =	vst v1  }
0x3d: {  	[tilespmem:$0x2870] =	vst v1  }
0x3e: {  	[spmem:s4] =	stream.linear.scatter [tilespmem:s8], [sflag:$0x1], $0x280, $0x38;
	[tilespmem:$0x2D80] =	vst v63  }
0x3f: {  	_ =	swait.ge [sflag:s9], $0x280  }
0x40: {  	[sflag:s9] =	ssyncset.done $0x0  }
0x41: {  	[sflag:s9] =	ssyncadd.s32 $0xFFFFFD80  }
0x42: {  	[tilespmem:s3], [sflag:$0x1] =	stream.linear.gather [hbm4b:s5+s3], $0x2800, $0x38;
	[tilespmem:$0x2D80] =	vst v63  }
0x43: {  	_ =	swait.ge [sflag:s9], $0x2800  }
0x44: {  	[sflag:s9] =	ssyncset.done $0x0  }
0x45: {  	[sflag:s9] =	ssyncadd.s32 $0xFFFFD800  }
0x46: {  	s15 =	simm.s32 $0x0;
	[bflag:$0x0] =	sbarrier.arrive $0xFFFF  }
0x47: {  	[spmem:s2] =	stream.indirect.scatter.add.f32 [tilespmem:s11], [sflag:$0x1], $0x1, s15, s10, $0xb8;
	[tilespmem:$0x2D80] =	vst v63  }
0x48: {  	_ =	swait.ge [sflag:s9], $0x80  }
0x49: {  	s15 =	simm.s32 $0x200;
	[sflag:s9] =	ssyncset.done $0x0  }
.LBB2_2:
0x4a: {  	s16 =	sshra.s32 s15, $0x2;
	[sflag:s9] =	ssyncadd.s32 $0xFFFFFF80;
	p1 =	sne.s32 s15, $0x9E00  }
0x4b: {  	[spmem:s2] =	stream.indirect.scatter.add.f32 [tilespmem:s11], [sflag:$0x1], $0x1, s16, s10, $0xb8;
	[tilespmem:$0x2D80] =	vst v63  }
.Ltmp0:
0x4c: {  	_ = 	snop;
	(pc) =	sbr.rel @p1 .LBB2_2-.Ltmp0, $4  }
0x4d: {  	_ = 	snop  }
0x4e: {  	s15 =	sadd.s32 $0x200, s15  }
0x4f: {  	_ =	swait.ge [sflag:s9], $0x80  }
0x50: {  	[sflag:s9] =	ssyncset.done $0x0  }
0x51: {  	s14 =	sadd.s32 $0x1, s14  }
0x52: {  	[sflag:s9] =	ssyncadd.s32 $0xFFFFFF80;
	p1 =	sne.s32 s14, s7  }
.Ltmp1:
0x53: {  	s15 =	simm.s32 @!p0 $0x1;
	[bflag:$0x0] =	sbarrier.arrive $0xFFFF;
	(pc) =	sbr.rel @p1 .LBB2_1-.Ltmp1, $4  }
0x54: {  	[hbm:s6], [sflag:s12] =	dma.local @!p0 [spmem:s13], $0x50  }
0x55: {  	_ =	swait.ge @!p0 [sflag:s15], $0x50  }
0x56: {  	[sflag:s15] =	ssyncset.done @!p0 $0x0  }
0x57: {  	[sflag:s15] =	ssyncadd.s32 @!p0 $0xFFFFFFB0  }
0x58: {  	_ =	sfence.sel $0x180000  }
0x59: {  	[bflag:$0x0] =	sbarrier.arrive $0xFFFF  }
0x5a: {  	p0 =	sne.s32 s1, $0x0;
	_ =	strace $0x90000047  }
0x5b: {  	s0 =	sadd.s32 @!p0 $0x100000, s0;
	[bflag:$0x2] =	sbarrier.arrive $0xFFFF  }
0x5c: {  	[sflag:s0] =	ssyncadd.tile.s32 @!p0 $0x1;
	_ =	shalt  }
.Lfunc_end2:
_tile_overlayer_lowered:
.L_overlay_start_2:
0x5d: {  	(tag) =	ssettag $0x2  }
0x5e: {  	s0 =	rddreg [dreg:$0x0];
	s2 =	stileid.u32  }
0x5f: {  	s1 =	rddreg [dreg:$0x1];
	p0 =	sne.s32 s2, $0x0  }
0x60: {  	s3 =	rddreg [dreg:$0x2];
	[bflag:$0x3] =	sbarrier.arrive $0xFFFF;
	s2 =	simm.s32 @!p0 $0x1C01  }
0x61: {  	[timem:s3], [sflag:s2] =	dma.local @!p0 [hbm:s0], s1  }
0x62: {  	s0 =	simm.s32 @!p0 $0x1  }
0x63: {  	_ =	swait.ge @!p0 [sflag:s0], s1  }
0x64: {  	s1 =	ssub.s32 @!p0 $0x0, s1;
	[sflag:s0] =	ssyncset.done @!p0 $0x0  }
0x65: {  	[sflag:s0] =	ssyncadd.s32 @!p0 s1  }
0x66: {  	[bflag:$0x3] =	sbarrier.arrive $0xFFFF  }
0x67: {  	_ =	shalt  }

</sc_bundles>
